<compile_context>
chip_gen: v7x
topology: tpu7x:2x2x1
jax: 0.10.2.dev20260603
libtpu: 0.0.44.dev20260713+nightly
codegen_flags: <defaults>
</compile_context>

<pallas_src>
import functools

import jax
import jax.numpy as jnp
from jax import lax
from jax.experimental import pallas as pl
from jax.experimental.pallas import tpu as pltpu
from jax.experimental.pallas import tpu_sc as plsc

TOPK = 2
BM = 512
NLANE = 128
NEG = -1e30

SC_CORES = 2
SC_SUBCORES = 16
NW = SC_CORES * SC_SUBCORES


def _gelu_exact(v):
    return v * 0.5 * (1.0 + lax.erf(v * 0.7071067811865476))


def _router_body(x_ref, rw_ref, idx_ref, w_ref, *, n_exp):
    logits = lax.dot_general(
        x_ref[...], rw_ref[...], (((1,), (1,)), ((), ())),
        preferred_element_type=jnp.float32)
    lane = lax.broadcasted_iota(jnp.int32, logits.shape, 1)
    l = jnp.where(lane < n_exp, logits, NEG)
    m1 = jnp.max(l, axis=1, keepdims=True)
    i1 = jnp.min(jnp.where(l == m1, lane, NLANE - 1), axis=1, keepdims=True)
    l2 = jnp.where(lane == i1, NEG, l)
    m2 = jnp.max(l2, axis=1, keepdims=True)
    i2 = jnp.min(jnp.where(l2 == m2, lane, NLANE - 1), axis=1, keepdims=True)
    s = jnp.exp(m2 - m1)
    w0 = 1.0 / (1.0 + s)
    w1 = s / (1.0 + s)
    idx_ref[...] = jnp.where(lane == 0, i1, i2)
    w_ref[...] = jnp.where(lane == 0, w0, w1)


def _router(x_flat, router_w):
    n, d = x_flat.shape
    n_exp = router_w.shape[0]
    rw_pad = jnp.zeros((NLANE, d), jnp.float32).at[:n_exp].set(router_w)
    bm = 512
    idx, w = pl.pallas_call(
        functools.partial(_router_body, n_exp=n_exp),
        grid=(n // bm,),
        in_specs=[
            pl.BlockSpec((bm, d), lambda i: (i, 0)),
            pl.BlockSpec((NLANE, d), lambda i: (0, 0)),
        ],
        out_specs=[
            pl.BlockSpec((bm, NLANE), lambda i: (i, 0)),
            pl.BlockSpec((bm, NLANE), lambda i: (i, 0)),
        ],
        out_shape=[
            jax.ShapeDtypeStruct((n, NLANE), jnp.int32),
            jax.ShapeDtypeStruct((n, NLANE), jnp.float32),
        ],
    )(x_flat, rw_pad)
    return idx[:, 0], idx[:, 1], w[:, 0], w[:, 1]


def _bookkeeping(idx0, idx1, w0, w1, n_exp, nb):
    p = idx0.shape[0] * TOPK
    e = jnp.stack([idx0, idx1], axis=1).reshape(-1)
    oh = (e[:, None] == jnp.arange(n_exp)[None, :]).astype(jnp.float32)
    g = 128
    ng = p // g
    oh3 = oh.reshape(ng, g, n_exp)
    r1 = jnp.arange(g)
    lt_g = (r1[:, None] > r1[None, :]).astype(jnp.float32)
    intra = jnp.einsum("ij,gjk->gik", lt_g, oh3)
    gsum = oh3.sum(axis=1)
    r2 = jnp.arange(ng)
    lt_ng = (r2[:, None] > r2[None, :]).astype(jnp.float32)
    gpre = jnp.matmul(lt_ng, gsum,
                      precision=lax.Precision.HIGHEST)
    cnt = (intra + gpre[:, None, :]).reshape(p, n_exp)
    rank = jnp.sum(oh * cnt, axis=1)
    counts = gsum.sum(axis=0)
    padded_counts = jnp.ceil(counts / BM) * BM
    padded_end = jnp.cumsum(padded_counts)
    padded_start = padded_end - padded_counts
    dest = jnp.sum(oh * padded_start[None, :], axis=1) + rank
    token_src = jnp.arange(p, dtype=jnp.int32) // TOPK
    wpair = jnp.stack([w0, w1], axis=1).reshape(-1)
    bstart = (jnp.arange(nb) * BM).astype(jnp.float32)
    block_expert = jnp.minimum(
        jnp.sum((bstart[:, None] >= padded_end[None, :]).astype(jnp.int32),
                axis=1), n_exp - 1).astype(jnp.int32)
    return dest.astype(jnp.int32), token_src, wpair, block_expert


def _sc_dispatch(x_flat, token_src, dest, wpair, np_rows):
    n, d = x_flat.shape
    p = token_src.shape[0]
    per_w = p // NW
    chunk = 64
    nch = per_w // chunk
    mesh = plsc.VectorSubcoreMesh(
        core_axis_name="c", subcore_axis_name="s",
        num_cores=SC_CORES, num_subcores=SC_SUBCORES)

    @functools.partial(
        pl.kernel,
        out_type=[
            jax.ShapeDtypeStruct((np_rows, d), jnp.float32),
            jax.ShapeDtypeStruct((np_rows,), jnp.float32),
        ],
        mesh=mesh,
        scratch_types=[
            pltpu.VMEM((chunk,), jnp.int32),
            pltpu.VMEM((chunk,), jnp.int32),
            pltpu.VMEM((chunk, d), jnp.float32),
            pltpu.VMEM((chunk,), jnp.float32),
            pltpu.SemaphoreType.DMA,
            pltpu.SemaphoreType.DMA,
        ],
    )
    def dispatch(x_hbm, tok_hbm, dest_hbm, wpair_hbm, xg_hbm, wpad_hbm,
                 tok_v, dst_v, rows_v, wrow_v, sem_g, sem_s):
        wid = lax.axis_index("s") * SC_CORES + lax.axis_index("c")
        base0 = wid * per_w
        for c in range(nch):
            base = base0 + c * chunk
            pltpu.sync_copy(tok_hbm.at[pl.ds(base, chunk)], tok_v)
            pltpu.sync_copy(dest_hbm.at[pl.ds(base, chunk)], dst_v)
            pltpu.sync_copy(wpair_hbm.at[pl.ds(base, chunk)], wrow_v)
            pltpu.async_copy(x_hbm.at[tok_v], rows_v, sem_g).wait()
            pltpu.async_copy(rows_v, xg_hbm.at[dst_v], sem_s).wait()
            pltpu.async_copy(wrow_v, wpad_hbm.at[dst_v], sem_s).wait()

    return dispatch(x_flat, token_src, dest, wpair)


def _sc_combine(y, dest0, dest1):
    np_rows, d = y.shape
    n = dest0.shape[0]
    per_w = n // NW
    chunk = 32
    nch = per_w // chunk
    mesh = plsc.VectorSubcoreMesh(
        core_axis_name="c", subcore_axis_name="s",
        num_cores=SC_CORES, num_subcores=SC_SUBCORES)

    @functools.partial(
        pl.kernel,
        out_type=jax.ShapeDtypeStruct((2, n, d), jnp.float32),
        mesh=mesh,
        scratch_types=[
            pltpu.VMEM((chunk,), jnp.int32),
            pltpu.VMEM((chunk,), jnp.int32),
            pltpu.VMEM((chunk, d), jnp.float32),
            pltpu.VMEM((chunk, d), jnp.float32),
            pltpu.SemaphoreType.DMA,
        ],
    )
    def combine(y_hbm, d0_hbm, d1_hbm, out_hbm,
                d0_v, d1_v, rows_a, rows_b, sem):
        wid = lax.axis_index("s") * SC_CORES + lax.axis_index("c")
        base0 = wid * per_w
        for c in range(nch):
            base = base0 + c * chunk
            pltpu.sync_copy(d0_hbm.at[pl.ds(base, chunk)], d0_v)
            pltpu.sync_copy(d1_hbm.at[pl.ds(base, chunk)], d1_v)
            pltpu.async_copy(y_hbm.at[d0_v], rows_a, sem).wait()
            pltpu.async_copy(y_hbm.at[d1_v], rows_b, sem).wait()
            pltpu.sync_copy(rows_a, out_hbm.at[0, pl.ds(base, chunk)])
            pltpu.sync_copy(rows_b, out_hbm.at[1, pl.ds(base, chunk)])

    return combine(y, dest0, dest1)


def _add_body(a_ref, b_ref, o_ref):
    o_ref[...] = a_ref[...] + b_ref[...]


def _tc_add(a, b):
    n, d = a.shape
    bm = 512
    return pl.pallas_call(
        _add_body,
        grid=(n // bm,),
        in_specs=[
            pl.BlockSpec((bm, d), lambda i: (i, 0)),
            pl.BlockSpec((bm, d), lambda i: (i, 0)),
        ],
        out_specs=pl.BlockSpec((bm, d), lambda i: (i, 0)),
        out_shape=jax.ShapeDtypeStruct((n, d), jnp.float32),
    )(a, b)


def _ffn_body(se_ref, xg_ref, w1_ref, w2_ref, wp_ref, y_ref, *, nj):
    j = pl.program_id(1)
    xb = xg_ref[...]
    h = lax.dot_general(xb, w1_ref[0], (((1,), (1,)), ((), ())),
                        preferred_element_type=jnp.float32)
    h = _gelu_exact(h)
    part = lax.dot_general(h, w2_ref[0], (((1,), (1,)), ((), ())),
                           preferred_element_type=jnp.float32)

    @pl.when(j == 0)
    def _():
        y_ref[...] = part

    @pl.when(j > 0)
    def _():
        y_ref[...] += part

    @pl.when(j == nj - 1)
    def _():
        y_ref[...] *= wp_ref[0, 0, :][:, None]


def _ffn(xg, wpad, w1, w2, block_expert):
    np_rows, d = xg.shape
    n_exp, ff, _ = w1.shape
    nb = np_rows // BM
    nj = 4
    bf = ff // nj
    wpad3 = wpad.reshape(nb, 1, BM)
    grid_spec = pltpu.PrefetchScalarGridSpec(
        num_scalar_prefetch=1,
        grid=(nb, nj),
        in_specs=[
            pl.BlockSpec((BM, d), lambda i, j, se: (i, 0)),
            pl.BlockSpec((1, bf, d), lambda i, j, se: (se[i], j, 0)),
            pl.BlockSpec((1, d, bf), lambda i, j, se: (se[i], 0, j)),
            pl.BlockSpec((1, 1, BM), lambda i, j, se: (i, 0, 0)),
        ],
        out_specs=pl.BlockSpec((BM, d), lambda i, j, se: (i, 0)),
    )
    return pl.pallas_call(
        functools.partial(_ffn_body, nj=nj),
        grid_spec=grid_spec,
        out_shape=jax.ShapeDtypeStruct((np_rows, d), jnp.float32),
    )(block_expert, xg, w1, w2, wpad3)


def kernel(x, router_w, w1, w2):
    b, t, d = x.shape
    n_exp, ff, _ = w1.shape
    n = b * t
    x_flat = x.reshape(n, d)
    nb = (n * TOPK) // BM + n_exp
    np_rows = nb * BM

    idx0, idx1, gw0, gw1 = _router(x_flat, router_w)
    dest, token_src, wpair, block_expert = _bookkeeping(
        idx0, idx1, gw0, gw1, n_exp, nb)
    xg, wpad = _sc_dispatch(x_flat, token_src, dest, wpair, np_rows)
    y = _ffn(xg, wpad, w1, w2, block_expert)
    dest0 = dest[0::TOPK]
    dest1 = dest[1::TOPK]
    ab = _sc_combine(y, dest0, dest1)
    out = _tc_add(ab[0], ab[1])
    return out.reshape(b, t, d)

# --- scband reference (transcript-rebuilt; emitter-appended) ---
"""Pipeline reference for scband-mo-efeed-forward-36910948942382 (READ-ONLY COPY).

The authoritative reference and input builder live on the scoring server;
editing this copy changes nothing except your own understanding.
"""

import jax, jax.numpy as jnp
import numpy as np

B, T, DIM, FF, E, TOPK = 2, 2048, 1024, 4096, 8, 2

def setup_inputs(seed: int = 0) -> dict:
    key = jax.random.key(seed)
    k1, k2, k3, k4 = jax.random.split(key, 4)
    x = jax.random.normal(k1, (B, T, DIM), dtype=jnp.float32)
    router_w = jax.random.normal(k2, (E, DIM), dtype=jnp.float32) * 0.02
    w1 = jax.random.normal(k3, (E, FF, DIM), dtype=jnp.float32) * 0.02
    w2 = jax.random.normal(k4, (E, DIM, FF), dtype=jnp.float32) * 0.02
    return {"x": x, "router_w": router_w, "w1": w1, "w2": w2}

def reference(x, router_w, w1, w2):
    Bx, Tx, D = x.shape
    x_flat = x.reshape(-1, D)
    # Stage 1: gate_and_sort
    logits = x_flat @ router_w.T
    topk_vals, topk_idx = jax.lax.top_k(logits, TOPK)
    topk_w = jax.nn.softmax(topk_vals.astype(jnp.float32), axis=-1).astype(x.dtype)
    indices_flat = topk_idx.reshape(-1)
    weights_flat = topk_w.reshape(-1)
    sort_idx = jnp.argsort(indices_flat)
    expert_sorted = indices_flat[sort_idx]
    src = jnp.repeat(jnp.arange(x_flat.shape[0]), TOPK)
    rev_map = src[sort_idx]
    sorted_w = weights_flat[sort_idx]
    permuted = x_flat[rev_map]
    counts = jnp.bincount(expert_sorted, length=E)
    # Stage 2/4: world_size == 1 -> dispatch/combine are identity
    # Stage 3: batched expert computation on contiguous expert slices
    x_out = jnp.zeros((permuted.shape[0], D), dtype=x.dtype)
    for e in range(E):
        h = jax.nn.gelu(permuted @ w1[e].T, approximate=False)
        y = h @ w2[e].T
        x_out = jnp.where((expert_sorted == e)[:, None], y, x_out)
    # Stage 5: un-permute (STANDARD path: weighted scatter-add)
    x_out = x_out * sorted_w[:, None]
    out = jnp.zeros((Bx * Tx, D), dtype=x.dtype).at[rev_map].add(x_out)
    return out.reshape(Bx, Tx, D)

if __name__ == "__main__":
    import jax
    _d = setup_inputs()
    print(jax.jit(kernel)(*tuple(_d.values())))

</pallas_src>

<mosaic_0001>
#map = affine_map<(d0, d1) -> (0, 0)>
#map1 = affine_map<(d0, d1) -> (0)>
#map2 = affine_map<(d0, d1) -> (0, 0, 0)>
module attributes {stable_mosaic.version = 14 : i64} {
  func.func @combine(%arg0: i32, %arg1: i32, %arg2: memref<12288x1024xf32, #tpu.memory_space<hbm>>, %arg3: memref<4096xi32, #tpu.memory_space<hbm>>, %arg4: memref<4096xi32, #tpu.memory_space<hbm>>, %arg5: memref<2x4096x1024xf32, #tpu.memory_space<hbm>>, %arg6: memref<32xi32, #tpu.memory_space<vmem>>, %arg7: memref<32xi32, #tpu.memory_space<vmem>>, %arg8: memref<32x1024xf32, #tpu.memory_space<vmem>>, %arg9: memref<32x1024xf32, #tpu.memory_space<vmem>>, %arg10: memref<!tpu.dma_semaphore, #tpu.memory_space<semaphore_mem>>) attributes {dimension_semantics = [#tpu.dimension_semantics<core_parallel>, #tpu.dimension_semantics<subcore_parallel>], iteration_bounds = array<i64: 2, 16>, scalar_prefetch = 0 : i64, scratch_operands = 5 : i64, tpu.core_type = #tpu.core_type<sc_vector_subcore>, window_params = [{transform_indices = #map}, {transform_indices = #map1}, {transform_indices = #map1}, {transform_indices = #map2}]} {
    %mul3A = arith.constant 2 : i32
    %mul3A_0 = arith.muli %arg1, %mul3A : i32
    %add3A = arith.addi %mul3A_0, %arg0 : i32
    %mul3A_1 = arith.constant 128 : i32
    %mul3A_2 = arith.muli %add3A, %mul3A_1 : i32
    %add3A_3 = arith.constant 0 : i32
    %add3A_4 = arith.addi %mul3A_2, %add3A_3 : i32
    "tpu.region"() ({
      %run_scoped3A_64 = tpu.sem_alloc : memref<!tpu.dma_semaphore, #tpu.memory_space<semaphore_mem>>
      %dma_start3A_65 = tpu.memref_slice %arg3[%add3A_4] : memref<4096xi32, #tpu.memory_space<hbm>> -> memref<32xi32, #tpu.memory_space<hbm>>
      %dma_start3A_66 = tpu.memref_slice %arg3[%add3A_4] : memref<4096xi32, #tpu.memory_space<hbm>> -> memref<32xi32, #tpu.memory_space<hbm>>
      tpu.enqueue_dma source(%dma_start3A_66 : memref<32xi32, #tpu.memory_space<hbm>>) target(%arg6 : memref<32xi32, #tpu.memory_space<vmem>>) target_semaphore(%run_scoped3A_64 : memref<!tpu.dma_semaphore, #tpu.memory_space<semaphore_mem>>)
      %dma_wait3A_67 = tpu.memref_slice %arg3[%add3A_4] : memref<4096xi32, #tpu.memory_space<hbm>> -> memref<32xi32, #tpu.memory_space<hbm>>
      %dma_wait3A_68 = tpu.memref_slice %arg3[%add3A_4] : memref<4096xi32, #tpu.memory_space<hbm>> -> memref<32xi32, #tpu.memory_space<hbm>>
      tpu.wait_dma2 semaphore(%run_scoped3A_64 : memref<!tpu.dma_semaphore, #tpu.memory_space<semaphore_mem>>) src(%dma_wait3A_68 : memref<32xi32, #tpu.memory_space<hbm>>) dst(%arg6 : memref<32xi32, #tpu.memory_space<vmem>>)
      tpu.yield
    }) : () -> ()
    "tpu.region"() ({
      %run_scoped3A_64 = tpu.sem_alloc : memref<!tpu.dma_semaphore, #tpu.memory_space<semaphore_mem>>
      %dma_start3A_65 = tpu.memref_slice %arg4[%add3A_4] : memref<4096xi32, #tpu.memory_space<hbm>> -> memref<32xi32, #tpu.memory_space<hbm>>
      %dma_start3A_66 = tpu.memref_slice %arg4[%add3A_4] : memref<4096xi32, #tpu.memory_space<hbm>> -> memref<32xi32, #tpu.memory_space<hbm>>
      tpu.enqueue_dma source(%dma_start3A_66 : memref<32xi32, #tpu.memory_space<hbm>>) target(%arg7 : memref<32xi32, #tpu.memory_space<vmem>>) target_semaphore(%run_scoped3A_64 : memref<!tpu.dma_semaphore, #tpu.memory_space<semaphore_mem>>)
      %dma_wait3A_67 = tpu.memref_slice %arg4[%add3A_4] : memref<4096xi32, #tpu.memory_space<hbm>> -> memref<32xi32, #tpu.memory_space<hbm>>
      %dma_wait3A_68 = tpu.memref_slice %arg4[%add3A_4] : memref<4096xi32, #tpu.memory_space<hbm>> -> memref<32xi32, #tpu.memory_space<hbm>>
      tpu.wait_dma2 semaphore(%run_scoped3A_64 : memref<!tpu.dma_semaphore, #tpu.memory_space<semaphore_mem>>) src(%dma_wait3A_68 : memref<32xi32, #tpu.memory_space<hbm>>) dst(%arg7 : memref<32xi32, #tpu.memory_space<vmem>>)
      tpu.yield
    }) : () -> ()
    %dma_start3A = arith.constant 0 : i32
    %dma_start3A_5 = arith.constant 0 : i32
    %dma_start3A_6 = tpu.memref_slice %arg2[%dma_start3A, %dma_start3A_5] : memref<12288x1024xf32, #tpu.memory_space<hbm>> -> memref<12288x1024xf32, #tpu.memory_space<hbm>>
    tpu.enqueue_indirect_dma source(%dma_start3A_6 : memref<12288x1024xf32, #tpu.memory_space<hbm>>) target(%arg8 : memref<32x1024xf32, #tpu.memory_space<vmem>>) offsets(%arg6 : memref<32xi32, #tpu.memory_space<vmem>>) semaphore(%arg10 : memref<!tpu.dma_semaphore, #tpu.memory_space<semaphore_mem>>)
    %dma_wait3A = arith.constant 0 : i32
    %dma_wait3A_7 = arith.constant 0 : i32
    %dma_wait3A_8 = tpu.memref_slice %arg2[%dma_wait3A, %dma_wait3A_7] : memref<12288x1024xf32, #tpu.memory_space<hbm>> -> memref<12288x1024xf32, #tpu.memory_space<hbm>>
    tpu.wait_indirect_dma semaphore(%arg10 : memref<!tpu.dma_semaphore, #tpu.memory_space<semaphore_mem>>) src(%dma_wait3A_8 : memref<12288x1024xf32, #tpu.memory_space<hbm>>) dst(%arg8 : memref<32x1024xf32, #tpu.memory_space<vmem>>)
    %dma_start3A_9 = arith.constant 0 : i32
    %dma_start3A_10 = arith.constant 0 : i32
    %dma_start3A_11 = tpu.memref_slice %arg2[%dma_start3A_9, %dma_start3A_10] : memref<12288x1024xf32, #tpu.memory_space<hbm>> -> memref<12288x1024xf32, #tpu.memory_space<hbm>>
    tpu.enqueue_indirect_dma source(%dma_start3A_11 : memref<12288x1024xf32, #tpu.memory_space<hbm>>) target(%arg9 : memref<32x1024xf32, #tpu.memory_space<vmem>>) offsets(%arg7 : memref<32xi32, #tpu.memory_space<vmem>>) semaphore(%arg10 : memref<!tpu.dma_semaphore, #tpu.memory_space<semaphore_mem>>)
    %dma_wait3A_12 = arith.constant 0 : i32
    %dma_wait3A_13 = arith.constant 0 : i32
    %dma_wait3A_14 = tpu.memref_slice %arg2[%dma_wait3A_12, %dma_wait3A_13] : memref<12288x1024xf32, #tpu.memory_space<hbm>> -> memref<12288x1024xf32, #tpu.memory_space<hbm>>
    tpu.wait_indirect_dma semaphore(%arg10 : memref<!tpu.dma_semaphore, #tpu.memory_space<semaphore_mem>>) src(%dma_wait3A_14 : memref<12288x1024xf32, #tpu.memory_space<hbm>>) dst(%arg9 : memref<32x1024xf32, #tpu.memory_space<vmem>>)
    %run_scoped3A = arith.constant 0 : i32
    "tpu.region"() ({
      %run_scoped3A_64 = tpu.sem_alloc : memref<!tpu.dma_semaphore, #tpu.memory_space<semaphore_mem>>
      %dma_start3A_65 = arith.constant 0 : i32
      %dma_start3A_66 = tpu.memref_slice %arg5[%run_scoped3A, %add3A_4, %dma_start3A_65] : memref<2x4096x1024xf32, #tpu.memory_space<hbm>> -> memref<1x32x1024xf32, #tpu.memory_space<hbm>>
      %dma_start3A_67 = tpu.memref_squeeze %dma_start3A_66 : memref<1x32x1024xf32, #tpu.memory_space<hbm>> -> memref<32x1024xf32, #tpu.memory_space<hbm>>
      %dma_start3A_68 = arith.constant 0 : i32
      %dma_start3A_69 = tpu.memref_slice %arg5[%run_scoped3A, %add3A_4, %dma_start3A_68] : memref<2x4096x1024xf32, #tpu.memory_space<hbm>> -> memref<1x32x1024xf32, #tpu.memory_space<hbm>>
      %dma_start3A_70 = tpu.memref_squeeze %dma_start3A_69 : memref<1x32x1024xf32, #tpu.memory_space<hbm>> -> memref<32x1024xf32, #tpu.memory_space<hbm>>
      tpu.enqueue_dma source(%arg8 : memref<32x1024xf32, #tpu.memory_space<vmem>>) target(%dma_start3A_70 : memref<32x1024xf32, #tpu.memory_space<hbm>>) target_semaphore(%run_scoped3A_64 : memref<!tpu.dma_semaphore, #tpu.memory_space<semaphore_mem>>)
      %dma_wait3A_71 = arith.constant 0 : i32
      %dma_wait3A_72 = tpu.memref_slice %arg5[%run_scoped3A, %add3A_4, %dma_wait3A_71] : memref<2x4096x1024xf32, #tpu.memory_space<hbm>> -> memref<1x32x1024xf32, #tpu.memory_space<hbm>>
      %dma_wait3A_73 = tpu.memref_squeeze %dma_wait3A_72 : memref<1x32x1024xf32, #tpu.memory_space<hbm>> -> memref<32x1024xf32, #tpu.memory_space<hbm>>
      %dma_wait3A_74 = arith.constant 0 : i32
      %dma_wait3A_75 = tpu.memref_slice %arg5[%run_scoped3A, %add3A_4, %dma_wait3A_74] : memref<2x4096x1024xf32, #tpu.memory_space<hbm>> -> memref<1x32x1024xf32, #tpu.memory_space<hbm>>
      %dma_wait3A_76 = tpu.memref_squeeze %dma_wait3A_75 : memref<1x32x1024xf32, #tpu.memory_space<hbm>> -> memref<32x1024xf32, #tpu.memory_space<hbm>>
      tpu.wait_dma2 semaphore(%run_scoped3A_64 : memref<!tpu.dma_semaphore, #tpu.memory_space<semaphore_mem>>) src(%arg8 : memref<32x1024xf32, #tpu.memory_space<vmem>>) dst(%dma_wait3A_76 : memref<32x1024xf32, #tpu.memory_space<hbm>>)
      tpu.yield
    }) : () -> ()
    %run_scoped3A_15 = arith.constant 1 : i32
    "tpu.region"() ({
      %run_scoped3A_64 = tpu.sem_alloc : memref<!tpu.dma_semaphore, #tpu.memory_space<semaphore_mem>>
      %dma_start3A_65 = arith.constant 0 : i32
      %dma_start3A_66 = tpu.memref_slice %arg5[%run_scoped3A_15, %add3A_4, %dma_start3A_65] : memref<2x4096x1024xf32, #tpu.memory_space<hbm>> -> memref<1x32x1024xf32, #tpu.memory_space<hbm>>
      %dma_start3A_67 = tpu.memref_squeeze %dma_start3A_66 : memref<1x32x1024xf32, #tpu.memory_space<hbm>> -> memref<32x1024xf32, #tpu.memory_space<hbm>>
      %dma_start3A_68 = arith.constant 0 : i32
      %dma_start3A_69 = tpu.memref_slice %arg5[%run_scoped3A_15, %add3A_4, %dma_start3A_68] : memref<2x4096x1024xf32, #tpu.memory_space<hbm>> -> memref<1x32x1024xf32, #tpu.memory_space<hbm>>
      %dma_start3A_70 = tpu.memref_squeeze %dma_start3A_69 : memref<1x32x1024xf32, #tpu.memory_space<hbm>> -> memref<32x1024xf32, #tpu.memory_space<hbm>>
      tpu.enqueue_dma source(%arg9 : memref<32x1024xf32, #tpu.memory_space<vmem>>) target(%dma_start3A_70 : memref<32x1024xf32, #tpu.memory_space<hbm>>) target_semaphore(%run_scoped3A_64 : memref<!tpu.dma_semaphore, #tpu.memory_space<semaphore_mem>>)
      %dma_wait3A_71 = arith.constant 0 : i32
      %dma_wait3A_72 = tpu.memref_slice %arg5[%run_scoped3A_15, %add3A_4, %dma_wait3A_71] : memref<2x4096x1024xf32, #tpu.memory_space<hbm>> -> memref<1x32x1024xf32, #tpu.memory_space<hbm>>
      %dma_wait3A_73 = tpu.memref_squeeze %dma_wait3A_72 : memref<1x32x1024xf32, #tpu.memory_space<hbm>> -> memref<32x1024xf32, #tpu.memory_space<hbm>>
      %dma_wait3A_74 = arith.constant 0 : i32
      %dma_wait3A_75 = tpu.memref_slice %arg5[%run_scoped3A_15, %add3A_4, %dma_wait3A_74] : memref<2x4096x1024xf32, #tpu.memory_space<hbm>> -> memref<1x32x1024xf32, #tpu.memory_space<hbm>>
      %dma_wait3A_76 = tpu.memref_squeeze %dma_wait3A_75 : memref<1x32x1024xf32, #tpu.memory_space<hbm>> -> memref<32x1024xf32, #tpu.memory_space<hbm>>
      tpu.wait_dma2 semaphore(%run_scoped3A_64 : memref<!tpu.dma_semaphore, #tpu.memory_space<semaphore_mem>>) src(%arg9 : memref<32x1024xf32, #tpu.memory_space<vmem>>) dst(%dma_wait3A_76 : memref<32x1024xf32, #tpu.memory_space<hbm>>)
      tpu.yield
    }) : () -> ()
    %add3A_16 = arith.constant 32 : i32
    %add3A_17 = arith.addi %mul3A_2, %add3A_16 : i32
    "tpu.region"() ({
      %run_scoped3A_64 = tpu.sem_alloc : memref<!tpu.dma_semaphore, #tpu.memory_space<semaphore_mem>>
      %dma_start3A_65 = tpu.memref_slice %arg3[%add3A_17] : memref<4096xi32, #tpu.memory_space<hbm>> -> memref<32xi32, #tpu.memory_space<hbm>>
      %dma_start3A_66 = tpu.memref_slice %arg3[%add3A_17] : memref<4096xi32, #tpu.memory_space<hbm>> -> memref<32xi32, #tpu.memory_space<hbm>>
      tpu.enqueue_dma source(%dma_start3A_66 : memref<32xi32, #tpu.memory_space<hbm>>) target(%arg6 : memref<32xi32, #tpu.memory_space<vmem>>) target_semaphore(%run_scoped3A_64 : memref<!tpu.dma_semaphore, #tpu.memory_space<semaphore_mem>>)
      %dma_wait3A_67 = tpu.memref_slice %arg3[%add3A_17] : memref<4096xi32, #tpu.memory_space<hbm>> -> memref<32xi32, #tpu.memory_space<hbm>>
      %dma_wait3A_68 = tpu.memref_slice %arg3[%add3A_17] : memref<4096xi32, #tpu.memory_space<hbm>> -> memref<32xi32, #tpu.memory_space<hbm>>
      tpu.wait_dma2 semaphore(%run_scoped3A_64 : memref<!tpu.dma_semaphore, #tpu.memory_space<semaphore_mem>>) src(%dma_wait3A_68 : memref<32xi32, #tpu.memory_space<hbm>>) dst(%arg6 : memref<32xi32, #tpu.memory_space<vmem>>)
      tpu.yield
    }) : () -> ()
    "tpu.region"() ({
      %run_scoped3A_64 = tpu.sem_alloc : memref<!tpu.dma_semaphore, #tpu.memory_space<semaphore_mem>>
      %dma_start3A_65 = tpu.memref_slice %arg4[%add3A_17] : memref<4096xi32, #tpu.memory_space<hbm>> -> memref<32xi32, #tpu.memory_space<hbm>>
      %dma_start3A_66 = tpu.memref_slice %arg4[%add3A_17] : memref<4096xi32, #tpu.memory_space<hbm>> -> memref<32xi32, #tpu.memory_space<hbm>>
      tpu.enqueue_dma source(%dma_start3A_66 : memref<32xi32, #tpu.memory_space<hbm>>) target(%arg7 : memref<32xi32, #tpu.memory_space<vmem>>) target_semaphore(%run_scoped3A_64 : memref<!tpu.dma_semaphore, #tpu.memory_space<semaphore_mem>>)
      %dma_wait3A_67 = tpu.memref_slice %arg4[%add3A_17] : memref<4096xi32, #tpu.memory_space<hbm>> -> memref<32xi32, #tpu.memory_space<hbm>>
      %dma_wait3A_68 = tpu.memref_slice %arg4[%add3A_17] : memref<4096xi32, #tpu.memory_space<hbm>> -> memref<32xi32, #tpu.memory_space<hbm>>
      tpu.wait_dma2 semaphore(%run_scoped3A_64 : memref<!tpu.dma_semaphore, #tpu.memory_space<semaphore_mem>>) src(%dma_wait3A_68 : memref<32xi32, #tpu.memory_space<hbm>>) dst(%arg7 : memref<32xi32, #tpu.memory_space<vmem>>)
      tpu.yield
    }) : () -> ()
    %dma_start3A_18 = arith.constant 0 : i32
    %dma_start3A_19 = arith.constant 0 : i32
    %dma_start3A_20 = tpu.memref_slice %arg2[%dma_start3A_18, %dma_start3A_19] : memref<12288x1024xf32, #tpu.memory_space<hbm>> -> memref<12288x1024xf32, #tpu.memory_space<hbm>>
    tpu.enqueue_indirect_dma source(%dma_start3A_20 : memref<12288x1024xf32, #tpu.memory_space<hbm>>) target(%arg8 : memref<32x1024xf32, #tpu.memory_space<vmem>>) offsets(%arg6 : memref<32xi32, #tpu.memory_space<vmem>>) semaphore(%arg10 : memref<!tpu.dma_semaphore, #tpu.memory_space<semaphore_mem>>)
    %dma_wait3A_21 = arith.constant 0 : i32
    %dma_wait3A_22 = arith.constant 0 : i32
    %dma_wait3A_23 = tpu.memref_slice %arg2[%dma_wait3A_21, %dma_wait3A_22] : memref<12288x1024xf32, #tpu.memory_space<hbm>> -> memref<12288x1024xf32, #tpu.memory_space<hbm>>
    tpu.wait_indirect_dma semaphore(%arg10 : memref<!tpu.dma_semaphore, #tpu.memory_space<semaphore_mem>>) src(%dma_wait3A_23 : memref<12288x1024xf32, #tpu.memory_space<hbm>>) dst(%arg8 : memref<32x1024xf32, #tpu.memory_space<vmem>>)
    %dma_start3A_24 = arith.constant 0 : i32
    %dma_start3A_25 = arith.constant 0 : i32
    %dma_start3A_26 = tpu.memref_slice %arg2[%dma_start3A_24, %dma_start3A_25] : memref<12288x1024xf32, #tpu.memory_space<hbm>> -> memref<12288x1024xf32, #tpu.memory_space<hbm>>
    tpu.enqueue_indirect_dma source(%dma_start3A_26 : memref<12288x1024xf32, #tpu.memory_space<hbm>>) target(%arg9 : memref<32x1024xf32, #tpu.memory_space<vmem>>) offsets(%arg7 : memref<32xi32, #tpu.memory_space<vmem>>) semaphore(%arg10 : memref<!tpu.dma_semaphore, #tpu.memory_space<semaphore_mem>>)
    %dma_wait3A_27 = arith.constant 0 : i32
    %dma_wait3A_28 = arith.constant 0 : i32
    %dma_wait3A_29 = tpu.memref_slice %arg2[%dma_wait3A_27, %dma_wait3A_28] : memref<12288x1024xf32, #tpu.memory_space<hbm>> -> memref<12288x1024xf32, #tpu.memory_space<hbm>>
    tpu.wait_indirect_dma semaphore(%arg10 : memref<!tpu.dma_semaphore, #tpu.memory_space<semaphore_mem>>) src(%dma_wait3A_29 : memref<12288x1024xf32, #tpu.memory_space<hbm>>) dst(%arg9 : memref<32x1024xf32, #tpu.memory_space<vmem>>)
    %run_scoped3A_30 = arith.constant 0 : i32
    "tpu.region"() ({
      %run_scoped3A_64 = tpu.sem_alloc : memref<!tpu.dma_semaphore, #tpu.memory_space<semaphore_mem>>
      %dma_start3A_65 = arith.constant 0 : i32
      %dma_start3A_66 = tpu.memref_slice %arg5[%run_scoped3A_30, %add3A_17, %dma_start3A_65] : memref<2x4096x1024xf32, #tpu.memory_space<hbm>> -> memref<1x32x1024xf32, #tpu.memory_space<hbm>>
      %dma_start3A_67 = tpu.memref_squeeze %dma_start3A_66 : memref<1x32x1024xf32, #tpu.memory_space<hbm>> -> memref<32x1024xf32, #tpu.memory_space<hbm>>
      %dma_start3A_68 = arith.constant 0 : i32
      %dma_start3A_69 = tpu.memref_slice %arg5[%run_scoped3A_30, %add3A_17, %dma_start3A_68] : memref<2x4096x1024xf32, #tpu.memory_space<hbm>> -> memref<1x32x1024xf32, #tpu.memory_space<hbm>>
      %dma_start3A_70 = tpu.memref_squeeze %dma_start3A_69 : memref<1x32x1024xf32, #tpu.memory_space<hbm>> -> memref<32x1024xf32, #tpu.memory_space<hbm>>
      tpu.enqueue_dma source(%arg8 : memref<32x1024xf32, #tpu.memory_space<vmem>>) target(%dma_start3A_70 : memref<32x1024xf32, #tpu.memory_space<hbm>>) target_semaphore(%run_scoped3A_64 : memref<!tpu.dma_semaphore, #tpu.memory_space<semaphore_mem>>)
      %dma_wait3A_71 = arith.constant 0 : i32
      %dma_wait3A_72 = tpu.memref_slice %arg5[%run_scoped3A_30, %add3A_17, %dma_wait3A_71] : memref<2x4096x1024xf32, #tpu.memory_space<hbm>> -> memref<1x32x1024xf32, #tpu.memory_space<hbm>>
      %dma_wait3A_73 = tpu.memref_squeeze %dma_wait3A_72 : memref<1x32x1024xf32, #tpu.memory_space<hbm>> -> memref<32x1024xf32, #tpu.memory_space<hbm>>
      %dma_wait3A_74 = arith.constant 0 : i32
      %dma_wait3A_75 = tpu.memref_slice %arg5[%run_scoped3A_30, %add3A_17, %dma_wait3A_74] : memref<2x4096x1024xf32, #tpu.memory_space<hbm>> -> memref<1x32x1024xf32, #tpu.memory_space<hbm>>
      %dma_wait3A_76 = tpu.memref_squeeze %dma_wait3A_75 : memref<1x32x1024xf32, #tpu.memory_space<hbm>> -> memref<32x1024xf32, #tpu.memory_space<hbm>>
      tpu.wait_dma2 semaphore(%run_scoped3A_64 : memref<!tpu.dma_semaphore, #tpu.memory_space<semaphore_mem>>) src(%arg8 : memref<32x1024xf32, #tpu.memory_space<vmem>>) dst(%dma_wait3A_76 : memref<32x1024xf32, #tpu.memory_space<hbm>>)
      tpu.yield
    }) : () -> ()
    %run_scoped3A_31 = arith.constant 1 : i32
    "tpu.region"() ({
      %run_scoped3A_64 = tpu.sem_alloc : memref<!tpu.dma_semaphore, #tpu.memory_space<semaphore_mem>>
      %dma_start3A_65 = arith.constant 0 : i32
      %dma_start3A_66 = tpu.memref_slice %arg5[%run_scoped3A_31, %add3A_17, %dma_start3A_65] : memref<2x4096x1024xf32, #tpu.memory_space<hbm>> -> memref<1x32x1024xf32, #tpu.memory_space<hbm>>
      %dma_start3A_67 = tpu.memref_squeeze %dma_start3A_66 : memref<1x32x1024xf32, #tpu.memory_space<hbm>> -> memref<32x1024xf32, #tpu.memory_space<hbm>>
      %dma_start3A_68 = arith.constant 0 : i32
      %dma_start3A_69 = tpu.memref_slice %arg5[%run_scoped3A_31, %add3A_17, %dma_start3A_68] : memref<2x4096x1024xf32, #tpu.memory_space<hbm>> -> memref<1x32x1024xf32, #tpu.memory_space<hbm>>
      %dma_start3A_70 = tpu.memref_squeeze %dma_start3A_69 : memref<1x32x1024xf32, #tpu.memory_space<hbm>> -> memref<32x1024xf32, #tpu.memory_space<hbm>>
      tpu.enqueue_dma source(%arg9 : memref<32x1024xf32, #tpu.memory_space<vmem>>) target(%dma_start3A_70 : memref<32x1024xf32, #tpu.memory_space<hbm>>) target_semaphore(%run_scoped3A_64 : memref<!tpu.dma_semaphore, #tpu.memory_space<semaphore_mem>>)
      %dma_wait3A_71 = arith.constant 0 : i32
      %dma_wait3A_72 = tpu.memref_slice %arg5[%run_scoped3A_31, %add3A_17, %dma_wait3A_71] : memref<2x4096x1024xf32, #tpu.memory_space<hbm>> -> memref<1x32x1024xf32, #tpu.memory_space<hbm>>
      %dma_wait3A_73 = tpu.memref_squeeze %dma_wait3A_72 : memref<1x32x1024xf32, #tpu.memory_space<hbm>> -> memref<32x1024xf32, #tpu.memory_space<hbm>>
      %dma_wait3A_74 = arith.constant 0 : i32
      %dma_wait3A_75 = tpu.memref_slice %arg5[%run_scoped3A_31, %add3A_17, %dma_wait3A_74] : memref<2x4096x1024xf32, #tpu.memory_space<hbm>> -> memref<1x32x1024xf32, #tpu.memory_space<hbm>>
      %dma_wait3A_76 = tpu.memref_squeeze %dma_wait3A_75 : memref<1x32x1024xf32, #tpu.memory_space<hbm>> -> memref<32x1024xf32, #tpu.memory_space<hbm>>
      tpu.wait_dma2 semaphore(%run_scoped3A_64 : memref<!tpu.dma_semaphore, #tpu.memory_space<semaphore_mem>>) src(%arg9 : memref<32x1024xf32, #tpu.memory_space<vmem>>) dst(%dma_wait3A_76 : memref<32x1024xf32, #tpu.memory_space<hbm>>)
      tpu.yield
    }) : () -> ()
    %add3A_32 = arith.constant 64 : i32
    %add3A_33 = arith.addi %mul3A_2, %add3A_32 : i32
    "tpu.region"() ({
      %run_scoped3A_64 = tpu.sem_alloc : memref<!tpu.dma_semaphore, #tpu.memory_space<semaphore_mem>>
      %dma_start3A_65 = tpu.memref_slice %arg3[%add3A_33] : memref<4096xi32, #tpu.memory_space<hbm>> -> memref<32xi32, #tpu.memory_space<hbm>>
      %dma_start3A_66 = tpu.memref_slice %arg3[%add3A_33] : memref<4096xi32, #tpu.memory_space<hbm>> -> memref<32xi32, #tpu.memory_space<hbm>>
      tpu.enqueue_dma source(%dma_start3A_66 : memref<32xi32, #tpu.memory_space<hbm>>) target(%arg6 : memref<32xi32, #tpu.memory_space<vmem>>) target_semaphore(%run_scoped3A_64 : memref<!tpu.dma_semaphore, #tpu.memory_space<semaphore_mem>>)
      %dma_wait3A_67 = tpu.memref_slice %arg3[%add3A_33] : memref<4096xi32, #tpu.memory_space<hbm>> -> memref<32xi32, #tpu.memory_space<hbm>>
      %dma_wait3A_68 = tpu.memref_slice %arg3[%add3A_33] : memref<4096xi32, #tpu.memory_space<hbm>> -> memref<32xi32, #tpu.memory_space<hbm>>
      tpu.wait_dma2 semaphore(%run_scoped3A_64 : memref<!tpu.dma_semaphore, #tpu.memory_space<semaphore_mem>>) src(%dma_wait3A_68 : memref<32xi32, #tpu.memory_space<hbm>>) dst(%arg6 : memref<32xi32, #tpu.memory_space<vmem>>)
      tpu.yield
    }) : () -> ()
    "tpu.region"() ({
      %run_scoped3A_64 = tpu.sem_alloc : memref<!tpu.dma_semaphore, #tpu.memory_space<semaphore_mem>>
      %dma_start3A_65 = tpu.memref_slice %arg4[%add3A_33] : memref<4096xi32, #tpu.memory_space<hbm>> -> memref<32xi32, #tpu.memory_space<hbm>>
      %dma_start3A_66 = tpu.memref_slice %arg4[%add3A_33] : memref<4096xi32, #tpu.memory_space<hbm>> -> memref<32xi32, #tpu.memory_space<hbm>>
      tpu.enqueue_dma source(%dma_start3A_66 : memref<32xi32, #tpu.memory_space<hbm>>) target(%arg7 : memref<32xi32, #tpu.memory_space<vmem>>) target_semaphore(%run_scoped3A_64 : memref<!tpu.dma_semaphore, #tpu.memory_space<semaphore_mem>>)
      %dma_wait3A_67 = tpu.memref_slice %arg4[%add3A_33] : memref<4096xi32, #tpu.memory_space<hbm>> -> memref<32xi32, #tpu.memory_space<hbm>>
      %dma_wait3A_68 = tpu.memref_slice %arg4[%add3A_33] : memref<4096xi32, #tpu.memory_space<hbm>> -> memref<32xi32, #tpu.memory_space<hbm>>
      tpu.wait_dma2 semaphore(%run_scoped3A_64 : memref<!tpu.dma_semaphore, #tpu.memory_space<semaphore_mem>>) src(%dma_wait3A_68 : memref<32xi32, #tpu.memory_space<hbm>>) dst(%arg7 : memref<32xi32, #tpu.memory_space<vmem>>)
      tpu.yield
    }) : () -> ()
    %dma_start3A_34 = arith.constant 0 : i32
    %dma_start3A_35 = arith.constant 0 : i32
    %dma_start3A_36 = tpu.memref_slice %arg2[%dma_start3A_34, %dma_start3A_35] : memref<12288x1024xf32, #tpu.memory_space<hbm>> -> memref<12288x1024xf32, #tpu.memory_space<hbm>>
    tpu.enqueue_indirect_dma source(%dma_start3A_36 : memref<12288x1024xf32, #tpu.memory_space<hbm>>) target(%arg8 : memref<32x1024xf32, #tpu.memory_space<vmem>>) offsets(%arg6 : memref<32xi32, #tpu.memory_space<vmem>>) semaphore(%arg10 : memref<!tpu.dma_semaphore, #tpu.memory_space<semaphore_mem>>)
    %dma_wait3A_37 = arith.constant 0 : i32
    %dma_wait3A_38 = arith.constant 0 : i32
    %dma_wait3A_39 = tpu.memref_slice %arg2[%dma_wait3A_37, %dma_wait3A_38] : memref<12288x1024xf32, #tpu.memory_space<hbm>> -> memref<12288x1024xf32, #tpu.memory_space<hbm>>
    tpu.wait_indirect_dma semaphore(%arg10 : memref<!tpu.dma_semaphore, #tpu.memory_space<semaphore_mem>>) src(%dma_wait3A_39 : memref<12288x1024xf32, #tpu.memory_space<hbm>>) dst(%arg8 : memref<32x1024xf32, #tpu.memory_space<vmem>>)
    %dma_start3A_40 = arith.constant 0 : i32
    %dma_start3A_41 = arith.constant 0 : i32
    %dma_start3A_42 = tpu.memref_slice %arg2[%dma_start3A_40, %dma_start3A_41] : memref<12288x1024xf32, #tpu.memory_space<hbm>> -> memref<12288x1024xf32, #tpu.memory_space<hbm>>
    tpu.enqueue_indirect_dma source(%dma_start3A_42 : memref<12288x1024xf32, #tpu.memory_space<hbm>>) target(%arg9 : memref<32x1024xf32, #tpu.memory_space<vmem>>) offsets(%arg7 : memref<32xi32, #tpu.memory_space<vmem>>) semaphore(%arg10 : memref<!tpu.dma_semaphore, #tpu.memory_space<semaphore_mem>>)
    %dma_wait3A_43 = arith.constant 0 : i32
    %dma_wait3A_44 = arith.constant 0 : i32
    %dma_wait3A_45 = tpu.memref_slice %arg2[%dma_wait3A_43, %dma_wait3A_44] : memref<12288x1024xf32, #tpu.memory_space<hbm>> -> memref<12288x1024xf32, #tpu.memory_space<hbm>>
    tpu.wait_indirect_dma semaphore(%arg10 : memref<!tpu.dma_semaphore, #tpu.memory_space<semaphore_mem>>) src(%dma_wait3A_45 : memref<12288x1024xf32, #tpu.memory_space<hbm>>) dst(%arg9 : memref<32x1024xf32, #tpu.memory_space<vmem>>)
    %run_scoped3A_46 = arith.constant 0 : i32
    "tpu.region"() ({
      %run_scoped3A_64 = tpu.sem_alloc : memref<!tpu.dma_semaphore, #tpu.memory_space<semaphore_mem>>
      %dma_start3A_65 = arith.constant 0 : i32
      %dma_start3A_66 = tpu.memref_slice %arg5[%run_scoped3A_46, %add3A_33, %dma_start3A_65] : memref<2x4096x1024xf32, #tpu.memory_space<hbm>> -> memref<1x32x1024xf32, #tpu.memory_space<hbm>>
      %dma_start3A_67 = tpu.memref_squeeze %dma_start3A_66 : memref<1x32x1024xf32, #tpu.memory_space<hbm>> -> memref<32x1024xf32, #tpu.memory_space<hbm>>
      %dma_start3A_68 = arith.constant 0 : i32
      %dma_start3A_69 = tpu.memref_slice %arg5[%run_scoped3A_46, %add3A_33, %dma_start3A_68] : memref<2x4096x1024xf32, #tpu.memory_space<hbm>> -> memref<1x32x1024xf32, #tpu.memory_space<hbm>>
      %dma_start3A_70 = tpu.memref_squeeze %dma_start3A_69 : memref<1x32x1024xf32, #tpu.memory_space<hbm>> -> memref<32x1024xf32, #tpu.memory_space<hbm>>
      tpu.enqueue_dma source(%arg8 : memref<32x1024xf32, #tpu.memory_space<vmem>>) target(%dma_start3A_70 : memref<32x1024xf32, #tpu.memory_space<hbm>>) target_semaphore(%run_scoped3A_64 : memref<!tpu.dma_semaphore, #tpu.memory_space<semaphore_mem>>)
      %dma_wait3A_71 = arith.constant 0 : i32
      %dma_wait3A_72 = tpu.memref_slice %arg5[%run_scoped3A_46, %add3A_33, %dma_wait3A_71] : memref<2x4096x1024xf32, #tpu.memory_space<hbm>> -> memref<1x32x1024xf32, #tpu.memory_space<hbm>>
      %dma_wait3A_73 = tpu.memref_squeeze %dma_wait3A_72 : memref<1x32x1024xf32, #tpu.memory_space<hbm>> -> memref<32x1024xf32, #tpu.memory_space<hbm>>
      %dma_wait3A_74 = arith.constant 0 : i32
      %dma_wait3A_75 = tpu.memref_slice %arg5[%run_scoped3A_46, %add3A_33, %dma_wait3A_74] : memref<2x4096x1024xf32, #tpu.memory_space<hbm>> -> memref<1x32x1024xf32, #tpu.memory_space<hbm>>
      %dma_wait3A_76 = tpu.memref_squeeze %dma_wait3A_75 : memref<1x32x1024xf32, #tpu.memory_space<hbm>> -> memref<32x1024xf32, #tpu.memory_space<hbm>>
      tpu.wait_dma2 semaphore(%run_scoped3A_64 : memref<!tpu.dma_semaphore, #tpu.memory_space<semaphore_mem>>) src(%arg8 : memref<32x1024xf32, #tpu.memory_space<vmem>>) dst(%dma_wait3A_76 : memref<32x1024xf32, #tpu.memory_space<hbm>>)
      tpu.yield
    }) : () -> ()
    %run_scoped3A_47 = arith.constant 1 : i32
    "tpu.region"() ({
      %run_scoped3A_64 = tpu.sem_alloc : memref<!tpu.dma_semaphore, #tpu.memory_space<semaphore_mem>>
      %dma_start3A_65 = arith.constant 0 : i32
      %dma_start3A_66 = tpu.memref_slice %arg5[%run_scoped3A_47, %add3A_33, %dma_start3A_65] : memref<2x4096x1024xf32, #tpu.memory_space<hbm>> -> memref<1x32x1024xf32, #tpu.memory_space<hbm>>
      %dma_start3A_67 = tpu.memref_squeeze %dma_start3A_66 : memref<1x32x1024xf32, #tpu.memory_space<hbm>> -> memref<32x1024xf32, #tpu.memory_space<hbm>>
      %dma_start3A_68 = arith.constant 0 : i32
      %dma_start3A_69 = tpu.memref_slice %arg5[%run_scoped3A_47, %add3A_33, %dma_start3A_68] : memref<2x4096x1024xf32, #tpu.memory_space<hbm>> -> memref<1x32x1024xf32, #tpu.memory_space<hbm>>
      %dma_start3A_70 = tpu.memref_squeeze %dma_start3A_69 : memref<1x32x1024xf32, #tpu.memory_space<hbm>> -> memref<32x1024xf32, #tpu.memory_space<hbm>>
      tpu.enqueue_dma source(%arg9 : memref<32x1024xf32, #tpu.memory_space<vmem>>) target(%dma_start3A_70 : memref<32x1024xf32, #tpu.memory_space<hbm>>) target_semaphore(%run_scoped3A_64 : memref<!tpu.dma_semaphore, #tpu.memory_space<semaphore_mem>>)
      %dma_wait3A_71 = arith.constant 0 : i32
      %dma_wait3A_72 = tpu.memref_slice %arg5[%run_scoped3A_47, %add3A_33, %dma_wait3A_71] : memref<2x4096x1024xf32, #tpu.memory_space<hbm>> -> memref<1x32x1024xf32, #tpu.memory_space<hbm>>
      %dma_wait3A_73 = tpu.memref_squeeze %dma_wait3A_72 : memref<1x32x1024xf32, #tpu.memory_space<hbm>> -> memref<32x1024xf32, #tpu.memory_space<hbm>>
      %dma_wait3A_74 = arith.constant 0 : i32
      %dma_wait3A_75 = tpu.memref_slice %arg5[%run_scoped3A_47, %add3A_33, %dma_wait3A_74] : memref<2x4096x1024xf32, #tpu.memory_space<hbm>> -> memref<1x32x1024xf32, #tpu.memory_space<hbm>>
      %dma_wait3A_76 = tpu.memref_squeeze %dma_wait3A_75 : memref<1x32x1024xf32, #tpu.memory_space<hbm>> -> memref<32x1024xf32, #tpu.memory_space<hbm>>
      tpu.wait_dma2 semaphore(%run_scoped3A_64 : memref<!tpu.dma_semaphore, #tpu.memory_space<semaphore_mem>>) src(%arg9 : memref<32x1024xf32, #tpu.memory_space<vmem>>) dst(%dma_wait3A_76 : memref<32x1024xf32, #tpu.memory_space<hbm>>)
      tpu.yield
    }) : () -> ()
    %add3A_48 = arith.constant 96 : i32
    %add3A_49 = arith.addi %mul3A_2, %add3A_48 : i32
    "tpu.region"() ({
      %run_scoped3A_64 = tpu.sem_alloc : memref<!tpu.dma_semaphore, #tpu.memory_space<semaphore_mem>>
      %dma_start3A_65 = tpu.memref_slice %arg3[%add3A_49] : memref<4096xi32, #tpu.memory_space<hbm>> -> memref<32xi32, #tpu.memory_space<hbm>>
      %dma_start3A_66 = tpu.memref_slice %arg3[%add3A_49] : memref<4096xi32, #tpu.memory_space<hbm>> -> memref<32xi32, #tpu.memory_space<hbm>>
      tpu.enqueue_dma source(%dma_start3A_66 : memref<32xi32, #tpu.memory_space<hbm>>) target(%arg6 : memref<32xi32, #tpu.memory_space<vmem>>) target_semaphore(%run_scoped3A_64 : memref<!tpu.dma_semaphore, #tpu.memory_space<semaphore_mem>>)
      %dma_wait3A_67 = tpu.memref_slice %arg3[%add3A_49] : memref<4096xi32, #tpu.memory_space<hbm>> -> memref<32xi32, #tpu.memory_space<hbm>>
      %dma_wait3A_68 = tpu.memref_slice %arg3[%add3A_49] : memref<4096xi32, #tpu.memory_space<hbm>> -> memref<32xi32, #tpu.memory_space<hbm>>
      tpu.wait_dma2 semaphore(%run_scoped3A_64 : memref<!tpu.dma_semaphore, #tpu.memory_space<semaphore_mem>>) src(%dma_wait3A_68 : memref<32xi32, #tpu.memory_space<hbm>>) dst(%arg6 : memref<32xi32, #tpu.memory_space<vmem>>)
      tpu.yield
    }) : () -> ()
    "tpu.region"() ({
      %run_scoped3A_64 = tpu.sem_alloc : memref<!tpu.dma_semaphore, #tpu.memory_space<semaphore_mem>>
      %dma_start3A_65 = tpu.memref_slice %arg4[%add3A_49] : memref<4096xi32, #tpu.memory_space<hbm>> -> memref<32xi32, #tpu.memory_space<hbm>>
      %dma_start3A_66 = tpu.memref_slice %arg4[%add3A_49] : memref<4096xi32, #tpu.memory_space<hbm>> -> memref<32xi32, #tpu.memory_space<hbm>>
      tpu.enqueue_dma source(%dma_start3A_66 : memref<32xi32, #tpu.memory_space<hbm>>) target(%arg7 : memref<32xi32, #tpu.memory_space<vmem>>) target_semaphore(%run_scoped3A_64 : memref<!tpu.dma_semaphore, #tpu.memory_space<semaphore_mem>>)
      %dma_wait3A_67 = tpu.memref_slice %arg4[%add3A_49] : memref<4096xi32, #tpu.memory_space<hbm>> -> memref<32xi32, #tpu.memory_space<hbm>>
      %dma_wait3A_68 = tpu.memref_slice %arg4[%add3A_49] : memref<4096xi32, #tpu.memory_space<hbm>> -> memref<32xi32, #tpu.memory_space<hbm>>
      tpu.wait_dma2 semaphore(%run_scoped3A_64 : memref<!tpu.dma_semaphore, #tpu.memory_space<semaphore_mem>>) src(%dma_wait3A_68 : memref<32xi32, #tpu.memory_space<hbm>>) dst(%arg7 : memref<32xi32, #tpu.memory_space<vmem>>)
      tpu.yield
    }) : () -> ()
    %dma_start3A_50 = arith.constant 0 : i32
    %dma_start3A_51 = arith.constant 0 : i32
    %dma_start3A_52 = tpu.memref_slice %arg2[%dma_start3A_50, %dma_start3A_51] : memref<12288x1024xf32, #tpu.memory_space<hbm>> -> memref<12288x1024xf32, #tpu.memory_space<hbm>>
    tpu.enqueue_indirect_dma source(%dma_start3A_52 : memref<12288x1024xf32, #tpu.memory_space<hbm>>) target(%arg8 : memref<32x1024xf32, #tpu.memory_space<vmem>>) offsets(%arg6 : memref<32xi32, #tpu.memory_space<vmem>>) semaphore(%arg10 : memref<!tpu.dma_semaphore, #tpu.memory_space<semaphore_mem>>)
    %dma_wait3A_53 = arith.constant 0 : i32
    %dma_wait3A_54 = arith.constant 0 : i32
    %dma_wait3A_55 = tpu.memref_slice %arg2[%dma_wait3A_53, %dma_wait3A_54] : memref<12288x1024xf32, #tpu.memory_space<hbm>> -> memref<12288x1024xf32, #tpu.memory_space<hbm>>
    tpu.wait_indirect_dma semaphore(%arg10 : memref<!tpu.dma_semaphore, #tpu.memory_space<semaphore_mem>>) src(%dma_wait3A_55 : memref<12288x1024xf32, #tpu.memory_space<hbm>>) dst(%arg8 : memref<32x1024xf32, #tpu.memory_space<vmem>>)
    %dma_start3A_56 = arith.constant 0 : i32
    %dma_start3A_57 = arith.constant 0 : i32
    %dma_start3A_58 = tpu.memref_slice %arg2[%dma_start3A_56, %dma_start3A_57] : memref<12288x1024xf32, #tpu.memory_space<hbm>> -> memref<12288x1024xf32, #tpu.memory_space<hbm>>
    tpu.enqueue_indirect_dma source(%dma_start3A_58 : memref<12288x1024xf32, #tpu.memory_space<hbm>>) target(%arg9 : memref<32x1024xf32, #tpu.memory_space<vmem>>) offsets(%arg7 : memref<32xi32, #tpu.memory_space<vmem>>) semaphore(%arg10 : memref<!tpu.dma_semaphore, #tpu.memory_space<semaphore_mem>>)
    %dma_wait3A_59 = arith.constant 0 : i32
    %dma_wait3A_60 = arith.constant 0 : i32
    %dma_wait3A_61 = tpu.memref_slice %arg2[%dma_wait3A_59, %dma_wait3A_60] : memref<12288x1024xf32, #tpu.memory_space<hbm>> -> memref<12288x1024xf32, #tpu.memory_space<hbm>>
    tpu.wait_indirect_dma semaphore(%arg10 : memref<!tpu.dma_semaphore, #tpu.memory_space<semaphore_mem>>) src(%dma_wait3A_61 : memref<12288x1024xf32, #tpu.memory_space<hbm>>) dst(%arg9 : memref<32x1024xf32, #tpu.memory_space<vmem>>)
    %run_scoped3A_62 = arith.constant 0 : i32
    "tpu.region"() ({
      %run_scoped3A_64 = tpu.sem_alloc : memref<!tpu.dma_semaphore, #tpu.memory_space<semaphore_mem>>
      %dma_start3A_65 = arith.constant 0 : i32
      %dma_start3A_66 = tpu.memref_slice %arg5[%run_scoped3A_62, %add3A_49, %dma_start3A_65] : memref<2x4096x1024xf32, #tpu.memory_space<hbm>> -> memref<1x32x1024xf32, #tpu.memory_space<hbm>>
      %dma_start3A_67 = tpu.memref_squeeze %dma_start3A_66 : memref<1x32x1024xf32, #tpu.memory_space<hbm>> -> memref<32x1024xf32, #tpu.memory_space<hbm>>
      %dma_start3A_68 = arith.constant 0 : i32
      %dma_start3A_69 = tpu.memref_slice %arg5[%run_scoped3A_62, %add3A_49, %dma_start3A_68] : memref<2x4096x1024xf32, #tpu.memory_space<hbm>> -> memref<1x32x1024xf32, #tpu.memory_space<hbm>>
      %dma_start3A_70 = tpu.memref_squeeze %dma_start3A_69 : memref<1x32x1024xf32, #tpu.memory_space<hbm>> -> memref<32x1024xf32, #tpu.memory_space<hbm>>
      tpu.enqueue_dma source(%arg8 : memref<32x1024xf32, #tpu.memory_space<vmem>>) target(%dma_start3A_70 : memref<32x1024xf32, #tpu.memory_space<hbm>>) target_semaphore(%run_scoped3A_64 : memref<!tpu.dma_semaphore, #tpu.memory_space<semaphore_mem>>)
      %dma_wait3A_71 = arith.constant 0 : i32
      %dma_wait3A_72 = tpu.memref_slice %arg5[%run_scoped3A_62, %add3A_49, %dma_wait3A_71] : memref<2x4096x1024xf32, #tpu.memory_space<hbm>> -> memref<1x32x1024xf32, #tpu.memory_space<hbm>>
      %dma_wait3A_73 = tpu.memref_squeeze %dma_wait3A_72 : memref<1x32x1024xf32, #tpu.memory_space<hbm>> -> memref<32x1024xf32, #tpu.memory_space<hbm>>
      %dma_wait3A_74 = arith.constant 0 : i32
      %dma_wait3A_75 = tpu.memref_slice %arg5[%run_scoped3A_62, %add3A_49, %dma_wait3A_74] : memref<2x4096x1024xf32, #tpu.memory_space<hbm>> -> memref<1x32x1024xf32, #tpu.memory_space<hbm>>
      %dma_wait3A_76 = tpu.memref_squeeze %dma_wait3A_75 : memref<1x32x1024xf32, #tpu.memory_space<hbm>> -> memref<32x1024xf32, #tpu.memory_space<hbm>>
      tpu.wait_dma2 semaphore(%run_scoped3A_64 : memref<!tpu.dma_semaphore, #tpu.memory_space<semaphore_mem>>) src(%arg8 : memref<32x1024xf32, #tpu.memory_space<vmem>>) dst(%dma_wait3A_76 : memref<32x1024xf32, #tpu.memory_space<hbm>>)
      tpu.yield
    }) : () -> ()
    %run_scoped3A_63 = arith.constant 1 : i32
    "tpu.region"() ({
      %run_scoped3A_64 = tpu.sem_alloc : memref<!tpu.dma_semaphore, #tpu.memory_space<semaphore_mem>>
      %dma_start3A_65 = arith.constant 0 : i32
      %dma_start3A_66 = tpu.memref_slice %arg5[%run_scoped3A_63, %add3A_49, %dma_start3A_65] : memref<2x4096x1024xf32, #tpu.memory_space<hbm>> -> memref<1x32x1024xf32, #tpu.memory_space<hbm>>
      %dma_start3A_67 = tpu.memref_squeeze %dma_start3A_66 : memref<1x32x1024xf32, #tpu.memory_space<hbm>> -> memref<32x1024xf32, #tpu.memory_space<hbm>>
      %dma_start3A_68 = arith.constant 0 : i32
      %dma_start3A_69 = tpu.memref_slice %arg5[%run_scoped3A_63, %add3A_49, %dma_start3A_68] : memref<2x4096x1024xf32, #tpu.memory_space<hbm>> -> memref<1x32x1024xf32, #tpu.memory_space<hbm>>
      %dma_start3A_70 = tpu.memref_squeeze %dma_start3A_69 : memref<1x32x1024xf32, #tpu.memory_space<hbm>> -> memref<32x1024xf32, #tpu.memory_space<hbm>>
      tpu.enqueue_dma source(%arg9 : memref<32x1024xf32, #tpu.memory_space<vmem>>) target(%dma_start3A_70 : memref<32x1024xf32, #tpu.memory_space<hbm>>) target_semaphore(%run_scoped3A_64 : memref<!tpu.dma_semaphore, #tpu.memory_space<semaphore_mem>>)
      %dma_wait3A_71 = arith.constant 0 : i32
      %dma_wait3A_72 = tpu.memref_slice %arg5[%run_scoped3A_63, %add3A_49, %dma_wait3A_71] : memref<2x4096x1024xf32, #tpu.memory_space<hbm>> -> memref<1x32x1024xf32, #tpu.memory_space<hbm>>
      %dma_wait3A_73 = tpu.memref_squeeze %dma_wait3A_72 : memref<1x32x1024xf32, #tpu.memory_space<hbm>> -> memref<32x1024xf32, #tpu.memory_space<hbm>>
      %dma_wait3A_74 = arith.constant 0 : i32
      %dma_wait3A_75 = tpu.memref_slice %arg5[%run_scoped3A_63, %add3A_49, %dma_wait3A_74] : memref<2x4096x1024xf32, #tpu.memory_space<hbm>> -> memref<1x32x1024xf32, #tpu.memory_space<hbm>>
      %dma_wait3A_76 = tpu.memref_squeeze %dma_wait3A_75 : memref<1x32x1024xf32, #tpu.memory_space<hbm>> -> memref<32x1024xf32, #tpu.memory_space<hbm>>
      tpu.wait_dma2 semaphore(%run_scoped3A_64 : memref<!tpu.dma_semaphore, #tpu.memory_space<semaphore_mem>>) src(%arg9 : memref<32x1024xf32, #tpu.memory_space<vmem>>) dst(%dma_wait3A_76 : memref<32x1024xf32, #tpu.memory_space<hbm>>)
      tpu.yield
    }) : () -> ()
    return
  }
}

#map = affine_map<(d0, d1) -> (0, 0)>
#map1 = affine_map<(d0, d1) -> (0)>
module attributes {stable_mosaic.version = 14 : i64} {
  func.func @dispatch(%arg0: i32, %arg1: i32, %arg2: memref<4096x1024xf32, #tpu.memory_space<hbm>>, %arg3: memref<8192xi32, #tpu.memory_space<hbm>>, %arg4: memref<8192xi32, #tpu.memory_space<hbm>>, %arg5: memref<8192xf32, #tpu.memory_space<hbm>>, %arg6: memref<12288x1024xf32, #tpu.memory_space<hbm>>, %arg7: memref<12288xf32, #tpu.memory_space<hbm>>, %arg8: memref<64xi32, #tpu.memory_space<vmem>>, %arg9: memref<64xi32, #tpu.memory_space<vmem>>, %arg10: memref<64x1024xf32, #tpu.memory_space<vmem>>, %arg11: memref<64xf32, #tpu.memory_space<vmem>>, %arg12: memref<!tpu.dma_semaphore, #tpu.memory_space<semaphore_mem>>, %arg13: memref<!tpu.dma_semaphore, #tpu.memory_space<semaphore_mem>>) attributes {dimension_semantics = [#tpu.dimension_semantics<core_parallel>, #tpu.dimension_semantics<subcore_parallel>], iteration_bounds = array<i64: 2, 16>, scalar_prefetch = 0 : i64, scratch_operands = 6 : i64, tpu.core_type = #tpu.core_type<sc_vector_subcore>, window_params = [{transform_indices = #map}, {transform_indices = #map1}, {transform_indices = #map1}, {transform_indices = #map1}, {transform_indices = #map}, {transform_indices = #map1}]} {
    %mul3A = arith.constant 2 : i32
    %mul3A_0 = arith.muli %arg1, %mul3A : i32
    %add3A = arith.addi %mul3A_0, %arg0 : i32
    %mul3A_1 = arith.constant 256 : i32
    %mul3A_2 = arith.muli %add3A, %mul3A_1 : i32
    %add3A_3 = arith.constant 0 : i32
    %add3A_4 = arith.addi %mul3A_2, %add3A_3 : i32
    "tpu.region"() ({
      %run_scoped3A = tpu.sem_alloc : memref<!tpu.dma_semaphore, #tpu.memory_space<semaphore_mem>>
      %dma_start3A_73 = tpu.memref_slice %arg3[%add3A_4] : memref<8192xi32, #tpu.memory_space<hbm>> -> memref<64xi32, #tpu.memory_space<hbm>>
      %dma_start3A_74 = tpu.memref_slice %arg3[%add3A_4] : memref<8192xi32, #tpu.memory_space<hbm>> -> memref<64xi32, #tpu.memory_space<hbm>>
      tpu.enqueue_dma source(%dma_start3A_74 : memref<64xi32, #tpu.memory_space<hbm>>) target(%arg8 : memref<64xi32, #tpu.memory_space<vmem>>) target_semaphore(%run_scoped3A : memref<!tpu.dma_semaphore, #tpu.memory_space<semaphore_mem>>)
      %dma_wait3A_75 = tpu.memref_slice %arg3[%add3A_4] : memref<8192xi32, #tpu.memory_space<hbm>> -> memref<64xi32, #tpu.memory_space<hbm>>
      %dma_wait3A_76 = tpu.memref_slice %arg3[%add3A_4] : memref<8192xi32, #tpu.memory_space<hbm>> -> memref<64xi32, #tpu.memory_space<hbm>>
      tpu.wait_dma2 semaphore(%run_scoped3A : memref<!tpu.dma_semaphore, #tpu.memory_space<semaphore_mem>>) src(%dma_wait3A_76 : memref<64xi32, #tpu.memory_space<hbm>>) dst(%arg8 : memref<64xi32, #tpu.memory_space<vmem>>)
      tpu.yield
    }) : () -> ()
    "tpu.region"() ({
      %run_scoped3A = tpu.sem_alloc : memref<!tpu.dma_semaphore, #tpu.memory_space<semaphore_mem>>
      %dma_start3A_73 = tpu.memref_slice %arg4[%add3A_4] : memref<8192xi32, #tpu.memory_space<hbm>> -> memref<64xi32, #tpu.memory_space<hbm>>
      %dma_start3A_74 = tpu.memref_slice %arg4[%add3A_4] : memref<8192xi32, #tpu.memory_space<hbm>> -> memref<64xi32, #tpu.memory_space<hbm>>
      tpu.enqueue_dma source(%dma_start3A_74 : memref<64xi32, #tpu.memory_space<hbm>>) target(%arg9 : memref<64xi32, #tpu.memory_space<vmem>>) target_semaphore(%run_scoped3A : memref<!tpu.dma_semaphore, #tpu.memory_space<semaphore_mem>>)
      %dma_wait3A_75 = tpu.memref_slice %arg4[%add3A_4] : memref<8192xi32, #tpu.memory_space<hbm>> -> memref<64xi32, #tpu.memory_space<hbm>>
      %dma_wait3A_76 = tpu.memref_slice %arg4[%add3A_4] : memref<8192xi32, #tpu.memory_space<hbm>> -> memref<64xi32, #tpu.memory_space<hbm>>
      tpu.wait_dma2 semaphore(%run_scoped3A : memref<!tpu.dma_semaphore, #tpu.memory_space<semaphore_mem>>) src(%dma_wait3A_76 : memref<64xi32, #tpu.memory_space<hbm>>) dst(%arg9 : memref<64xi32, #tpu.memory_space<vmem>>)
      tpu.yield
    }) : () -> ()
    "tpu.region"() ({
      %run_scoped3A = tpu.sem_alloc : memref<!tpu.dma_semaphore, #tpu.memory_space<semaphore_mem>>
      %dma_start3A_73 = tpu.memref_slice %arg5[%add3A_4] : memref<8192xf32, #tpu.memory_space<hbm>> -> memref<64xf32, #tpu.memory_space<hbm>>
      %dma_start3A_74 = tpu.memref_slice %arg5[%add3A_4] : memref<8192xf32, #tpu.memory_space<hbm>> -> memref<64xf32, #tpu.memory_space<hbm>>
      tpu.enqueue_dma source(%dma_start3A_74 : memref<64xf32, #tpu.memory_space<hbm>>) target(%arg11 : memref<64xf32, #tpu.memory_space<vmem>>) target_semaphore(%run_scoped3A : memref<!tpu.dma_semaphore, #tpu.memory_space<semaphore_mem>>)
      %dma_wait3A_75 = tpu.memref_slice %arg5[%add3A_4] : memref<8192xf32, #tpu.memory_space<hbm>> -> memref<64xf32, #tpu.memory_space<hbm>>
      %dma_wait3A_76 = tpu.memref_slice %arg5[%add3A_4] : memref<8192xf32, #tpu.memory_space<hbm>> -> memref<64xf32, #tpu.memory_space<hbm>>
      tpu.wait_dma2 semaphore(%run_scoped3A : memref<!tpu.dma_semaphore, #tpu.memory_space<semaphore_mem>>) src(%dma_wait3A_76 : memref<64xf32, #tpu.memory_space<hbm>>) dst(%arg11 : memref<64xf32, #tpu.memory_space<vmem>>)
      tpu.yield
    }) : () -> ()
    %dma_start3A = arith.constant 0 : i32
    %dma_start3A_5 = arith.constant 0 : i32
    %dma_start3A_6 = tpu.memref_slice %arg2[%dma_start3A, %dma_start3A_5] : memref<4096x1024xf32, #tpu.memory_space<hbm>> -> memref<4096x1024xf32, #tpu.memory_space<hbm>>
    tpu.enqueue_indirect_dma source(%dma_start3A_6 : memref<4096x1024xf32, #tpu.memory_space<hbm>>) target(%arg10 : memref<64x1024xf32, #tpu.memory_space<vmem>>) offsets(%arg8 : memref<64xi32, #tpu.memory_space<vmem>>) semaphore(%arg12 : memref<!tpu.dma_semaphore, #tpu.memory_space<semaphore_mem>>)
    %dma_wait3A = arith.constant 0 : i32
    %dma_wait3A_7 = arith.constant 0 : i32
    %dma_wait3A_8 = tpu.memref_slice %arg2[%dma_wait3A, %dma_wait3A_7] : memref<4096x1024xf32, #tpu.memory_space<hbm>> -> memref<4096x1024xf32, #tpu.memory_space<hbm>>
    tpu.wait_indirect_dma semaphore(%arg12 : memref<!tpu.dma_semaphore, #tpu.memory_space<semaphore_mem>>) src(%dma_wait3A_8 : memref<4096x1024xf32, #tpu.memory_space<hbm>>) dst(%arg10 : memref<64x1024xf32, #tpu.memory_space<vmem>>)
    %dma_start3A_9 = arith.constant 0 : i32
    %dma_start3A_10 = arith.constant 0 : i32
    %dma_start3A_11 = tpu.memref_slice %arg6[%dma_start3A_9, %dma_start3A_10] : memref<12288x1024xf32, #tpu.memory_space<hbm>> -> memref<12288x1024xf32, #tpu.memory_space<hbm>>
    tpu.enqueue_indirect_dma source(%arg10 : memref<64x1024xf32, #tpu.memory_space<vmem>>) target(%dma_start3A_11 : memref<12288x1024xf32, #tpu.memory_space<hbm>>) offsets(%arg9 : memref<64xi32, #tpu.memory_space<vmem>>) semaphore(%arg13 : memref<!tpu.dma_semaphore, #tpu.memory_space<semaphore_mem>>)
    %dma_wait3A_12 = arith.constant 0 : i32
    %dma_wait3A_13 = arith.constant 0 : i32
    %dma_wait3A_14 = tpu.memref_slice %arg6[%dma_wait3A_12, %dma_wait3A_13] : memref<12288x1024xf32, #tpu.memory_space<hbm>> -> memref<12288x1024xf32, #tpu.memory_space<hbm>>
    tpu.wait_indirect_dma semaphore(%arg13 : memref<!tpu.dma_semaphore, #tpu.memory_space<semaphore_mem>>) src(%arg10 : memref<64x1024xf32, #tpu.memory_space<vmem>>) dst(%dma_wait3A_14 : memref<12288x1024xf32, #tpu.memory_space<hbm>>)
    %dma_start3A_15 = arith.constant 0 : i32
    %dma_start3A_16 = tpu.memref_slice %arg7[%dma_start3A_15] : memref<12288xf32, #tpu.memory_space<hbm>> -> memref<12288xf32, #tpu.memory_space<hbm>>
    tpu.enqueue_indirect_dma source(%arg11 : memref<64xf32, #tpu.memory_space<vmem>>) target(%dma_start3A_16 : memref<12288xf32, #tpu.memory_space<hbm>>) offsets(%arg9 : memref<64xi32, #tpu.memory_space<vmem>>) semaphore(%arg13 : memref<!tpu.dma_semaphore, #tpu.memory_space<semaphore_mem>>)
    %dma_wait3A_17 = arith.constant 0 : i32
    %dma_wait3A_18 = tpu.memref_slice %arg7[%dma_wait3A_17] : memref<12288xf32, #tpu.memory_space<hbm>> -> memref<12288xf32, #tpu.memory_space<hbm>>
    tpu.wait_indirect_dma semaphore(%arg13 : memref<!tpu.dma_semaphore, #tpu.memory_space<semaphore_mem>>) src(%arg11 : memref<64xf32, #tpu.memory_space<vmem>>) dst(%dma_wait3A_18 : memref<12288xf32, #tpu.memory_space<hbm>>)
    %add3A_19 = arith.constant 64 : i32
    %add3A_20 = arith.addi %mul3A_2, %add3A_19 : i32
    "tpu.region"() ({
      %run_scoped3A = tpu.sem_alloc : memref<!tpu.dma_semaphore, #tpu.memory_space<semaphore_mem>>
      %dma_start3A_73 = tpu.memref_slice %arg3[%add3A_20] : memref<8192xi32, #tpu.memory_space<hbm>> -> memref<64xi32, #tpu.memory_space<hbm>>
      %dma_start3A_74 = tpu.memref_slice %arg3[%add3A_20] : memref<8192xi32, #tpu.memory_space<hbm>> -> memref<64xi32, #tpu.memory_space<hbm>>
      tpu.enqueue_dma source(%dma_start3A_74 : memref<64xi32, #tpu.memory_space<hbm>>) target(%arg8 : memref<64xi32, #tpu.memory_space<vmem>>) target_semaphore(%run_scoped3A : memref<!tpu.dma_semaphore, #tpu.memory_space<semaphore_mem>>)
      %dma_wait3A_75 = tpu.memref_slice %arg3[%add3A_20] : memref<8192xi32, #tpu.memory_space<hbm>> -> memref<64xi32, #tpu.memory_space<hbm>>
      %dma_wait3A_76 = tpu.memref_slice %arg3[%add3A_20] : memref<8192xi32, #tpu.memory_space<hbm>> -> memref<64xi32, #tpu.memory_space<hbm>>
      tpu.wait_dma2 semaphore(%run_scoped3A : memref<!tpu.dma_semaphore, #tpu.memory_space<semaphore_mem>>) src(%dma_wait3A_76 : memref<64xi32, #tpu.memory_space<hbm>>) dst(%arg8 : memref<64xi32, #tpu.memory_space<vmem>>)
      tpu.yield
    }) : () -> ()
    "tpu.region"() ({
      %run_scoped3A = tpu.sem_alloc : memref<!tpu.dma_semaphore, #tpu.memory_space<semaphore_mem>>
      %dma_start3A_73 = tpu.memref_slice %arg4[%add3A_20] : memref<8192xi32, #tpu.memory_space<hbm>> -> memref<64xi32, #tpu.memory_space<hbm>>
      %dma_start3A_74 = tpu.memref_slice %arg4[%add3A_20] : memref<8192xi32, #tpu.memory_space<hbm>> -> memref<64xi32, #tpu.memory_space<hbm>>
      tpu.enqueue_dma source(%dma_start3A_74 : memref<64xi32, #tpu.memory_space<hbm>>) target(%arg9 : memref<64xi32, #tpu.memory_space<vmem>>) target_semaphore(%run_scoped3A : memref<!tpu.dma_semaphore, #tpu.memory_space<semaphore_mem>>)
      %dma_wait3A_75 = tpu.memref_slice %arg4[%add3A_20] : memref<8192xi32, #tpu.memory_space<hbm>> -> memref<64xi32, #tpu.memory_space<hbm>>
      %dma_wait3A_76 = tpu.memref_slice %arg4[%add3A_20] : memref<8192xi32, #tpu.memory_space<hbm>> -> memref<64xi32, #tpu.memory_space<hbm>>
      tpu.wait_dma2 semaphore(%run_scoped3A : memref<!tpu.dma_semaphore, #tpu.memory_space<semaphore_mem>>) src(%dma_wait3A_76 : memref<64xi32, #tpu.memory_space<hbm>>) dst(%arg9 : memref<64xi32, #tpu.memory_space<vmem>>)
      tpu.yield
    }) : () -> ()
    "tpu.region"() ({
      %run_scoped3A = tpu.sem_alloc : memref<!tpu.dma_semaphore, #tpu.memory_space<semaphore_mem>>
      %dma_start3A_73 = tpu.memref_slice %arg5[%add3A_20] : memref<8192xf32, #tpu.memory_space<hbm>> -> memref<64xf32, #tpu.memory_space<hbm>>
      %dma_start3A_74 = tpu.memref_slice %arg5[%add3A_20] : memref<8192xf32, #tpu.memory_space<hbm>> -> memref<64xf32, #tpu.memory_space<hbm>>
      tpu.enqueue_dma source(%dma_start3A_74 : memref<64xf32, #tpu.memory_space<hbm>>) target(%arg11 : memref<64xf32, #tpu.memory_space<vmem>>) target_semaphore(%run_scoped3A : memref<!tpu.dma_semaphore, #tpu.memory_space<semaphore_mem>>)
      %dma_wait3A_75 = tpu.memref_slice %arg5[%add3A_20] : memref<8192xf32, #tpu.memory_space<hbm>> -> memref<64xf32, #tpu.memory_space<hbm>>
      %dma_wait3A_76 = tpu.memref_slice %arg5[%add3A_20] : memref<8192xf32, #tpu.memory_space<hbm>> -> memref<64xf32, #tpu.memory_space<hbm>>
      tpu.wait_dma2 semaphore(%run_scoped3A : memref<!tpu.dma_semaphore, #tpu.memory_space<semaphore_mem>>) src(%dma_wait3A_76 : memref<64xf32, #tpu.memory_space<hbm>>) dst(%arg11 : memref<64xf32, #tpu.memory_space<vmem>>)
      tpu.yield
    }) : () -> ()
    %dma_start3A_21 = arith.constant 0 : i32
    %dma_start3A_22 = arith.constant 0 : i32
    %dma_start3A_23 = tpu.memref_slice %arg2[%dma_start3A_21, %dma_start3A_22] : memref<4096x1024xf32, #tpu.memory_space<hbm>> -> memref<4096x1024xf32, #tpu.memory_space<hbm>>
    tpu.enqueue_indirect_dma source(%dma_start3A_23 : memref<4096x1024xf32, #tpu.memory_space<hbm>>) target(%arg10 : memref<64x1024xf32, #tpu.memory_space<vmem>>) offsets(%arg8 : memref<64xi32, #tpu.memory_space<vmem>>) semaphore(%arg12 : memref<!tpu.dma_semaphore, #tpu.memory_space<semaphore_mem>>)
    %dma_wait3A_24 = arith.constant 0 : i32
    %dma_wait3A_25 = arith.constant 0 : i32
    %dma_wait3A_26 = tpu.memref_slice %arg2[%dma_wait3A_24, %dma_wait3A_25] : memref<4096x1024xf32, #tpu.memory_space<hbm>> -> memref<4096x1024xf32, #tpu.memory_space<hbm>>
    tpu.wait_indirect_dma semaphore(%arg12 : memref<!tpu.dma_semaphore, #tpu.memory_space<semaphore_mem>>) src(%dma_wait3A_26 : memref<4096x1024xf32, #tpu.memory_space<hbm>>) dst(%arg10 : memref<64x1024xf32, #tpu.memory_space<vmem>>)
    %dma_start3A_27 = arith.constant 0 : i32
    %dma_start3A_28 = arith.constant 0 : i32
    %dma_start3A_29 = tpu.memref_slice %arg6[%dma_start3A_27, %dma_start3A_28] : memref<12288x1024xf32, #tpu.memory_space<hbm>> -> memref<12288x1024xf32, #tpu.memory_space<hbm>>
    tpu.enqueue_indirect_dma source(%arg10 : memref<64x1024xf32, #tpu.memory_space<vmem>>) target(%dma_start3A_29 : memref<12288x1024xf32, #tpu.memory_space<hbm>>) offsets(%arg9 : memref<64xi32, #tpu.memory_space<vmem>>) semaphore(%arg13 : memref<!tpu.dma_semaphore, #tpu.memory_space<semaphore_mem>>)
    %dma_wait3A_30 = arith.constant 0 : i32
    %dma_wait3A_31 = arith.constant 0 : i32
    %dma_wait3A_32 = tpu.memref_slice %arg6[%dma_wait3A_30, %dma_wait3A_31] : memref<12288x1024xf32, #tpu.memory_space<hbm>> -> memref<12288x1024xf32, #tpu.memory_space<hbm>>
    tpu.wait_indirect_dma semaphore(%arg13 : memref<!tpu.dma_semaphore, #tpu.memory_space<semaphore_mem>>) src(%arg10 : memref<64x1024xf32, #tpu.memory_space<vmem>>) dst(%dma_wait3A_32 : memref<12288x1024xf32, #tpu.memory_space<hbm>>)
    %dma_start3A_33 = arith.constant 0 : i32
    %dma_start3A_34 = tpu.memref_slice %arg7[%dma_start3A_33] : memref<12288xf32, #tpu.memory_space<hbm>> -> memref<12288xf32, #tpu.memory_space<hbm>>
    tpu.enqueue_indirect_dma source(%arg11 : memref<64xf32, #tpu.memory_space<vmem>>) target(%dma_start3A_34 : memref<12288xf32, #tpu.memory_space<hbm>>) offsets(%arg9 : memref<64xi32, #tpu.memory_space<vmem>>) semaphore(%arg13 : memref<!tpu.dma_semaphore, #tpu.memory_space<semaphore_mem>>)
    %dma_wait3A_35 = arith.constant 0 : i32
    %dma_wait3A_36 = tpu.memref_slice %arg7[%dma_wait3A_35] : memref<12288xf32, #tpu.memory_space<hbm>> -> memref<12288xf32, #tpu.memory_space<hbm>>
    tpu.wait_indirect_dma semaphore(%arg13 : memref<!tpu.dma_semaphore, #tpu.memory_space<semaphore_mem>>) src(%arg11 : memref<64xf32, #tpu.memory_space<vmem>>) dst(%dma_wait3A_36 : memref<12288xf32, #tpu.memory_space<hbm>>)
    %add3A_37 = arith.constant 128 : i32
    %add3A_38 = arith.addi %mul3A_2, %add3A_37 : i32
    "tpu.region"() ({
      %run_scoped3A = tpu.sem_alloc : memref<!tpu.dma_semaphore, #tpu.memory_space<semaphore_mem>>
      %dma_start3A_73 = tpu.memref_slice %arg3[%add3A_38] : memref<8192xi32, #tpu.memory_space<hbm>> -> memref<64xi32, #tpu.memory_space<hbm>>
      %dma_start3A_74 = tpu.memref_slice %arg3[%add3A_38] : memref<8192xi32, #tpu.memory_space<hbm>> -> memref<64xi32, #tpu.memory_space<hbm>>
      tpu.enqueue_dma source(%dma_start3A_74 : memref<64xi32, #tpu.memory_space<hbm>>) target(%arg8 : memref<64xi32, #tpu.memory_space<vmem>>) target_semaphore(%run_scoped3A : memref<!tpu.dma_semaphore, #tpu.memory_space<semaphore_mem>>)
      %dma_wait3A_75 = tpu.memref_slice %arg3[%add3A_38] : memref<8192xi32, #tpu.memory_space<hbm>> -> memref<64xi32, #tpu.memory_space<hbm>>
      %dma_wait3A_76 = tpu.memref_slice %arg3[%add3A_38] : memref<8192xi32, #tpu.memory_space<hbm>> -> memref<64xi32, #tpu.memory_space<hbm>>
      tpu.wait_dma2 semaphore(%run_scoped3A : memref<!tpu.dma_semaphore, #tpu.memory_space<semaphore_mem>>) src(%dma_wait3A_76 : memref<64xi32, #tpu.memory_space<hbm>>) dst(%arg8 : memref<64xi32, #tpu.memory_space<vmem>>)
      tpu.yield
    }) : () -> ()
    "tpu.region"() ({
      %run_scoped3A = tpu.sem_alloc : memref<!tpu.dma_semaphore, #tpu.memory_space<semaphore_mem>>
      %dma_start3A_73 = tpu.memref_slice %arg4[%add3A_38] : memref<8192xi32, #tpu.memory_space<hbm>> -> memref<64xi32, #tpu.memory_space<hbm>>
      %dma_start3A_74 = tpu.memref_slice %arg4[%add3A_38] : memref<8192xi32, #tpu.memory_space<hbm>> -> memref<64xi32, #tpu.memory_space<hbm>>
      tpu.enqueue_dma source(%dma_start3A_74 : memref<64xi32, #tpu.memory_space<hbm>>) target(%arg9 : memref<64xi32, #tpu.memory_space<vmem>>) target_semaphore(%run_scoped3A : memref<!tpu.dma_semaphore, #tpu.memory_space<semaphore_mem>>)
      %dma_wait3A_75 = tpu.memref_slice %arg4[%add3A_38] : memref<8192xi32, #tpu.memory_space<hbm>> -> memref<64xi32, #tpu.memory_space<hbm>>
      %dma_wait3A_76 = tpu.memref_slice %arg4[%add3A_38] : memref<8192xi32, #tpu.memory_space<hbm>> -> memref<64xi32, #tpu.memory_space<hbm>>
      tpu.wait_dma2 semaphore(%run_scoped3A : memref<!tpu.dma_semaphore, #tpu.memory_space<semaphore_mem>>) src(%dma_wait3A_76 : memref<64xi32, #tpu.memory_space<hbm>>) dst(%arg9 : memref<64xi32, #tpu.memory_space<vmem>>)
      tpu.yield
    }) : () -> ()
    "tpu.region"() ({
      %run_scoped3A = tpu.sem_alloc : memref<!tpu.dma_semaphore, #tpu.memory_space<semaphore_mem>>
      %dma_start3A_73 = tpu.memref_slice %arg5[%add3A_38] : memref<8192xf32, #tpu.memory_space<hbm>> -> memref<64xf32, #tpu.memory_space<hbm>>
      %dma_start3A_74 = tpu.memref_slice %arg5[%add3A_38] : memref<8192xf32, #tpu.memory_space<hbm>> -> memref<64xf32, #tpu.memory_space<hbm>>
      tpu.enqueue_dma source(%dma_start3A_74 : memref<64xf32, #tpu.memory_space<hbm>>) target(%arg11 : memref<64xf32, #tpu.memory_space<vmem>>) target_semaphore(%run_scoped3A : memref<!tpu.dma_semaphore, #tpu.memory_space<semaphore_mem>>)
      %dma_wait3A_75 = tpu.memref_slice %arg5[%add3A_38] : memref<8192xf32, #tpu.memory_space<hbm>> -> memref<64xf32, #tpu.memory_space<hbm>>
      %dma_wait3A_76 = tpu.memref_slice %arg5[%add3A_38] : memref<8192xf32, #tpu.memory_space<hbm>> -> memref<64xf32, #tpu.memory_space<hbm>>
      tpu.wait_dma2 semaphore(%run_scoped3A : memref<!tpu.dma_semaphore, #tpu.memory_space<semaphore_mem>>) src(%dma_wait3A_76 : memref<64xf32, #tpu.memory_space<hbm>>) dst(%arg11 : memref<64xf32, #tpu.memory_space<vmem>>)
      tpu.yield
    }) : () -> ()
    %dma_start3A_39 = arith.constant 0 : i32
    %dma_start3A_40 = arith.constant 0 : i32
    %dma_start3A_41 = tpu.memref_slice %arg2[%dma_start3A_39, %dma_start3A_40] : memref<4096x1024xf32, #tpu.memory_space<hbm>> -> memref<4096x1024xf32, #tpu.memory_space<hbm>>
    tpu.enqueue_indirect_dma source(%dma_start3A_41 : memref<4096x1024xf32, #tpu.memory_space<hbm>>) target(%arg10 : memref<64x1024xf32, #tpu.memory_space<vmem>>) offsets(%arg8 : memref<64xi32, #tpu.memory_space<vmem>>) semaphore(%arg12 : memref<!tpu.dma_semaphore, #tpu.memory_space<semaphore_mem>>)
    %dma_wait3A_42 = arith.constant 0 : i32
    %dma_wait3A_43 = arith.constant 0 : i32
    %dma_wait3A_44 = tpu.memref_slice %arg2[%dma_wait3A_42, %dma_wait3A_43] : memref<4096x1024xf32, #tpu.memory_space<hbm>> -> memref<4096x1024xf32, #tpu.memory_space<hbm>>
    tpu.wait_indirect_dma semaphore(%arg12 : memref<!tpu.dma_semaphore, #tpu.memory_space<semaphore_mem>>) src(%dma_wait3A_44 : memref<4096x1024xf32, #tpu.memory_space<hbm>>) dst(%arg10 : memref<64x1024xf32, #tpu.memory_space<vmem>>)
    %dma_start3A_45 = arith.constant 0 : i32
    %dma_start3A_46 = arith.constant 0 : i32
    %dma_start3A_47 = tpu.memref_slice %arg6[%dma_start3A_45, %dma_start3A_46] : memref<12288x1024xf32, #tpu.memory_space<hbm>> -> memref<12288x1024xf32, #tpu.memory_space<hbm>>
    tpu.enqueue_indirect_dma source(%arg10 : memref<64x1024xf32, #tpu.memory_space<vmem>>) target(%dma_start3A_47 : memref<12288x1024xf32, #tpu.memory_space<hbm>>) offsets(%arg9 : memref<64xi32, #tpu.memory_space<vmem>>) semaphore(%arg13 : memref<!tpu.dma_semaphore, #tpu.memory_space<semaphore_mem>>)
    %dma_wait3A_48 = arith.constant 0 : i32
    %dma_wait3A_49 = arith.constant 0 : i32
    %dma_wait3A_50 = tpu.memref_slice %arg6[%dma_wait3A_48, %dma_wait3A_49] : memref<12288x1024xf32, #tpu.memory_space<hbm>> -> memref<12288x1024xf32, #tpu.memory_space<hbm>>
    tpu.wait_indirect_dma semaphore(%arg13 : memref<!tpu.dma_semaphore, #tpu.memory_space<semaphore_mem>>) src(%arg10 : memref<64x1024xf32, #tpu.memory_space<vmem>>) dst(%dma_wait3A_50 : memref<12288x1024xf32, #tpu.memory_space<hbm>>)
    %dma_start3A_51 = arith.constant 0 : i32
    %dma_start3A_52 = tpu.memref_slice %arg7[%dma_start3A_51] : memref<12288xf32, #tpu.memory_space<hbm>> -> memref<12288xf32, #tpu.memory_space<hbm>>
    tpu.enqueue_indirect_dma source(%arg11 : memref<64xf32, #tpu.memory_space<vmem>>) target(%dma_start3A_52 : memref<12288xf32, #tpu.memory_space<hbm>>) offsets(%arg9 : memref<64xi32, #tpu.memory_space<vmem>>) semaphore(%arg13 : memref<!tpu.dma_semaphore, #tpu.memory_space<semaphore_mem>>)
    %dma_wait3A_53 = arith.constant 0 : i32
    %dma_wait3A_54 = tpu.memref_slice %arg7[%dma_wait3A_53] : memref<12288xf32, #tpu.memory_space<hbm>> -> memref<12288xf32, #tpu.memory_space<hbm>>
    tpu.wait_indirect_dma semaphore(%arg13 : memref<!tpu.dma_semaphore, #tpu.memory_space<semaphore_mem>>) src(%arg11 : memref<64xf32, #tpu.memory_space<vmem>>) dst(%dma_wait3A_54 : memref<12288xf32, #tpu.memory_space<hbm>>)
    %add3A_55 = arith.constant 192 : i32
    %add3A_56 = arith.addi %mul3A_2, %add3A_55 : i32
    "tpu.region"() ({
      %run_scoped3A = tpu.sem_alloc : memref<!tpu.dma_semaphore, #tpu.memory_space<semaphore_mem>>
      %dma_start3A_73 = tpu.memref_slice %arg3[%add3A_56] : memref<8192xi32, #tpu.memory_space<hbm>> -> memref<64xi32, #tpu.memory_space<hbm>>
      %dma_start3A_74 = tpu.memref_slice %arg3[%add3A_56] : memref<8192xi32, #tpu.memory_space<hbm>> -> memref<64xi32, #tpu.memory_space<hbm>>
      tpu.enqueue_dma source(%dma_start3A_74 : memref<64xi32, #tpu.memory_space<hbm>>) target(%arg8 : memref<64xi32, #tpu.memory_space<vmem>>) target_semaphore(%run_scoped3A : memref<!tpu.dma_semaphore, #tpu.memory_space<semaphore_mem>>)
      %dma_wait3A_75 = tpu.memref_slice %arg3[%add3A_56] : memref<8192xi32, #tpu.memory_space<hbm>> -> memref<64xi32, #tpu.memory_space<hbm>>
      %dma_wait3A_76 = tpu.memref_slice %arg3[%add3A_56] : memref<8192xi32, #tpu.memory_space<hbm>> -> memref<64xi32, #tpu.memory_space<hbm>>
      tpu.wait_dma2 semaphore(%run_scoped3A : memref<!tpu.dma_semaphore, #tpu.memory_space<semaphore_mem>>) src(%dma_wait3A_76 : memref<64xi32, #tpu.memory_space<hbm>>) dst(%arg8 : memref<64xi32, #tpu.memory_space<vmem>>)
      tpu.yield
    }) : () -> ()
    "tpu.region"() ({
      %run_scoped3A = tpu.sem_alloc : memref<!tpu.dma_semaphore, #tpu.memory_space<semaphore_mem>>
      %dma_start3A_73 = tpu.memref_slice %arg4[%add3A_56] : memref<8192xi32, #tpu.memory_space<hbm>> -> memref<64xi32, #tpu.memory_space<hbm>>
      %dma_start3A_74 = tpu.memref_slice %arg4[%add3A_56] : memref<8192xi32, #tpu.memory_space<hbm>> -> memref<64xi32, #tpu.memory_space<hbm>>
      tpu.enqueue_dma source(%dma_start3A_74 : memref<64xi32, #tpu.memory_space<hbm>>) target(%arg9 : memref<64xi32, #tpu.memory_space<vmem>>) target_semaphore(%run_scoped3A : memref<!tpu.dma_semaphore, #tpu.memory_space<semaphore_mem>>)
      %dma_wait3A_75 = tpu.memref_slice %arg4[%add3A_56] : memref<8192xi32, #tpu.memory_space<hbm>> -> memref<64xi32, #tpu.memory_space<hbm>>
      %dma_wait3A_76 = tpu.memref_slice %arg4[%add3A_56] : memref<8192xi32, #tpu.memory_space<hbm>> -> memref<64xi32, #tpu.memory_space<hbm>>
      tpu.wait_dma2 semaphore(%run_scoped3A : memref<!tpu.dma_semaphore, #tpu.memory_space<semaphore_mem>>) src(%dma_wait3A_76 : memref<64xi32, #tpu.memory_space<hbm>>) dst(%arg9 : memref<64xi32, #tpu.memory_space<vmem>>)
      tpu.yield
    }) : () -> ()
    "tpu.region"() ({
      %run_scoped3A = tpu.sem_alloc : memref<!tpu.dma_semaphore, #tpu.memory_space<semaphore_mem>>
      %dma_start3A_73 = tpu.memref_slice %arg5[%add3A_56] : memref<8192xf32, #tpu.memory_space<hbm>> -> memref<64xf32, #tpu.memory_space<hbm>>
      %dma_start3A_74 = tpu.memref_slice %arg5[%add3A_56] : memref<8192xf32, #tpu.memory_space<hbm>> -> memref<64xf32, #tpu.memory_space<hbm>>
      tpu.enqueue_dma source(%dma_start3A_74 : memref<64xf32, #tpu.memory_space<hbm>>) target(%arg11 : memref<64xf32, #tpu.memory_space<vmem>>) target_semaphore(%run_scoped3A : memref<!tpu.dma_semaphore, #tpu.memory_space<semaphore_mem>>)
      %dma_wait3A_75 = tpu.memref_slice %arg5[%add3A_56] : memref<8192xf32, #tpu.memory_space<hbm>> -> memref<64xf32, #tpu.memory_space<hbm>>
      %dma_wait3A_76 = tpu.memref_slice %arg5[%add3A_56] : memref<8192xf32, #tpu.memory_space<hbm>> -> memref<64xf32, #tpu.memory_space<hbm>>
      tpu.wait_dma2 semaphore(%run_scoped3A : memref<!tpu.dma_semaphore, #tpu.memory_space<semaphore_mem>>) src(%dma_wait3A_76 : memref<64xf32, #tpu.memory_space<hbm>>) dst(%arg11 : memref<64xf32, #tpu.memory_space<vmem>>)
      tpu.yield
    }) : () -> ()
    %dma_start3A_57 = arith.constant 0 : i32
    %dma_start3A_58 = arith.constant 0 : i32
    %dma_start3A_59 = tpu.memref_slice %arg2[%dma_start3A_57, %dma_start3A_58] : memref<4096x1024xf32, #tpu.memory_space<hbm>> -> memref<4096x1024xf32, #tpu.memory_space<hbm>>
    tpu.enqueue_indirect_dma source(%dma_start3A_59 : memref<4096x1024xf32, #tpu.memory_space<hbm>>) target(%arg10 : memref<64x1024xf32, #tpu.memory_space<vmem>>) offsets(%arg8 : memref<64xi32, #tpu.memory_space<vmem>>) semaphore(%arg12 : memref<!tpu.dma_semaphore, #tpu.memory_space<semaphore_mem>>)
    %dma_wait3A_60 = arith.constant 0 : i32
    %dma_wait3A_61 = arith.constant 0 : i32
    %dma_wait3A_62 = tpu.memref_slice %arg2[%dma_wait3A_60, %dma_wait3A_61] : memref<4096x1024xf32, #tpu.memory_space<hbm>> -> memref<4096x1024xf32, #tpu.memory_space<hbm>>
    tpu.wait_indirect_dma semaphore(%arg12 : memref<!tpu.dma_semaphore, #tpu.memory_space<semaphore_mem>>) src(%dma_wait3A_62 : memref<4096x1024xf32, #tpu.memory_space<hbm>>) dst(%arg10 : memref<64x1024xf32, #tpu.memory_space<vmem>>)
    %dma_start3A_63 = arith.constant 0 : i32
    %dma_start3A_64 = arith.constant 0 : i32
    %dma_start3A_65 = tpu.memref_slice %arg6[%dma_start3A_63, %dma_start3A_64] : memref<12288x1024xf32, #tpu.memory_space<hbm>> -> memref<12288x1024xf32, #tpu.memory_space<hbm>>
    tpu.enqueue_indirect_dma source(%arg10 : memref<64x1024xf32, #tpu.memory_space<vmem>>) target(%dma_start3A_65 : memref<12288x1024xf32, #tpu.memory_space<hbm>>) offsets(%arg9 : memref<64xi32, #tpu.memory_space<vmem>>) semaphore(%arg13 : memref<!tpu.dma_semaphore, #tpu.memory_space<semaphore_mem>>)
    %dma_wait3A_66 = arith.constant 0 : i32
    %dma_wait3A_67 = arith.constant 0 : i32
    %dma_wait3A_68 = tpu.memref_slice %arg6[%dma_wait3A_66, %dma_wait3A_67] : memref<12288x1024xf32, #tpu.memory_space<hbm>> -> memref<12288x1024xf32, #tpu.memory_space<hbm>>
    tpu.wait_indirect_dma semaphore(%arg13 : memref<!tpu.dma_semaphore, #tpu.memory_space<semaphore_mem>>) src(%arg10 : memref<64x1024xf32, #tpu.memory_space<vmem>>) dst(%dma_wait3A_68 : memref<12288x1024xf32, #tpu.memory_space<hbm>>)
    %dma_start3A_69 = arith.constant 0 : i32
    %dma_start3A_70 = tpu.memref_slice %arg7[%dma_start3A_69] : memref<12288xf32, #tpu.memory_space<hbm>> -> memref<12288xf32, #tpu.memory_space<hbm>>
    tpu.enqueue_indirect_dma source(%arg11 : memref<64xf32, #tpu.memory_space<vmem>>) target(%dma_start3A_70 : memref<12288xf32, #tpu.memory_space<hbm>>) offsets(%arg9 : memref<64xi32, #tpu.memory_space<vmem>>) semaphore(%arg13 : memref<!tpu.dma_semaphore, #tpu.memory_space<semaphore_mem>>)
    %dma_wait3A_71 = arith.constant 0 : i32
    %dma_wait3A_72 = tpu.memref_slice %arg7[%dma_wait3A_71] : memref<12288xf32, #tpu.memory_space<hbm>> -> memref<12288xf32, #tpu.memory_space<hbm>>
    tpu.wait_indirect_dma semaphore(%arg13 : memref<!tpu.dma_semaphore, #tpu.memory_space<semaphore_mem>>) src(%arg11 : memref<64xf32, #tpu.memory_space<vmem>>) dst(%dma_wait3A_72 : memref<12288xf32, #tpu.memory_space<hbm>>)
    return
  }
}

module attributes {stable_mosaic.version = 14 : i64} {
  func.func @_router_body(%arg0: i32, %arg1: memref<512x1024xf32, #tpu.memory_space<vmem>>, %arg2: memref<128x1024xf32, #tpu.memory_space<vmem>>, %arg3: memref<512x128xi32, #tpu.memory_space<vmem>>, %arg4: memref<512x128xf32, #tpu.memory_space<vmem>>) attributes {dimension_semantics = [#tpu.dimension_semantics<arbitrary>], iteration_bounds = array<i64: 8>, scalar_prefetch = 0 : i64, scratch_operands = 0 : i64, tpu.core_type = #tpu.core_type<tc>, window_params = [{transform_indices = @transform_0, window_bounds = array<i64: 512, 1024>}, {pipeline_mode = #tpu.pipeline_mode<synchronous>, transform_indices = @transform_1, window_bounds = array<i64: 128, 1024>}, {transform_indices = @transform_2, window_bounds = array<i64: 512, 128>}, {transform_indices = @transform_3, window_bounds = array<i64: 512, 128>}]} {
    %get3A = arith.constant 0 : index
    %get3A_0 = arith.constant 0 : index
    %get3A_1 = vector.load %arg1[%get3A, %get3A_0] : memref<512x1024xf32, #tpu.memory_space<vmem>>, vector<512x1024xf32>
    %get3A_2 = arith.constant 0 : index
    %get3A_3 = arith.constant 0 : index
    %get3A_4 = vector.load %arg2[%get3A_2, %get3A_3] : memref<128x1024xf32, #tpu.memory_space<vmem>>, vector<128x1024xf32>
    %dot_general3A = arith.constant dense<0.000000e+00> : vector<512x128xf32>
    %dot_general3A_5 = tpu.matmul %get3A_1, %get3A_4, %dot_general3A {dimension_numbers = #tpu.dot_dimension_numbers<[1], [1], [0], [0], [0, 0, 1, 0], [], []>, transpose_lhs_hint = false} : vector<512x1024xf32>, vector<128x1024xf32>, vector<512x128xf32> -> vector<512x128xf32>
    %iota3A = tpu.iota {dimensions = array<i32: 1>} : vector<512x128xi32>
    %lt3A = arith.constant 8 : i32
    %lt3A_6 = vector.broadcast %lt3A : i32 to vector<512x128xi32>
    %lt3A_7 = arith.cmpi slt, %iota3A, %lt3A_6 : vector<512x128xi32>
    %jit3A = arith.constant -1.000000e+30 : f32
    %broadcast_in_dim3A = vector.broadcast %jit3A : f32 to vector<512x128xf32>
    %select_n3A = arith.select %lt3A_7, %dot_general3A_5, %broadcast_in_dim3A : vector<512x128xi1>, vector<512x128xf32>
    %reduce_max3A = arith.constant dense<0xFF800000> : vector<512xf32>
    %reduce_max3A_8 = vector.multi_reduction <maximumf>, %select_n3A, %reduce_max3A [1] : vector<512x128xf32> to vector<512xf32>
    %broadcast_in_dim3A_9 = vector.shape_cast %reduce_max3A_8 : vector<512xf32> to vector<512x1xf32>
    %eq3A = vector.broadcast %broadcast_in_dim3A_9 : vector<512x1xf32> to vector<512x128xf32>
    %eq3A_10 = arith.cmpf oeq, %select_n3A, %eq3A : vector<512x128xf32>
    %jit3A_11 = arith.constant 127 : i32
    %broadcast_in_dim3A_12 = vector.broadcast %jit3A_11 : i32 to vector<512x128xi32>
    %select_n3A_13 = arith.select %eq3A_10, %iota3A, %broadcast_in_dim3A_12 : vector<512x128xi1>, vector<512x128xi32>
    %reduce_min3A = arith.constant dense<2147483647> : vector<512xi32>
    %reduce_min3A_14 = vector.multi_reduction <minsi>, %select_n3A_13, %reduce_min3A [1] : vector<512x128xi32> to vector<512xi32>
    %broadcast_in_dim3A_15 = vector.shape_cast %reduce_min3A_14 : vector<512xi32> to vector<512x1xi32>
    %eq3A_16 = vector.broadcast %broadcast_in_dim3A_15 : vector<512x1xi32> to vector<512x128xi32>
    %eq3A_17 = arith.cmpi eq, %iota3A, %eq3A_16 : vector<512x128xi32>
    %jit3A_18 = arith.constant -1.000000e+30 : f32
    %broadcast_in_dim3A_19 = vector.broadcast %jit3A_18 : f32 to vector<512x128xf32>
    %select_n3A_20 = arith.select %eq3A_17, %broadcast_in_dim3A_19, %select_n3A : vector<512x128xi1>, vector<512x128xf32>
    %reduce_max3A_21 = arith.constant dense<0xFF800000> : vector<512xf32>
    %reduce_max3A_22 = vector.multi_reduction <maximumf>, %select_n3A_20, %reduce_max3A_21 [1] : vector<512x128xf32> to vector<512xf32>
    %broadcast_in_dim3A_23 = vector.shape_cast %reduce_max3A_22 : vector<512xf32> to vector<512x1xf32>
    %eq3A_24 = vector.broadcast %broadcast_in_dim3A_23 : vector<512x1xf32> to vector<512x128xf32>
    %eq3A_25 = arith.cmpf oeq, %select_n3A_20, %eq3A_24 : vector<512x128xf32>
    %jit3A_26 = arith.constant 127 : i32
    %broadcast_in_dim3A_27 = vector.broadcast %jit3A_26 : i32 to vector<512x128xi32>
    %select_n3A_28 = arith.select %eq3A_25, %iota3A, %broadcast_in_dim3A_27 : vector<512x128xi1>, vector<512x128xi32>
    %reduce_min3A_29 = arith.constant dense<2147483647> : vector<512xi32>
    %reduce_min3A_30 = vector.multi_reduction <minsi>, %select_n3A_28, %reduce_min3A_29 [1] : vector<512x128xi32> to vector<512xi32>
    %broadcast_in_dim3A_31 = vector.shape_cast %reduce_min3A_30 : vector<512xi32> to vector<512x1xi32>
    %sub3A = arith.subf %broadcast_in_dim3A_23, %broadcast_in_dim3A_9 : vector<512x1xf32>
    %exp3A = math.exp %sub3A : vector<512x1xf32>
    %add3A = arith.constant 1.000000e+00 : f32
    %add3A_32 = vector.broadcast %add3A : f32 to vector<512x1xf32>
    %add3A_33 = arith.addf %add3A_32, %exp3A : vector<512x1xf32>
    %div3A = arith.constant 1.000000e+00 : f32
    %div3A_34 = vector.broadcast %div3A : f32 to vector<512x1xf32>
    %div3A_35 = arith.divf %div3A_34, %add3A_33 : vector<512x1xf32>
    %add3A_36 = arith.constant 1.000000e+00 : f32
    %add3A_37 = vector.broadcast %add3A_36 : f32 to vector<512x1xf32>
    %add3A_38 = arith.addf %add3A_37, %exp3A : vector<512x1xf32>
    %div3A_39 = arith.divf %exp3A, %add3A_38 : vector<512x1xf32>
    %eq3A_40 = arith.constant 0 : i32
    %eq3A_41 = vector.broadcast %eq3A_40 : i32 to vector<512x128xi32>
    %eq3A_42 = arith.cmpi eq, %iota3A, %eq3A_41 : vector<512x128xi32>
    %broadcast_in_dim3A_43 = vector.shape_cast %broadcast_in_dim3A_15 : vector<512x1xi32> to vector<512x1xi32>
    %broadcast_in_dim3A_44 = vector.broadcast %broadcast_in_dim3A_43 : vector<512x1xi32> to vector<512x128xi32>
    %broadcast_in_dim3A_45 = vector.shape_cast %broadcast_in_dim3A_31 : vector<512x1xi32> to vector<512x1xi32>
    %broadcast_in_dim3A_46 = vector.broadcast %broadcast_in_dim3A_45 : vector<512x1xi32> to vector<512x128xi32>
    %select_n3A_47 = arith.select %eq3A_42, %broadcast_in_dim3A_44, %broadcast_in_dim3A_46 : vector<512x128xi1>, vector<512x128xi32>
    %swap3A = arith.constant 0 : index
    %swap3A_48 = arith.constant 0 : index
    %swap3A_49 = vector.load %arg3[%swap3A, %swap3A_48] : memref<512x128xi32, #tpu.memory_space<vmem>>, vector<512x128xi32>
    tpu.vector_store %arg3[%swap3A, %swap3A_48], %select_n3A_47 {strides = array<i32>} : memref<512x128xi32, #tpu.memory_space<vmem>>, vector<512x128xi32>,
    %eq3A_50 = arith.constant 0 : i32
    %eq3A_51 = vector.broadcast %eq3A_50 : i32 to vector<512x128xi32>
    %eq3A_52 = arith.cmpi eq, %iota3A, %eq3A_51 : vector<512x128xi32>
    %broadcast_in_dim3A_53 = vector.shape_cast %div3A_35 : vector<512x1xf32> to vector<512x1xf32>
    %broadcast_in_dim3A_54 = vector.broadcast %broadcast_in_dim3A_53 : vector<512x1xf32> to vector<512x128xf32>
    %broadcast_in_dim3A_55 = vector.shape_cast %div3A_39 : vector<512x1xf32> to vector<512x1xf32>
    %broadcast_in_dim3A_56 = vector.broadcast %broadcast_in_dim3A_55 : vector<512x1xf32> to vector<512x128xf32>
    %select_n3A_57 = arith.select %eq3A_52, %broadcast_in_dim3A_54, %broadcast_in_dim3A_56 : vector<512x128xi1>, vector<512x128xf32>
    %swap3A_58 = arith.constant 0 : index
    %swap3A_59 = arith.constant 0 : index
    %swap3A_60 = vector.load %arg4[%swap3A_58, %swap3A_59] : memref<512x128xf32, #tpu.memory_space<vmem>>, vector<512x128xf32>
    tpu.vector_store %arg4[%swap3A_58, %swap3A_59], %select_n3A_57 {strides = array<i32>} : memref<512x128xf32, #tpu.memory_space<vmem>>, vector<512x128xf32>,
    return
  }
  func.func @transform_0(%arg0: i32) -> (i32, i32) {
    %c0_i32 = arith.constant 0 : i32
    %c0_i32_0 = arith.constant 0 : i32
    return %arg0, %c0_i32 : i32, i32
  }
  func.func @transform_1(%arg0: i32) -> (i32, i32) {
    %c0_i32 = arith.constant 0 : i32
    %c0_i32_0 = arith.constant 0 : i32
    %c0_i32_1 = arith.constant 0 : i32
    return %c0_i32, %c0_i32_0 : i32, i32
  }
  func.func @transform_2(%arg0: i32) -> (i32, i32) {
    %c0_i32 = arith.constant 0 : i32
    %c0_i32_0 = arith.constant 0 : i32
    return %arg0, %c0_i32 : i32, i32
  }
  func.func @transform_3(%arg0: i32) -> (i32, i32) {
    %c0_i32 = arith.constant 0 : i32
    %c0_i32_0 = arith.constant 0 : i32
    return %arg0, %c0_i32 : i32, i32
  }
}

module attributes {stable_mosaic.version = 14 : i64} {
  func.func @_ffn_body(%arg0: i32, %arg1: i32, %arg2: memref<24xi32, #tpu.memory_space<smem>>, %arg3: memref<512x1024xf32, #tpu.memory_space<vmem>>, %arg4: memref<1x1024x1024xf32, #tpu.memory_space<vmem>>, %arg5: memref<1x1024x1024xf32, #tpu.memory_space<vmem>>, %arg6: memref<1x1x512xf32, #tpu.memory_space<vmem>>, %arg7: memref<512x1024xf32, #tpu.memory_space<vmem>>) attributes {dimension_semantics = [#tpu.dimension_semantics<arbitrary>, #tpu.dimension_semantics<arbitrary>], iteration_bounds = array<i64: 24, 4>, scalar_prefetch = 1 : i64, scratch_operands = 0 : i64, tpu.core_type = #tpu.core_type<tc>, window_params = [{transform_indices = @transform_0, window_bounds = array<i64: 512, 1024>}, {transform_indices = @transform_1, window_bounds = array<i64: 1, 1024, 1024>}, {transform_indices = @transform_2, window_bounds = array<i64: 1, 1024, 1024>}, {transform_indices = @transform_3, window_bounds = array<i64: 1, 1, 512>}, {transform_indices = @transform_4, window_bounds = array<i64: 512, 1024>}]} {
    %get3A = arith.constant 0 : index
    %get3A_0 = arith.constant 0 : index
    %get3A_1 = vector.load %arg3[%get3A, %get3A_0] : memref<512x1024xf32, #tpu.memory_space<vmem>>, vector<512x1024xf32>
    %get3A_2 = arith.constant 0 : index
    %get3A_3 = arith.constant 0 : index
    %get3A_4 = arith.constant 0 : index
    %get3A_5 = vector.load %arg4[%get3A_2, %get3A_3, %get3A_4] : memref<1x1024x1024xf32, #tpu.memory_space<vmem>>, vector<1x1024x1024xf32>
    %get3A_6 = vector.shape_cast %get3A_5 : vector<1x1024x1024xf32> to vector<1024x1024xf32>
    %dot_general3A = arith.constant dense<0.000000e+00> : vector<512x1024xf32>
    %dot_general3A_7 = tpu.matmul %get3A_1, %get3A_6, %dot_general3A {dimension_numbers = #tpu.dot_dimension_numbers<[1], [1], [0], [0], [0, 0, 1, 0], [], []>, transpose_lhs_hint = false} : vector<512x1024xf32>, vector<1024x1024xf32>, vector<512x1024xf32> -> vector<512x1024xf32>
    %mul3A = arith.constant 5.000000e-01 : f32
    %mul3A_8 = vector.broadcast %mul3A : f32 to vector<512x1024xf32>
    %mul3A_9 = arith.mulf %dot_general3A_7, %mul3A_8 : vector<512x1024xf32>
    %mul3A_10 = arith.constant 0.707106769 : f32
    %mul3A_11 = vector.broadcast %mul3A_10 : f32 to vector<512x1024xf32>
    %mul3A_12 = arith.mulf %dot_general3A_7, %mul3A_11 : vector<512x1024xf32>
    %erf3A = math.erf %mul3A_12 : vector<512x1024xf32>
    %add3A = arith.constant 1.000000e+00 : f32
    %add3A_13 = vector.broadcast %add3A : f32 to vector<512x1024xf32>
    %add3A_14 = arith.addf %add3A_13, %erf3A : vector<512x1024xf32>
    %mul3A_15 = arith.mulf %mul3A_9, %add3A_14 : vector<512x1024xf32>
    %get3A_16 = arith.constant 0 : index
    %get3A_17 = arith.constant 0 : index
    %get3A_18 = arith.constant 0 : index
    %get3A_19 = vector.load %arg5[%get3A_16, %get3A_17, %get3A_18] : memref<1x1024x1024xf32, #tpu.memory_space<vmem>>, vector<1x1024x1024xf32>
    %get3A_20 = vector.shape_cast %get3A_19 : vector<1x1024x1024xf32> to vector<1024x1024xf32>
    %dot_general3A_21 = arith.constant dense<0.000000e+00> : vector<512x1024xf32>
    %dot_general3A_22 = tpu.matmul %mul3A_15, %get3A_20, %dot_general3A_21 {dimension_numbers = #tpu.dot_dimension_numbers<[1], [1], [0], [0], [0, 0, 1, 0], [], []>, transpose_lhs_hint = false} : vector<512x1024xf32>, vector<1024x1024xf32>, vector<512x1024xf32> -> vector<512x1024xf32>
    %eq3A = arith.constant 0 : i32
    %eq3A_23 = arith.cmpi eq, %arg1, %eq3A : i32
    %convert_element_type3A = arith.extui %eq3A_23 : i1 to i32
    %cond3A = arith.constant 0 : i32
    %cond3A_24 = arith.cmpi ne, %convert_element_type3A, %cond3A : i32
    scf.if %cond3A_24 {
      %swap3A = arith.constant 0 : index
      %swap3A_34 = arith.constant 0 : index
      %swap3A_35 = vector.load %arg7[%swap3A, %swap3A_34] : memref<512x1024xf32, #tpu.memory_space<vmem>>, vector<512x1024xf32>
      tpu.vector_store %arg7[%swap3A, %swap3A_34], %dot_general3A_22 {strides = array<i32>} : memref<512x1024xf32, #tpu.memory_space<vmem>>, vector<512x1024xf32>,
    } else {
    }
    %gt3A = arith.constant 0 : i32
    %gt3A_25 = arith.cmpi sgt, %arg1, %gt3A : i32
    %convert_element_type3A_26 = arith.extui %gt3A_25 : i1 to i32
    %cond3A_27 = arith.constant 0 : i32
    %cond3A_28 = arith.cmpi ne, %convert_element_type3A_26, %cond3A_27 : i32
    scf.if %cond3A_28 {
      %get3A_34 = arith.constant 0 : index
      %get3A_35 = arith.constant 0 : index
      %get3A_36 = vector.load %arg7[%get3A_34, %get3A_35] : memref<512x1024xf32, #tpu.memory_space<vmem>>, vector<512x1024xf32>
      %add3A_37 = arith.addf %get3A_36, %dot_general3A_22 : vector<512x1024xf32>
      %swap3A = arith.constant 0 : index
      %swap3A_38 = arith.constant 0 : index
      %swap3A_39 = vector.load %arg7[%swap3A, %swap3A_38] : memref<512x1024xf32, #tpu.memory_space<vmem>>, vector<512x1024xf32>
      tpu.vector_store %arg7[%swap3A, %swap3A_38], %add3A_37 {strides = array<i32>} : memref<512x1024xf32, #tpu.memory_space<vmem>>, vector<512x1024xf32>,
    } else {
    }
    %eq3A_29 = arith.constant 3 : i32
    %eq3A_30 = arith.cmpi eq, %arg1, %eq3A_29 : i32
    %convert_element_type3A_31 = arith.extui %eq3A_30 : i1 to i32
    %cond3A_32 = arith.constant 0 : i32
    %cond3A_33 = arith.cmpi ne, %convert_element_type3A_31, %cond3A_32 : i32
    scf.if %cond3A_33 {
      %get3A_34 = arith.constant 0 : index
      %get3A_35 = arith.constant 0 : index
      %get3A_36 = vector.load %arg7[%get3A_34, %get3A_35] : memref<512x1024xf32, #tpu.memory_space<vmem>>, vector<512x1024xf32>
      %get3A_37 = arith.constant 0 : index
      %get3A_38 = arith.constant 0 : index
      %get3A_39 = arith.constant 0 : index
      %get3A_40 = vector.load %arg6[%get3A_37, %get3A_38, %get3A_39] : memref<1x1x512xf32, #tpu.memory_space<vmem>>, vector<1x1x512xf32>
      %get3A_41 = vector.shape_cast %get3A_40 : vector<1x1x512xf32> to vector<512xf32>
      %broadcast_in_dim3A = vector.shape_cast %get3A_41 : vector<512xf32> to vector<512x1xf32>
      %mul3A_42 = vector.broadcast %broadcast_in_dim3A : vector<512x1xf32> to vector<512x1024xf32>
      %mul3A_43 = arith.mulf %get3A_36, %mul3A_42 : vector<512x1024xf32>
      %swap3A = arith.constant 0 : index
      %swap3A_44 = arith.constant 0 : index
      %swap3A_45 = vector.load %arg7[%swap3A, %swap3A_44] : memref<512x1024xf32, #tpu.memory_space<vmem>>, vector<512x1024xf32>
      tpu.vector_store %arg7[%swap3A, %swap3A_44], %mul3A_43 {strides = array<i32>} : memref<512x1024xf32, #tpu.memory_space<vmem>>, vector<512x1024xf32>,
    } else {
    }
    return
  }
  func.func @transform_0(%arg0: i32, %arg1: i32, %arg2: memref<24xi32, #tpu.memory_space<smem>>) -> (i32, i32) {
    %c0_i32 = arith.constant 0 : i32
    %c0_i32_0 = arith.constant 0 : i32
    return %arg0, %c0_i32 : i32, i32
  }
  func.func @transform_1(%arg0: i32, %arg1: i32, %arg2: memref<24xi32, #tpu.memory_space<smem>>) -> (i32, i32, i32) {
    %get3A = arith.index_cast %arg0 : i32 to index
    %get3A_0 = memref.load %arg2[%get3A] : memref<24xi32, #tpu.memory_space<smem>>
    %c0_i32 = arith.constant 0 : i32
    %c0_i32_1 = arith.constant 0 : i32
    return %get3A_0, %arg1, %c0_i32 : i32, i32, i32
  }
  func.func @transform_2(%arg0: i32, %arg1: i32, %arg2: memref<24xi32, #tpu.memory_space<smem>>) -> (i32, i32, i32) {
    %get3A = arith.index_cast %arg0 : i32 to index
    %get3A_0 = memref.load %arg2[%get3A] : memref<24xi32, #tpu.memory_space<smem>>
    %c0_i32 = arith.constant 0 : i32
    %c0_i32_1 = arith.constant 0 : i32
    return %get3A_0, %c0_i32, %arg1 : i32, i32, i32
  }
  func.func @transform_3(%arg0: i32, %arg1: i32, %arg2: memref<24xi32, #tpu.memory_space<smem>>) -> (i32, i32, i32) {
    %c0_i32 = arith.constant 0 : i32
    %c0_i32_0 = arith.constant 0 : i32
    %c0_i32_1 = arith.constant 0 : i32
    return %arg0, %c0_i32, %c0_i32_0 : i32, i32, i32
  }
  func.func @transform_4(%arg0: i32, %arg1: i32, %arg2: memref<24xi32, #tpu.memory_space<smem>>) -> (i32, i32) {
    %c0_i32 = arith.constant 0 : i32
    %c0_i32_0 = arith.constant 0 : i32
    return %arg0, %c0_i32 : i32, i32
  }
}

module attributes {stable_mosaic.version = 14 : i64} {
  func.func @_add_body(%arg0: i32, %arg1: memref<512x1024xf32, #tpu.memory_space<vmem>>, %arg2: memref<512x1024xf32, #tpu.memory_space<vmem>>, %arg3: memref<512x1024xf32, #tpu.memory_space<vmem>>) attributes {dimension_semantics = [#tpu.dimension_semantics<arbitrary>], iteration_bounds = array<i64: 8>, scalar_prefetch = 0 : i64, scratch_operands = 0 : i64, tpu.core_type = #tpu.core_type<tc>, window_params = [{transform_indices = @transform_0, window_bounds = array<i64: 512, 1024>}, {transform_indices = @transform_1, window_bounds = array<i64: 512, 1024>}, {transform_indices = @transform_2, window_bounds = array<i64: 512, 1024>}]} {
    %get3A = arith.constant 0 : index
    %get3A_0 = arith.constant 0 : index
    %get3A_1 = vector.load %arg1[%get3A, %get3A_0] : memref<512x1024xf32, #tpu.memory_space<vmem>>, vector<512x1024xf32>
    %get3A_2 = arith.constant 0 : index
    %get3A_3 = arith.constant 0 : index
    %get3A_4 = vector.load %arg2[%get3A_2, %get3A_3] : memref<512x1024xf32, #tpu.memory_space<vmem>>, vector<512x1024xf32>
    %add3A = arith.addf %get3A_1, %get3A_4 : vector<512x1024xf32>
    %swap3A = arith.constant 0 : index
    %swap3A_5 = arith.constant 0 : index
    %swap3A_6 = vector.load %arg3[%swap3A, %swap3A_5] : memref<512x1024xf32, #tpu.memory_space<vmem>>, vector<512x1024xf32>
    tpu.vector_store %arg3[%swap3A, %swap3A_5], %add3A {strides = array<i32>} : memref<512x1024xf32, #tpu.memory_space<vmem>>, vector<512x1024xf32>,
    return
  }
  func.func @transform_0(%arg0: i32) -> (i32, i32) {
    %c0_i32 = arith.constant 0 : i32
    %c0_i32_0 = arith.constant 0 : i32
    return %arg0, %c0_i32 : i32, i32
  }
  func.func @transform_1(%arg0: i32) -> (i32, i32) {
    %c0_i32 = arith.constant 0 : i32
    %c0_i32_0 = arith.constant 0 : i32
    return %arg0, %c0_i32 : i32, i32
  }
  func.func @transform_2(%arg0: i32) -> (i32, i32) {
    %c0_i32 = arith.constant 0 : i32
    %c0_i32_0 = arith.constant 0 : i32
    return %arg0, %c0_i32 : i32, i32
  }
}

</mosaic_0001>

<sc_bundles>
// kernel: kernel.10.cloned.1.call-start
scs
__scs_entry_jumppad:
0x0: {  	(pc) =	sbr.rel $0x88, $3  }
0x1: {  	(tag) =	ssettag $0x0;
	lr =	simm.s32 $0x1  }
0x2: {  	[smem:$0x3F9D] =	sst lr;
	_ =	strace $0xD0000000  }
0x3: {  	_ = 	snop  }
0x4: {  	_ = 	snop  }
0x5: {  	_ = 	snop  }
0x6: {  	_ = 	snop  }
0x7: {  	_ = 	snop  }
__scs_overlays_trampoline_lowered:
0x8: {  	[smem:$0x3FAC] =	sst s0  }
0x9: {  	[smem:$0x3FAD] =	sst s1  }
0xa: {  	[smem:$0x3FAE] =	sst s2  }
0xb: {  	[smem:$0x3FAF] =	sst s3  }
0xc: {  	[smem:$0x3FB0] =	sst s4  }
0xd: {  	[smem:$0x3FB1] =	sst s5  }
0xe: {  	[smem:$0x3FB2] =	sst s6  }
0xf: {  	[smem:$0x3FB3] =	sst s7  }
0x10: {  	[smem:$0x3FB4] =	sst s8  }
0x11: {  	[smem:$0x3FB5] =	sst s9;
	s0 =	simm.s32 @!p0 $0x0  }
0x12: {  	s1 =	sld [smem:$0x3F9B];
	s0 =	simm.s32 @p0 $0x1  }
0x13: {  	[smem:$0x3FB6] =	sst s0;
	s0 =	simm.s32 @!p1 $0x0  }
0x14: {  	s2 =	sld [smem:$0x3F9A];
	s0 =	simm.s32 @p1 $0x1  }
0x15: {  	[smem:$0x3FB7] =	sst s0;
	s0 =	simm.s32 @!p2 $0x0  }
0x16: {  	s3 =	sld [smem:$0x3FDB];
	s0 =	simm.s32 @p2 $0x1  }
0x17: {  	s4 =	simm.s32 $0x1BF5;
	[smem:$0x3FB9] =	sst s0  }
0x18: {  	s0 =	sld [smem:$0x3F9C];
	_ =	swait.ge [sflag:s4], $0x0  }
0x19: {  	s7 =	sld [smem:$0x3F9D]  }
0x1a: {  	s8 =	sadd.s32 $0xFFFFE003, lr  }
0x1b: {  	s9 =	sadd.s32 $0xFFFFFEF7, lr;
	s5 =	simm.s32 $0xFFFFFFFF;
	p2 =	slt.u32 s8, $0xFFFFF086  }
0x1c: {  	p1 =	slt.u32 s9, $0xF7A;
	s5 =	simm.s32 @!p2 $0x0  }
0x1d: {  	s5 =	simm.s32 @p1 $0x1;
	p0 =	seq.s32 s7, s2  }
0x1e: {  	s7 =	smul.u32 @!p0 $0xF7A, s2;
	p2 =	seq.s32 @!p0 s5, $0x0  }
0x1f: {  	s9 =	smul.u32 $0xF7A, s1;
	s8 =	simm.s32 @!p0 $0x1BF5;
	p2 =	por !p2, p0  }
0x20: {  	[sflag:s8] =	ssyncset.s32 @!p0 $0xFFFFF086;
	s6 =	sadd.s32 @!p0 s3, s7;
	s7 =	simm.s32 @!p0 $0x108  }
0x21: {  	s3 =	sadd.s32 s3, s9;
	s6 =	sadd.s32 @!p0 $0x88, s6;
	s7 =	simm.s32 @p2 $0x1082  }
0x22: {  	[simem:s7], [sflag:s8] =	dma.local @!p0 [hbm:s6], $0xF7A  }
0x23: {  	s9 =	sor.u32 $0xD0000000, s2;
	s6 =	simm.s32 $0x108;
	_ =	swait.ge @!p0 [sflag:s8], $0x0  }
0x24: {  	s3 =	sadd.s32 $0x88, s3;
	s6 =	simm.s32 @!p1 $0x1082;
	[sflag:s4] =	ssyncset.s32 $0xFFFFF086  }
0x25: {  	[simem:s6], [sflag:s4] =	dma.local [hbm:s3], $0xF7A  }
0x26: {  	[smem:$0x3F9D] =	sst s1;
	(tag) =	ssettag s2;
	_ =	strace s9  }
0x27: {  	s1 =	sld [smem:$0x3FAD]  }
0x28: {  	s2 =	sld [smem:$0x3FAE]  }
0x29: {  	s4 =	sld [smem:$0x3FB0]  }
0x2a: {  	p0 =	seq.s32 s5, $0x0;
	s5 =	sld [smem:$0x3FB1]  }
0x2b: {  	s6 =	sld [smem:$0x3FB2]  }
0x2c: {  	s7 =	sld [smem:$0x3FB3]  }
0x2d: {  	s3 =	simm.s32 $0x108;
	s8 =	sld [smem:$0x3FB4]  }
0x2e: {  	s3 =	simm.s32 @!p0 $0x1082;
	s9 =	sld [smem:$0x3FB5]  }
0x2f: {  	lr =	sadd.s32 s0, s3;
	s0 =	sld [smem:$0x3FAC]  }
0x30: {  	s3 =	sld [smem:$0x3FAF]  }
0x31: {  	[smem:$0x3FB8] =	sst s10  }
0x32: {  	s10 =	sld [smem:$0x3FB6];
	_ =	sdelay $0x3  }
0x33: {  	p0 =	seq.s32 s10, $0x1;
	s10 =	sld [smem:$0x3FB8];
	_ =	sdelay $0x3  }
0x34: {  	[smem:$0x3FB8] =	sst s10  }
0x35: {  	s10 =	sld [smem:$0x3FB7];
	_ =	sdelay $0x3  }
0x36: {  	p1 =	seq.s32 s10, $0x1;
	s10 =	sld [smem:$0x3FB8];
	_ =	sdelay $0x3  }
0x37: {  	[smem:$0x3FB8] =	sst s10  }
0x38: {  	s10 =	sld [smem:$0x3FB9]  }
0x39: {  	_ = 	snop;
	(pc) =	sbr.ind lr, $3  }
0x3a: {  	_ = 	snop  }
0x3b: {  	_ = 	snop  }
0x3c: {  	p2 =	seq.s32 s10, $0x1;
	s10 =	sld [smem:$0x3FB8]  }
0x3d: {  	_ =	shalt  }
0x3e: {  	_ =	shalt  }
0x3f: {  	_ =	shalt  }
0x40: {  	_ =	shalt  }
0x41: {  	_ =	shalt  }
0x42: {  	_ =	shalt  }
0x43: {  	_ =	shalt  }
0x44: {  	_ =	shalt  }
0x45: {  	_ =	shalt  }
0x46: {  	_ =	shalt  }
0x47: {  	_ =	shalt  }
0x48: {  	_ =	shalt  }
0x49: {  	_ =	shalt  }
0x4a: {  	_ =	shalt  }
0x4b: {  	_ =	shalt  }
0x4c: {  	_ =	shalt  }
0x4d: {  	_ =	shalt  }
0x4e: {  	_ =	shalt  }
0x4f: {  	_ =	shalt  }
0x50: {  	_ =	shalt  }
0x51: {  	_ =	shalt  }
0x52: {  	_ =	shalt  }
0x53: {  	_ =	shalt  }
0x54: {  	_ =	shalt  }
0x55: {  	_ =	shalt  }
0x56: {  	_ =	shalt  }
0x57: {  	_ =	shalt  }
0x58: {  	_ =	shalt  }
0x59: {  	_ =	shalt  }
0x5a: {  	_ =	shalt  }
0x5b: {  	_ =	shalt  }
0x5c: {  	_ =	shalt  }
0x5d: {  	_ =	shalt  }
0x5e: {  	_ =	shalt  }
0x5f: {  	_ =	shalt  }
0x60: {  	_ =	shalt  }
0x61: {  	_ =	shalt  }
0x62: {  	_ =	shalt  }
0x63: {  	_ =	shalt  }
0x64: {  	_ =	shalt  }
0x65: {  	_ =	shalt  }
0x66: {  	_ =	shalt  }
0x67: {  	_ =	shalt  }
0x68: {  	_ =	shalt  }
0x69: {  	_ =	shalt  }
0x6a: {  	_ =	shalt  }
0x6b: {  	_ =	shalt  }
0x6c: {  	_ =	shalt  }
0x6d: {  	_ =	shalt  }
0x6e: {  	_ =	shalt  }
0x6f: {  	_ =	shalt  }
0x70: {  	_ =	shalt  }
0x71: {  	_ =	shalt  }
0x72: {  	_ =	shalt  }
0x73: {  	_ =	shalt  }
0x74: {  	_ =	shalt  }
0x75: {  	_ =	shalt  }
0x76: {  	_ =	shalt  }
0x77: {  	_ =	shalt  }
0x78: {  	_ =	shalt  }
0x79: {  	_ =	shalt  }
0x7a: {  	_ =	shalt  }
0x7b: {  	_ =	shalt  }
0x7c: {  	_ =	shalt  }
0x7d: {  	_ =	shalt  }
0x7e: {  	_ =	shalt  }
0x7f: {  	_ =	shalt  }
0x80: {  	_ =	shalt  }
0x81: {  	_ =	shalt  }
0x82: {  	_ =	shalt  }
0x83: {  	_ =	shalt  }
0x84: {  	_ =	shalt  }
0x85: {  	_ =	shalt  }
0x86: {  	_ =	shalt  }
0x87: {  	_ =	shalt  }
.Lfunc_end0:
.L_simem_size_0:
called_computation.1_lowered:
.L_overlay_start_0:
0x88: {  	s2 =	sld [smem:$0x3FD9]  }
0x89: {  	s3 =	sld [smem:$0x3FFE];
	_ =	sdelay $0x1  }
0x8a: {  	s1 =	srdreg.scid  }
0x8b: {  	s0 =	sand.u32 $0x1, s1  }
0x8c: {  	s16 =	sshll.u32 s0, $0xA;
	s2 =	sadd.s32 s3, s2  }
0x8d: {  	s2 =	sadd.s32 s2, s16  }
0x8e: {  	[smem:$0x3FC4] =	sst s2  }
0x8f: {  	_ = 	snop  }
0x90: {  	(tm) =	ssettm $0x1  }
0x91: {  	s17 =	sld [smem:$0x3FFB];
	_ =	sdelay $0x3  }
0x92: {  	_ =	strace s17  }
0x93: {  	s2 =	sld [smem:$0x3FFC];
	_ =	sdelay $0x3  }
0x94: {  	_ =	strace s2  }
0x95: {  	s2 =	sld [smem:$0x3FFD];
	_ =	sdelay $0x3  }
0x96: {  	_ =	strace s2  }
0x97: {  	_ =	strace $0x8FFFFFFF  }
0x98: {  	s18 =	sld [smem:$0x3FDB];
	_ =	sdelay $0x1  }
0x99: {  	s19 =	simm.s32 $_scs_section_size  }
0x9a: {  	s4 =	simm.s32 $_size__tile_overlayer_lowered;
	s5 =	simm.s32 $_tile_overlayer_lowered  }
0x9b: {  	s22 =	simm.s32 $0x1BFF;
	s21 =	sshll.u32 s5, $0x1;
	s2 =	sadd.s32 s19, s18  }
0x9c: {  	s6 =	simm.s32 $0x0;
	s20 =	sshll.u32 s4, $0x1;
	s4 =	sadd.s32 s21, s2  }
0x9d: {  	[timem:s6], [sflag:s22] =	dma.local [hbm:s4], s20  }
0x9e: {  	_ =	swait.ge [sflag:s22], s20  }
0x9f: {  	s3 =	ssub.s32 $0x0, s20;
	[sflag:s22] =	ssyncset.done $0x0  }
0xa0: {  	[sflag:s22] =	ssyncadd.s32 s3;
	_ =	sdelay $0x1  }
0xa1: {  	s23 =	simm.s32 $0x1B8B  }
0xa2: {  	_ =	swait.ge [sflag:s23], $0x1  }
0xa3: {  	[sflag:s23] =	ssyncset.done $0x0  }
0xa4: {  	s25 =	simm.s32 $0x1B8E;
	s24 =	sld [smem:$0x3FFE];
	[sflag:s23] =	ssyncadd.s32 $0xFFFFFFFF  }
0xa5: {  	s26 =	simm.s32 $execute0_lowered;
	[smem:$0x3FD2] =	sst s25  }
0xa6: {  	s4 =	sshll.u32 s26, $0x1;
	_ =	strace $0x80000049;
	[dreg:$0x1] =	wrdreg $0xFFFFFFFF  }
0xa7: {  	s28 =	simm.s32 $_size_execute0_lowered;
	s2 =	sadd.s32 s2, s4;
	[dreg:$0x0] =	wrdreg $0x0  }
0xa8: {  	s4 =	sshll.u32 s28, $0x1;
	[dreg:$0x2] =	wrdreg s2  }
0xa9: {  	[dreg:$0x3] =	wrdreg s4  }
0xaa: {  	[dreg:$0x4] =	wrdreg $0xC0  }
0xab: {  	_ =	task [dreg:s6], $0x5FFFF  }
0xac: {  	[dreg:$0x1] =	wrdreg $0xFFFFFFFF  }
0xad: {  	[dreg:$0x0] =	wrdreg $0x60  }
0xae: {  	[dreg:$0x2] =	wrdreg s24  }
0xaf: {  	[dreg:$0x3] =	wrdreg $0x9  }
0xb0: {  	_ =	task.clear_ibuf [dreg:s6], $0x4FFFF;
	_ =	strace $0x90000049  }
0xb1: {  	s29 =	simm.s32 $0x9;
	_ =	strace $0x8000004B  }
0xb2: {  	_ =	swait.ge [sflag:s29], $0x1  }
0xb3: {  	[sflag:s29] =	ssyncadd.s32 $0xFFFFFFFF  }
0xb4: {  	_ =	strace $0x9000004B  }
0xb5: {  	_ =	sfence  }
0xb6: {  	s30 =	sld [smem:$0x0];
	_ =	sdelay $0x2  }
0xb7: {  	s31 =	sshll.u32 s1, $0xD;
	s1 =	sshrl.u32 s1, $0x2  }
0xb8: {  	s3 =	sand.u32 $0x4000, s31;
	s1 =	sadd.s32 s1, s30  }
0xb9: {  	s0 =	sor.u32 s3, s0;
	s1 =	sshll.u32 s1, $0x11  }
0xba: {  	s0 =	sor.u32 s1, s0  }
0xbb: {  	s0 =	sadd.s32 $0x8F2B, s0  }
0xbc: {  	[sflag:s0] =	ssyncadd.remote.s32 $0x1  }
0xbd: {  	_ =	sfence.sel $0xFFFF  }
0xbe: {  	[dreg:$0x0] =	wrdreg $0xFFFFFFFF;
	(pc) =	sbr.abs _section_cstart, $3  }
0xbf: {  	[dreg:$0x1] =	wrdreg $0xFFFFFFFF  }
0xc0: {  	_ =	task.clear_ibuf [dreg:s6], $0x2FFFF;
	_ =	strace $0x9FFFFFFF  }
0xc1: {  	(tm) =	ssettm $0x7FFFFFFF  }
tec
execute0_lowered:
.L_overlay_start_1:
0x0: {  	(tag) =	ssettag $0x1  }
0x1: {  	s0 =	srdreg.scid;
	s2 =	stileid.u32  }
0x2: {  	s1 =	rddreg [dreg:$0x0];
	s28 =	simm.s32 $0x8100;
	s0 =	sand.u32 $0x1, s0  }
0x3: {  	s3 =	sshll.u32 s2, $0x8;
	s2 =	simm.s32 $0x0;
	s5 =	sadd.s32 $0x180E00, s1  }
0x4: {  	s6 =	sadd.s32 $0x180C00, s1;
	s8 =	sadd.s32 $0x80000, s1;
	s4 =	sshll.u32 s0, $0x7  }
0x5: {  	[smem:$0x7FF] =	sst s2;
	s0 =	ssub.s32 $0x2, s0;
	s4 =	sor.u32 s4, s3  }
0x6: {  	_ =	strace $0x8000004A;
	s25 =	sshrl.u32 s0, $0x1;
	s3 =	sshrl.u32 s4, $0x3  }
0x7: {  	s10 =	sshll.u32 s4, $0x7;
	s9 =	sor.u32 $0x20, s4;
	s7 =	sadd.s32 s5, s3  }
0x8: {  	s16 =	sor.u32 $0x40, s4;
	s3 =	sadd.s32 s6, s3;
	[dreg:$0x2] =	wrdreg s7  }
0x9: {  	s4 =	sor.u32 $0x60, s4;
	s11 =	sadd.s32 s1, s10;
	[dreg:$0x3] =	wrdreg s3  }
0xa: {  	s12 =	sadd.s32 s10, s8;
	s10 =	sshrl.u32 s9, $0x3;
	[dreg:$0x4] =	wrdreg s11  }
0xb: {  	s0 =	ssub.s32 s0, s25;
	[dreg:$0x5] =	wrdreg s12;
	s13 =	sadd.s32 s5, s10  }
0xc: {  	s9 =	sshll.u32 s9, $0x7;
	s14 =	sadd.s32 s6, s10;
	[dreg:$0x6] =	wrdreg s13  }
0xd: {  	s18 =	sshrl.u32 s16, $0x3;
	s15 =	sadd.s32 s1, s9;
	[dreg:$0x7] =	wrdreg s14  }
0xe: {  	s21 =	sshll.u32 s16, $0x7;
	s17 =	sadd.s32 s9, s8;
	[dreg:$0x8] =	wrdreg s15  }
0xf: {  	s24 =	sshrl.u32 s4, $0x3;
	s19 =	sadd.s32 s5, s18;
	[dreg:$0x9] =	wrdreg s17  }
0x10: {  	s29 =	sshll.u32 s4, $0x7;
	s20 =	sadd.s32 s6, s18;
	[dreg:$0xa] =	wrdreg s19  }
0x11: {  	s4 =	sadd.s32 $0x181100, s1;
	s22 =	sadd.s32 s1, s21;
	[dreg:$0xb] =	wrdreg s20  }
0x12: {  	s3 =	sadd.s32 $0x181000, s1;
	s23 =	sadd.s32 s21, s8;
	[dreg:$0xc] =	wrdreg s22  }
0x13: {  	s5 =	sadd.s32 s5, s24;
	s26 =	sadd.s32 s6, s24;
	[dreg:$0xd] =	wrdreg s23  }
0x14: {  	s30 =	sadd.s32 s1, s29;
	s31 =	sadd.s32 s29, s8;
	[dreg:$0xe] =	wrdreg s5  }
0x15: {  	v2 =	vlaneseq.u32;
	s6 =	sadd.s32 $0x181300, s1;
	s7 =	smax.u32 s0, $0x1;
	[dreg:$0xf] =	wrdreg s26  }
0x16: {  	vm0 =	vmmov $0xffff;
	v1 =	vshrl.u32 v2, $0x3;
	s8 =	simm.s32 $0x2;
	s18 =	simm.s32 $0x100;
	[dreg:$0x10] =	wrdreg s30  }
0x17: {  	v0 =	vand.u32 $0x7, v2;
	v2 =	vor.u32 $0x8, v2;
	v1 =	vmul.u32 $0x8, v1;
	s5 =	sadd.s32 $0x181200, s1;
	[dreg:$0x11] =	wrdreg s31;
	s26 =	simm.s32 $0x1  }
.LBB2_1:
0x18: {  	s20 =	rddreg [dreg:$0x2]  }
0x19: {  	[tilespmem:s2], [sflag:$0x2] =	stream.linear.gather [hbm4b:s20+s2], $0x20, $0x38;
	[tilespmem:$0x10100] =	vst v63  }
0x1a: {  	_ =	swait.ge [sflag:s8], $0x20  }
0x1b: {  	[sflag:s8] =	ssyncset.done $0x0  }
0x1c: {  	s0 =	simm.s32 $0x80;
	s14 =	rddreg [dreg:$0x3];
	[sflag:s8] =	ssyncadd.s32 $0xFFFFFFE0  }
0x1d: {  	[tilespmem:s0], [sflag:$0x2] =	stream.linear.gather [hbm4b:s14+s2], $0x20, $0x38;
	[tilespmem:$0x10100] =	vst v63  }
0x1e: {  	_ =	swait.ge [sflag:s8], $0x20  }
0x1f: {  	[sflag:s8] =	ssyncset.done $0x0  }
0x20: {  	[sflag:s8] =	ssyncadd.s32 $0xFFFFFFE0  }
0x21: {  	v3 =	vld [tilespmem:$0x0];
	_ =	sdelay $0x4  }
0x22: {  	v4 =	vshll.u32 v3, $0x3  }
0x23: {  	v3 =	vand.u32 $0x7, v3;
	v4 =	vand.u32 $0xFFFFFFC0, v4  }
0x24: {  	v3 =	vor.u32 v3, v4  }
0x25: {  	v4 =	vperm.xlane v3, v0;
	_ =	sdelay $0x1  }
0x26: {  	v4 =	vadd.s32 v1, v4;
	_ =	sdelay $0x4  }
0x27: {  	[tilespmem:s18], [sflag:$0x1] =	stream.indirect_vreg.gather [hbm4b:s3+s2], $0x80, v4, vm0, $0xb8;
	[tilespmem:$0x10100] =	vst v63  }
0x28: {  	s15 =	simm.s32 $0x900;
	v3 =	vperm.xlane v3, v2  }
0x29: {  	[tilespmem:s15], [sflag:$0x1] =	stream.indirect_vreg.gather [hbm4b:s4+s2], $0x80, v4, vm0, $0xb8;
	[tilespmem:$0x10100] =	vst v63  }
0x2a: {  	s16 =	simm.s32 $0x1100;
	v3 =	vadd.s32 v1, v3  }
0x2b: {  	[tilespmem:s16], [sflag:$0x1] =	stream.indirect_vreg.gather [hbm4b:s5+s2], $0x80, v4, vm0, $0xb8;
	[tilespmem:$0x10100] =	vst v63  }
0x2c: {  	s17 =	simm.s32 $0x1900  }
0x2d: {  	[tilespmem:s17], [sflag:$0x1] =	stream.indirect_vreg.gather [hbm4b:s6+s2], $0x80, v4, vm0, $0xb8;
	[tilespmem:$0x10100] =	vst v63  }
0x2e: {  	s19 =	simm.s32 $0x2100  }
0x2f: {  	[tilespmem:s19], [sflag:$0x1] =	stream.indirect_vreg.gather [hbm4b:s3+s2], $0x80, v3, vm0, $0xb8;
	[tilespmem:$0x10100] =	vst v63  }
0x30: {  	s20 =	simm.s32 $0x2900  }
0x31: {  	[tilespmem:s20], [sflag:$0x1] =	stream.indirect_vreg.gather [hbm4b:s4+s2], $0x80, v3, vm0, $0xb8;
	[tilespmem:$0x10100] =	vst v63  }
0x32: {  	s21 =	simm.s32 $0x3100  }
0x33: {  	[tilespmem:s21], [sflag:$0x1] =	stream.indirect_vreg.gather [hbm4b:s5+s2], $0x80, v3, vm0, $0xb8;
	[tilespmem:$0x10100] =	vst v63  }
0x34: {  	s22 =	simm.s32 $0x3900  }
0x35: {  	[tilespmem:s22], [sflag:$0x1] =	stream.indirect_vreg.gather [hbm4b:s6+s2], $0x80, v3, vm0, $0xb8;
	[tilespmem:$0x10100] =	vst v63  }
0x36: {  	v3 =	vld [tilespmem:$0x10];
	_ =	sdelay $0x4  }
0x37: {  	v49 =	vshll.u32 v3, $0x3  }
0x38: {  	v3 =	vand.u32 $0x7, v3;
	v4 =	vand.u32 $0xFFFFFFC0, v49  }
0x39: {  	v3 =	vor.u32 v3, v4  }
0x3a: {  	v4 =	vperm.xlane v3, v0;
	_ =	sdelay $0x1  }
0x3b: {  	v4 =	vadd.s32 v1, v4;
	_ =	sdelay $0x3  }
0x3c: {  	s23 =	simm.s32 $0x4100  }
0x3d: {  	[tilespmem:s23], [sflag:$0x1] =	stream.indirect_vreg.gather [hbm4b:s3+s2], $0x80, v4, vm0, $0xb8;
	[tilespmem:$0x10100] =	vst v63  }
0x3e: {  	s24 =	simm.s32 $0x4900;
	v3 =	vperm.xlane v3, v2  }
0x3f: {  	[tilespmem:s24], [sflag:$0x1] =	stream.indirect_vreg.gather [hbm4b:s4+s2], $0x80, v4, vm0, $0xb8;
	[tilespmem:$0x10100] =	vst v63  }
0x40: {  	s25 =	simm.s32 $0x5100;
	v3 =	vadd.s32 v1, v3  }
0x41: {  	[tilespmem:s25], [sflag:$0x1] =	stream.indirect_vreg.gather [hbm4b:s5+s2], $0x80, v4, vm0, $0xb8;
	[tilespmem:$0x10100] =	vst v63  }
0x42: {  	s29 =	simm.s32 $0x5900  }
0x43: {  	[tilespmem:s29], [sflag:$0x1] =	stream.indirect_vreg.gather [hbm4b:s6+s2], $0x80, v4, vm0, $0xb8;
	[tilespmem:$0x10100] =	vst v63  }
0x44: {  	s30 =	simm.s32 $0x6100  }
0x45: {  	[tilespmem:s30], [sflag:$0x1] =	stream.indirect_vreg.gather [hbm4b:s3+s2], $0x80, v3, vm0, $0xb8;
	[tilespmem:$0x10100] =	vst v63  }
0x46: {  	s31 =	simm.s32 $0x6900  }
0x47: {  	[tilespmem:s31], [sflag:$0x1] =	stream.indirect_vreg.gather [hbm4b:s4+s2], $0x80, v3, vm0, $0xb8;
	[tilespmem:$0x10100] =	vst v63  }
0x48: {  	s17 =	simm.s32 $0x7100  }
0x49: {  	[tilespmem:s17], [sflag:$0x1] =	stream.indirect_vreg.gather [hbm4b:s5+s2], $0x80, v3, vm0, $0xb8;
	[tilespmem:$0x10100] =	vst v63  }
0x4a: {  	s19 =	simm.s32 $0x7900  }
0x4b: {  	[tilespmem:s19], [sflag:$0x1] =	stream.indirect_vreg.gather [hbm4b:s6+s2], $0x80, v3, vm0, $0xb8;
	[tilespmem:$0x10100] =	vst v63  }
0x4c: {  	_ =	swait.ge [sflag:s26], $0x8000  }
0x4d: {  	[sflag:s26] =	ssyncset.done $0x0  }
0x4e: {  	[sflag:s26] =	ssyncadd.s32 $0xFFFF8000  }
0x4f: {  	v3 =	vld [tilespmem:$0x80];
	_ =	sdelay $0x4  }
0x50: {  	v50 =	vshll.u32 v3, $0x3  }
0x51: {  	v3 =	vand.u32 $0x7, v3;
	v4 =	vand.u32 $0xFFFFFFC0, v50  }
0x52: {  	v3 =	vor.u32 v3, v4  }
0x53: {  	v4 =	vperm.xlane v3, v0;
	_ =	sdelay $0x1  }
0x54: {  	v4 =	vadd.s32 v1, v4;
	_ =	sdelay $0x4  }
0x55: {  	[tilespmem:s28], [sflag:$0x1] =	stream.indirect_vreg.gather [hbm4b:s3+s2], $0x80, v4, vm0, $0xb8;
	[tilespmem:$0x10100] =	vst v63  }
0x56: {  	s20 =	simm.s32 $0x8900;
	v3 =	vperm.xlane v3, v2  }
0x57: {  	[tilespmem:s20], [sflag:$0x1] =	stream.indirect_vreg.gather [hbm4b:s4+s2], $0x80, v4, vm0, $0xb8;
	[tilespmem:$0x10100] =	vst v63  }
0x58: {  	s21 =	simm.s32 $0x9100;
	v3 =	vadd.s32 v1, v3  }
0x59: {  	[tilespmem:s21], [sflag:$0x1] =	stream.indirect_vreg.gather [hbm4b:s5+s2], $0x80, v4, vm0, $0xb8;
	[tilespmem:$0x10100] =	vst v63  }
0x5a: {  	s22 =	simm.s32 $0x9900  }
0x5b: {  	[tilespmem:s22], [sflag:$0x1] =	stream.indirect_vreg.gather [hbm4b:s6+s2], $0x80, v4, vm0, $0xb8;
	[tilespmem:$0x10100] =	vst v63  }
0x5c: {  	s23 =	simm.s32 $0xA100  }
0x5d: {  	[tilespmem:s23], [sflag:$0x1] =	stream.indirect_vreg.gather [hbm4b:s3+s2], $0x80, v3, vm0, $0xb8;
	[tilespmem:$0x10100] =	vst v63  }
0x5e: {  	s24 =	simm.s32 $0xA900  }
0x5f: {  	[tilespmem:s24], [sflag:$0x1] =	stream.indirect_vreg.gather [hbm4b:s4+s2], $0x80, v3, vm0, $0xb8;
	[tilespmem:$0x10100] =	vst v63  }
0x60: {  	s25 =	simm.s32 $0xB100  }
0x61: {  	[tilespmem:s25], [sflag:$0x1] =	stream.indirect_vreg.gather [hbm4b:s5+s2], $0x80, v3, vm0, $0xb8;
	[tilespmem:$0x10100] =	vst v63  }
0x62: {  	s29 =	simm.s32 $0xB900  }
0x63: {  	[tilespmem:s29], [sflag:$0x1] =	stream.indirect_vreg.gather [hbm4b:s6+s2], $0x80, v3, vm0, $0xb8;
	[tilespmem:$0x10100] =	vst v63  }
0x64: {  	v3 =	vld [tilespmem:$0x90];
	_ =	sdelay $0x4  }
0x65: {  	v51 =	vshll.u32 v3, $0x3  }
0x66: {  	v3 =	vand.u32 $0x7, v3;
	v4 =	vand.u32 $0xFFFFFFC0, v51  }
0x67: {  	v3 =	vor.u32 v3, v4  }
0x68: {  	v4 =	vperm.xlane v3, v0;
	_ =	sdelay $0x1  }
0x69: {  	v4 =	vadd.s32 v1, v4;
	_ =	sdelay $0x3  }
0x6a: {  	s30 =	simm.s32 $0xC100  }
0x6b: {  	[tilespmem:s30], [sflag:$0x1] =	stream.indirect_vreg.gather [hbm4b:s3+s2], $0x80, v4, vm0, $0xb8;
	[tilespmem:$0x10100] =	vst v63  }
0x6c: {  	s0 =	simm.s32 $0xC900;
	v3 =	vperm.xlane v3, v2  }
0x6d: {  	[tilespmem:s0], [sflag:$0x1] =	stream.indirect_vreg.gather [hbm4b:s4+s2], $0x80, v4, vm0, $0xb8;
	[tilespmem:$0x10100] =	vst v63  }
0x6e: {  	s17 =	simm.s32 $0xD100;
	v3 =	vadd.s32 v1, v3  }
0x6f: {  	[tilespmem:s17], [sflag:$0x1] =	stream.indirect_vreg.gather [hbm4b:s5+s2], $0x80, v4, vm0, $0xb8;
	[tilespmem:$0x10100] =	vst v63  }
0x70: {  	s25 =	simm.s32 $0xD900  }
0x71: {  	[tilespmem:s25], [sflag:$0x1] =	stream.indirect_vreg.gather [hbm4b:s6+s2], $0x80, v4, vm0, $0xb8;
	[tilespmem:$0x10100] =	vst v63  }
0x72: {  	s29 =	simm.s32 $0xE100  }
0x73: {  	[tilespmem:s29], [sflag:$0x1] =	stream.indirect_vreg.gather [hbm4b:s3+s2], $0x80, v3, vm0, $0xb8;
	[tilespmem:$0x10100] =	vst v63  }
0x74: {  	s0 =	simm.s32 $0xE900  }
0x75: {  	[tilespmem:s0], [sflag:$0x1] =	stream.indirect_vreg.gather [hbm4b:s4+s2], $0x80, v3, vm0, $0xb8;
	[tilespmem:$0x10100] =	vst v63  }
0x76: {  	s17 =	simm.s32 $0xF100  }
0x77: {  	[tilespmem:s17], [sflag:$0x1] =	stream.indirect_vreg.gather [hbm4b:s5+s2], $0x80, v3, vm0, $0xb8;
	[tilespmem:$0x10100] =	vst v63  }
0x78: {  	s25 =	simm.s32 $0xF900  }
0x79: {  	[tilespmem:s25], [sflag:$0x1] =	stream.indirect_vreg.gather [hbm4b:s6+s2], $0x80, v3, vm0, $0xb8;
	[tilespmem:$0x10100] =	vst v63  }
0x7a: {  	_ =	swait.ge [sflag:s26], $0x8000  }
0x7b: {  	[sflag:s26] =	ssyncset.done $0x0  }
0x7c: {  	s29 =	rddreg [dreg:$0x4];
	[sflag:s26] =	ssyncadd.s32 $0xFFFF8000  }
0x7d: {  	[hbm4b:s29+s2] =	stream.linear.scatter [tilespmem:s18], [sflag:$0x2], $0x8000, $0x38;
	[tilespmem:$0x10100] =	vst v63  }
0x7e: {  	_ =	swait.ge [sflag:s8], $0x8000  }
0x7f: {  	[sflag:s8] =	ssyncset.done $0x0  }
0x80: {  	s0 =	rddreg [dreg:$0x5];
	[sflag:s8] =	ssyncadd.s32 $0xFFFF8000  }
0x81: {  	[hbm4b:s0+s2] =	stream.linear.scatter [tilespmem:s28], [sflag:$0x2], $0x8000, $0x38;
	[tilespmem:$0x10100] =	vst v63  }
0x82: {  	_ =	swait.ge [sflag:s8], $0x8000  }
0x83: {  	[sflag:s8] =	ssyncset.done $0x0  }
0x84: {  	s25 =	rddreg [dreg:$0x6];
	[sflag:s8] =	ssyncadd.s32 $0xFFFF8000  }
0x85: {  	[tilespmem:s2], [sflag:$0x2] =	stream.linear.gather [hbm4b:s25+s2], $0x20, $0x38;
	[tilespmem:$0x10100] =	vst v63  }
0x86: {  	_ =	swait.ge [sflag:s8], $0x20  }
0x87: {  	[sflag:s8] =	ssyncset.done $0x0  }
0x88: {  	s14 =	simm.s32 $0x80;
	s29 =	rddreg [dreg:$0x7];
	[sflag:s8] =	ssyncadd.s32 $0xFFFFFFE0  }
0x89: {  	[tilespmem:s14], [sflag:$0x2] =	stream.linear.gather [hbm4b:s29+s2], $0x20, $0x38;
	[tilespmem:$0x10100] =	vst v63  }
0x8a: {  	_ =	swait.ge [sflag:s8], $0x20  }
0x8b: {  	[sflag:s8] =	ssyncset.done $0x0  }
0x8c: {  	[sflag:s8] =	ssyncadd.s32 $0xFFFFFFE0  }
0x8d: {  	v3 =	vld [tilespmem:$0x0];
	_ =	sdelay $0x4  }
0x8e: {  	v52 =	vshll.u32 v3, $0x3  }
0x8f: {  	v3 =	vand.u32 $0x7, v3;
	v4 =	vand.u32 $0xFFFFFFC0, v52  }
0x90: {  	v3 =	vor.u32 v3, v4  }
0x91: {  	v4 =	vperm.xlane v3, v0;
	_ =	sdelay $0x1  }
0x92: {  	v4 =	vadd.s32 v1, v4;
	_ =	sdelay $0x4  }
0x93: {  	[tilespmem:s18], [sflag:$0x1] =	stream.indirect_vreg.gather [hbm4b:s3+s2], $0x80, v4, vm0, $0xb8;
	[tilespmem:$0x10100] =	vst v63  }
0x94: {  	s15 =	simm.s32 $0x900;
	v3 =	vperm.xlane v3, v2  }
0x95: {  	[tilespmem:s15], [sflag:$0x1] =	stream.indirect_vreg.gather [hbm4b:s4+s2], $0x80, v4, vm0, $0xb8;
	[tilespmem:$0x10100] =	vst v63  }
0x96: {  	s1 =	simm.s32 $0x1100;
	v3 =	vadd.s32 v1, v3  }
0x97: {  	[tilespmem:s1], [sflag:$0x1] =	stream.indirect_vreg.gather [hbm4b:s5+s2], $0x80, v4, vm0, $0xb8;
	[tilespmem:$0x10100] =	vst v63  }
0x98: {  	s9 =	simm.s32 $0x1900  }
0x99: {  	[tilespmem:s9], [sflag:$0x1] =	stream.indirect_vreg.gather [hbm4b:s6+s2], $0x80, v4, vm0, $0xb8;
	[tilespmem:$0x10100] =	vst v63  }
0x9a: {  	s10 =	simm.s32 $0x2100  }
0x9b: {  	[tilespmem:s10], [sflag:$0x1] =	stream.indirect_vreg.gather [hbm4b:s3+s2], $0x80, v3, vm0, $0xb8;
	[tilespmem:$0x10100] =	vst v63  }
0x9c: {  	s11 =	simm.s32 $0x2900  }
0x9d: {  	[tilespmem:s11], [sflag:$0x1] =	stream.indirect_vreg.gather [hbm4b:s4+s2], $0x80, v3, vm0, $0xb8;
	[tilespmem:$0x10100] =	vst v63  }
0x9e: {  	s12 =	simm.s32 $0x3100  }
0x9f: {  	[tilespmem:s12], [sflag:$0x1] =	stream.indirect_vreg.gather [hbm4b:s5+s2], $0x80, v3, vm0, $0xb8;
	[tilespmem:$0x10100] =	vst v63  }
0xa0: {  	s16 =	simm.s32 $0x3900  }
0xa1: {  	[tilespmem:s16], [sflag:$0x1] =	stream.indirect_vreg.gather [hbm4b:s6+s2], $0x80, v3, vm0, $0xb8;
	[tilespmem:$0x10100] =	vst v63  }
0xa2: {  	v3 =	vld [tilespmem:$0x10];
	_ =	sdelay $0x4  }
0xa3: {  	v53 =	vshll.u32 v3, $0x3  }
0xa4: {  	v3 =	vand.u32 $0x7, v3;
	v4 =	vand.u32 $0xFFFFFFC0, v53  }
0xa5: {  	v3 =	vor.u32 v3, v4  }
0xa6: {  	v4 =	vperm.xlane v3, v0;
	_ =	sdelay $0x1  }
0xa7: {  	v4 =	vadd.s32 v1, v4;
	_ =	sdelay $0x3  }
0xa8: {  	s14 =	simm.s32 $0x4100  }
0xa9: {  	[tilespmem:s14], [sflag:$0x1] =	stream.indirect_vreg.gather [hbm4b:s3+s2], $0x80, v4, vm0, $0xb8;
	[tilespmem:$0x10100] =	vst v63  }
0xaa: {  	s13 =	simm.s32 $0x4900;
	v3 =	vperm.xlane v3, v2  }
0xab: {  	[tilespmem:s13], [sflag:$0x1] =	stream.indirect_vreg.gather [hbm4b:s4+s2], $0x80, v4, vm0, $0xb8;
	[tilespmem:$0x10100] =	vst v63  }
0xac: {  	s0 =	simm.s32 $0x5100;
	v3 =	vadd.s32 v1, v3  }
0xad: {  	[tilespmem:s0], [sflag:$0x1] =	stream.indirect_vreg.gather [hbm4b:s5+s2], $0x80, v4, vm0, $0xb8;
	[tilespmem:$0x10100] =	vst v63  }
0xae: {  	s1 =	simm.s32 $0x5900  }
0xaf: {  	[tilespmem:s1], [sflag:$0x1] =	stream.indirect_vreg.gather [hbm4b:s6+s2], $0x80, v4, vm0, $0xb8;
	[tilespmem:$0x10100] =	vst v63  }
0xb0: {  	s9 =	simm.s32 $0x6100  }
0xb1: {  	[tilespmem:s9], [sflag:$0x1] =	stream.indirect_vreg.gather [hbm4b:s3+s2], $0x80, v3, vm0, $0xb8;
	[tilespmem:$0x10100] =	vst v63  }
0xb2: {  	s10 =	simm.s32 $0x6900  }
0xb3: {  	[tilespmem:s10], [sflag:$0x1] =	stream.indirect_vreg.gather [hbm4b:s4+s2], $0x80, v3, vm0, $0xb8;
	[tilespmem:$0x10100] =	vst v63  }
0xb4: {  	s11 =	simm.s32 $0x7100  }
0xb5: {  	[tilespmem:s11], [sflag:$0x1] =	stream.indirect_vreg.gather [hbm4b:s5+s2], $0x80, v3, vm0, $0xb8;
	[tilespmem:$0x10100] =	vst v63  }
0xb6: {  	s15 =	simm.s32 $0x7900  }
0xb7: {  	[tilespmem:s15], [sflag:$0x1] =	stream.indirect_vreg.gather [hbm4b:s6+s2], $0x80, v3, vm0, $0xb8;
	[tilespmem:$0x10100] =	vst v63  }
0xb8: {  	_ =	swait.ge [sflag:s26], $0x8000  }
0xb9: {  	[sflag:s26] =	ssyncset.done $0x0  }
0xba: {  	[sflag:s26] =	ssyncadd.s32 $0xFFFF8000  }
0xbb: {  	v3 =	vld [tilespmem:$0x80];
	_ =	sdelay $0x4  }
0xbc: {  	v54 =	vshll.u32 v3, $0x3  }
0xbd: {  	v3 =	vand.u32 $0x7, v3;
	v4 =	vand.u32 $0xFFFFFFC0, v54  }
0xbe: {  	v3 =	vor.u32 v3, v4  }
0xbf: {  	v4 =	vperm.xlane v3, v0;
	_ =	sdelay $0x1  }
0xc0: {  	v4 =	vadd.s32 v1, v4;
	_ =	sdelay $0x4  }
0xc1: {  	[tilespmem:s28], [sflag:$0x1] =	stream.indirect_vreg.gather [hbm4b:s3+s2], $0x80, v4, vm0, $0xb8;
	[tilespmem:$0x10100] =	vst v63  }
0xc2: {  	s16 =	simm.s32 $0x8900;
	v3 =	vperm.xlane v3, v2  }
0xc3: {  	[tilespmem:s16], [sflag:$0x1] =	stream.indirect_vreg.gather [hbm4b:s4+s2], $0x80, v4, vm0, $0xb8;
	[tilespmem:$0x10100] =	vst v63  }
0xc4: {  	s12 =	simm.s32 $0x9100;
	v3 =	vadd.s32 v1, v3  }
0xc5: {  	[tilespmem:s12], [sflag:$0x1] =	stream.indirect_vreg.gather [hbm4b:s5+s2], $0x80, v4, vm0, $0xb8;
	[tilespmem:$0x10100] =	vst v63  }
0xc6: {  	s13 =	simm.s32 $0x9900  }
0xc7: {  	[tilespmem:s13], [sflag:$0x1] =	stream.indirect_vreg.gather [hbm4b:s6+s2], $0x80, v4, vm0, $0xb8;
	[tilespmem:$0x10100] =	vst v63  }
0xc8: {  	s23 =	simm.s32 $0xA100  }
0xc9: {  	[tilespmem:s23], [sflag:$0x1] =	stream.indirect_vreg.gather [hbm4b:s3+s2], $0x80, v3, vm0, $0xb8;
	[tilespmem:$0x10100] =	vst v63  }
0xca: {  	s24 =	simm.s32 $0xA900  }
0xcb: {  	[tilespmem:s24], [sflag:$0x1] =	stream.indirect_vreg.gather [hbm4b:s4+s2], $0x80, v3, vm0, $0xb8;
	[tilespmem:$0x10100] =	vst v63  }
0xcc: {  	s31 =	simm.s32 $0xB100  }
0xcd: {  	[tilespmem:s31], [sflag:$0x1] =	stream.indirect_vreg.gather [hbm4b:s5+s2], $0x80, v3, vm0, $0xb8;
	[tilespmem:$0x10100] =	vst v63  }
0xce: {  	s19 =	simm.s32 $0xB900  }
0xcf: {  	[tilespmem:s19], [sflag:$0x1] =	stream.indirect_vreg.gather [hbm4b:s6+s2], $0x80, v3, vm0, $0xb8;
	[tilespmem:$0x10100] =	vst v63  }
0xd0: {  	v3 =	vld [tilespmem:$0x90];
	_ =	sdelay $0x4  }
0xd1: {  	v55 =	vshll.u32 v3, $0x3  }
0xd2: {  	v3 =	vand.u32 $0x7, v3;
	v4 =	vand.u32 $0xFFFFFFC0, v55  }
0xd3: {  	v3 =	vor.u32 v3, v4  }
0xd4: {  	v4 =	vperm.xlane v3, v0;
	_ =	sdelay $0x1  }
0xd5: {  	v4 =	vadd.s32 v1, v4;
	_ =	sdelay $0x3  }
0xd6: {  	s21 =	simm.s32 $0xC100  }
0xd7: {  	[tilespmem:s21], [sflag:$0x1] =	stream.indirect_vreg.gather [hbm4b:s3+s2], $0x80, v4, vm0, $0xb8;
	[tilespmem:$0x10100] =	vst v63  }
0xd8: {  	s22 =	simm.s32 $0xC900;
	v3 =	vperm.xlane v3, v2  }
0xd9: {  	[tilespmem:s22], [sflag:$0x1] =	stream.indirect_vreg.gather [hbm4b:s4+s2], $0x80, v4, vm0, $0xb8;
	[tilespmem:$0x10100] =	vst v63  }
0xda: {  	s30 =	simm.s32 $0xD100;
	v3 =	vadd.s32 v1, v3  }
0xdb: {  	[tilespmem:s30], [sflag:$0x1] =	stream.indirect_vreg.gather [hbm4b:s5+s2], $0x80, v4, vm0, $0xb8;
	[tilespmem:$0x10100] =	vst v63  }
0xdc: {  	s30 =	simm.s32 $0xD900  }
0xdd: {  	[tilespmem:s30], [sflag:$0x1] =	stream.indirect_vreg.gather [hbm4b:s6+s2], $0x80, v4, vm0, $0xb8;
	[tilespmem:$0x10100] =	vst v63  }
0xde: {  	s20 =	simm.s32 $0xE100  }
0xdf: {  	[tilespmem:s20], [sflag:$0x1] =	stream.indirect_vreg.gather [hbm4b:s3+s2], $0x80, v3, vm0, $0xb8;
	[tilespmem:$0x10100] =	vst v63  }
0xe0: {  	s21 =	simm.s32 $0xE900  }
0xe1: {  	[tilespmem:s21], [sflag:$0x1] =	stream.indirect_vreg.gather [hbm4b:s4+s2], $0x80, v3, vm0, $0xb8;
	[tilespmem:$0x10100] =	vst v63  }
0xe2: {  	s22 =	simm.s32 $0xF100  }
0xe3: {  	[tilespmem:s22], [sflag:$0x1] =	stream.indirect_vreg.gather [hbm4b:s5+s2], $0x80, v3, vm0, $0xb8;
	[tilespmem:$0x10100] =	vst v63  }
0xe4: {  	s17 =	simm.s32 $0xF900  }
0xe5: {  	[tilespmem:s17], [sflag:$0x1] =	stream.indirect_vreg.gather [hbm4b:s6+s2], $0x80, v3, vm0, $0xb8;
	[tilespmem:$0x10100] =	vst v63  }
0xe6: {  	_ =	swait.ge [sflag:s26], $0x8000  }
0xe7: {  	[sflag:s26] =	ssyncset.done $0x0  }
0xe8: {  	s17 =	rddreg [dreg:$0x8];
	[sflag:s26] =	ssyncadd.s32 $0xFFFF8000  }
0xe9: {  	[hbm4b:s17+s2] =	stream.linear.scatter [tilespmem:s18], [sflag:$0x2], $0x8000, $0x38;
	[tilespmem:$0x10100] =	vst v63  }
0xea: {  	_ =	swait.ge [sflag:s8], $0x8000  }
0xeb: {  	[sflag:s8] =	ssyncset.done $0x0  }
0xec: {  	s19 =	rddreg [dreg:$0x9];
	[sflag:s8] =	ssyncadd.s32 $0xFFFF8000  }
0xed: {  	[hbm4b:s19+s2] =	stream.linear.scatter [tilespmem:s28], [sflag:$0x2], $0x8000, $0x38;
	[tilespmem:$0x10100] =	vst v63  }
0xee: {  	_ =	swait.ge [sflag:s8], $0x8000  }
0xef: {  	[sflag:s8] =	ssyncset.done $0x0  }
0xf0: {  	s22 =	rddreg [dreg:$0xa];
	[sflag:s8] =	ssyncadd.s32 $0xFFFF8000  }
0xf1: {  	[tilespmem:s2], [sflag:$0x2] =	stream.linear.gather [hbm4b:s22+s2], $0x20, $0x38;
	[tilespmem:$0x10100] =	vst v63  }
0xf2: {  	_ =	swait.ge [sflag:s8], $0x20  }
0xf3: {  	[sflag:s8] =	ssyncset.done $0x0  }
0xf4: {  	s19 =	simm.s32 $0x80;
	s17 =	rddreg [dreg:$0xb];
	[sflag:s8] =	ssyncadd.s32 $0xFFFFFFE0  }
0xf5: {  	[tilespmem:s19], [sflag:$0x2] =	stream.linear.gather [hbm4b:s17+s2], $0x20, $0x38;
	[tilespmem:$0x10100] =	vst v63  }
0xf6: {  	_ =	swait.ge [sflag:s8], $0x20  }
0xf7: {  	[sflag:s8] =	ssyncset.done $0x0  }
0xf8: {  	[sflag:s8] =	ssyncadd.s32 $0xFFFFFFE0  }
0xf9: {  	v3 =	vld [tilespmem:$0x0];
	_ =	sdelay $0x4  }
0xfa: {  	v56 =	vshll.u32 v3, $0x3  }
0xfb: {  	v3 =	vand.u32 $0x7, v3;
	v4 =	vand.u32 $0xFFFFFFC0, v56  }
0xfc: {  	v3 =	vor.u32 v3, v4  }
0xfd: {  	v4 =	vperm.xlane v3, v0;
	_ =	sdelay $0x1  }
0xfe: {  	v4 =	vadd.s32 v1, v4;
	_ =	sdelay $0x4  }
0xff: {  	[tilespmem:s18], [sflag:$0x1] =	stream.indirect_vreg.gather [hbm4b:s3+s2], $0x80, v4, vm0, $0xb8;
	[tilespmem:$0x10100] =	vst v63  }
0x100: {  	s22 =	simm.s32 $0x900;
	v3 =	vperm.xlane v3, v2  }
0x101: {  	[tilespmem:s22], [sflag:$0x1] =	stream.indirect_vreg.gather [hbm4b:s4+s2], $0x80, v4, vm0, $0xb8;
	[tilespmem:$0x10100] =	vst v63  }
0x102: {  	s29 =	simm.s32 $0x1100;
	v3 =	vadd.s32 v1, v3  }
0x103: {  	[tilespmem:s29], [sflag:$0x1] =	stream.indirect_vreg.gather [hbm4b:s5+s2], $0x80, v4, vm0, $0xb8;
	[tilespmem:$0x10100] =	vst v63  }
0x104: {  	s29 =	simm.s32 $0x1900  }
0x105: {  	[tilespmem:s29], [sflag:$0x1] =	stream.indirect_vreg.gather [hbm4b:s6+s2], $0x80, v4, vm0, $0xb8;
	[tilespmem:$0x10100] =	vst v63  }
0x106: {  	s19 =	simm.s32 $0x2100  }
0x107: {  	[tilespmem:s19], [sflag:$0x1] =	stream.indirect_vreg.gather [hbm4b:s3+s2], $0x80, v3, vm0, $0xb8;
	[tilespmem:$0x10100] =	vst v63  }
0x108: {  	s20 =	simm.s32 $0x2900  }
0x109: {  	[tilespmem:s20], [sflag:$0x1] =	stream.indirect_vreg.gather [hbm4b:s4+s2], $0x80, v3, vm0, $0xb8;
	[tilespmem:$0x10100] =	vst v63  }
0x10a: {  	s29 =	simm.s32 $0x3100  }
0x10b: {  	[tilespmem:s29], [sflag:$0x1] =	stream.indirect_vreg.gather [hbm4b:s5+s2], $0x80, v3, vm0, $0xb8;
	[tilespmem:$0x10100] =	vst v63  }
0x10c: {  	s19 =	simm.s32 $0x3900  }
0x10d: {  	[tilespmem:s19], [sflag:$0x1] =	stream.indirect_vreg.gather [hbm4b:s6+s2], $0x80, v3, vm0, $0xb8;
	[tilespmem:$0x10100] =	vst v63  }
0x10e: {  	v3 =	vld [tilespmem:$0x10];
	_ =	sdelay $0x4  }
0x10f: {  	v57 =	vshll.u32 v3, $0x3  }
0x110: {  	v3 =	vand.u32 $0x7, v3;
	v4 =	vand.u32 $0xFFFFFFC0, v57  }
0x111: {  	v3 =	vor.u32 v3, v4  }
0x112: {  	v4 =	vperm.xlane v3, v0;
	_ =	sdelay $0x1  }
0x113: {  	v4 =	vadd.s32 v1, v4;
	_ =	sdelay $0x4  }
0x114: {  	[tilespmem:s14], [sflag:$0x1] =	stream.indirect_vreg.gather [hbm4b:s3+s2], $0x80, v4, vm0, $0xb8;
	[tilespmem:$0x10100] =	vst v63  }
0x115: {  	s20 =	simm.s32 $0x4900;
	v3 =	vperm.xlane v3, v2  }
0x116: {  	[tilespmem:s20], [sflag:$0x1] =	stream.indirect_vreg.gather [hbm4b:s4+s2], $0x80, v4, vm0, $0xb8;
	[tilespmem:$0x10100] =	vst v63  }
0x117: {  	v3 =	vadd.s32 v1, v3  }
0x118: {  	[tilespmem:s0], [sflag:$0x1] =	stream.indirect_vreg.gather [hbm4b:s5+s2], $0x80, v4, vm0, $0xb8;
	[tilespmem:$0x10100] =	vst v63  }
0x119: {  	_ = 	snop  }
0x11a: {  	[tilespmem:s1], [sflag:$0x1] =	stream.indirect_vreg.gather [hbm4b:s6+s2], $0x80, v4, vm0, $0xb8;
	[tilespmem:$0x10100] =	vst v63  }
0x11b: {  	_ = 	snop  }
0x11c: {  	[tilespmem:s9], [sflag:$0x1] =	stream.indirect_vreg.gather [hbm4b:s3+s2], $0x80, v3, vm0, $0xb8;
	[tilespmem:$0x10100] =	vst v63  }
0x11d: {  	_ = 	snop  }
0x11e: {  	[tilespmem:s10], [sflag:$0x1] =	stream.indirect_vreg.gather [hbm4b:s4+s2], $0x80, v3, vm0, $0xb8;
	[tilespmem:$0x10100] =	vst v63  }
0x11f: {  	_ = 	snop  }
0x120: {  	[tilespmem:s11], [sflag:$0x1] =	stream.indirect_vreg.gather [hbm4b:s5+s2], $0x80, v3, vm0, $0xb8;
	[tilespmem:$0x10100] =	vst v63  }
0x121: {  	_ = 	snop  }
0x122: {  	[tilespmem:s15], [sflag:$0x1] =	stream.indirect_vreg.gather [hbm4b:s6+s2], $0x80, v3, vm0, $0xb8;
	[tilespmem:$0x10100] =	vst v63  }
0x123: {  	_ =	swait.ge [sflag:s26], $0x8000  }
0x124: {  	[sflag:s26] =	ssyncset.done $0x0  }
0x125: {  	[sflag:s26] =	ssyncadd.s32 $0xFFFF8000  }
0x126: {  	v3 =	vld [tilespmem:$0x80];
	_ =	sdelay $0x4  }
0x127: {  	v58 =	vshll.u32 v3, $0x3  }
0x128: {  	v3 =	vand.u32 $0x7, v3;
	v4 =	vand.u32 $0xFFFFFFC0, v58  }
0x129: {  	v3 =	vor.u32 v3, v4  }
0x12a: {  	v4 =	vperm.xlane v3, v0;
	_ =	sdelay $0x1  }
0x12b: {  	v4 =	vadd.s32 v1, v4;
	_ =	sdelay $0x4  }
0x12c: {  	[tilespmem:s28], [sflag:$0x1] =	stream.indirect_vreg.gather [hbm4b:s3+s2], $0x80, v4, vm0, $0xb8;
	[tilespmem:$0x10100] =	vst v63  }
0x12d: {  	v3 =	vperm.xlane v3, v2  }
0x12e: {  	[tilespmem:s16], [sflag:$0x1] =	stream.indirect_vreg.gather [hbm4b:s4+s2], $0x80, v4, vm0, $0xb8;
	[tilespmem:$0x10100] =	vst v63  }
0x12f: {  	v3 =	vadd.s32 v1, v3  }
0x130: {  	[tilespmem:s12], [sflag:$0x1] =	stream.indirect_vreg.gather [hbm4b:s5+s2], $0x80, v4, vm0, $0xb8;
	[tilespmem:$0x10100] =	vst v63  }
0x131: {  	_ = 	snop  }
0x132: {  	[tilespmem:s13], [sflag:$0x1] =	stream.indirect_vreg.gather [hbm4b:s6+s2], $0x80, v4, vm0, $0xb8;
	[tilespmem:$0x10100] =	vst v63  }
0x133: {  	s25 =	simm.s32 $0xA100  }
0x134: {  	[tilespmem:s25], [sflag:$0x1] =	stream.indirect_vreg.gather [hbm4b:s3+s2], $0x80, v3, vm0, $0xb8;
	[tilespmem:$0x10100] =	vst v63  }
0x135: {  	s23 =	simm.s32 $0xA900  }
0x136: {  	[tilespmem:s23], [sflag:$0x1] =	stream.indirect_vreg.gather [hbm4b:s4+s2], $0x80, v3, vm0, $0xb8;
	[tilespmem:$0x10100] =	vst v63  }
0x137: {  	s24 =	simm.s32 $0xB100  }
0x138: {  	[tilespmem:s24], [sflag:$0x1] =	stream.indirect_vreg.gather [hbm4b:s5+s2], $0x80, v3, vm0, $0xb8;
	[tilespmem:$0x10100] =	vst v63  }
0x139: {  	s24 =	simm.s32 $0xB900  }
0x13a: {  	[tilespmem:s24], [sflag:$0x1] =	stream.indirect_vreg.gather [hbm4b:s6+s2], $0x80, v3, vm0, $0xb8;
	[tilespmem:$0x10100] =	vst v63  }
0x13b: {  	v3 =	vld [tilespmem:$0x90];
	_ =	sdelay $0x4  }
0x13c: {  	v59 =	vshll.u32 v3, $0x3  }
0x13d: {  	v3 =	vand.u32 $0x7, v3;
	v4 =	vand.u32 $0xFFFFFFC0, v59  }
0x13e: {  	v3 =	vor.u32 v3, v4  }
0x13f: {  	v4 =	vperm.xlane v3, v0;
	_ =	sdelay $0x1  }
0x140: {  	v4 =	vadd.s32 v1, v4;
	_ =	sdelay $0x3  }
0x141: {  	s25 =	simm.s32 $0xC100  }
0x142: {  	[tilespmem:s25], [sflag:$0x1] =	stream.indirect_vreg.gather [hbm4b:s3+s2], $0x80, v4, vm0, $0xb8;
	[tilespmem:$0x10100] =	vst v63  }
0x143: {  	s29 =	simm.s32 $0xC900;
	v3 =	vperm.xlane v3, v2  }
0x144: {  	[tilespmem:s29], [sflag:$0x1] =	stream.indirect_vreg.gather [hbm4b:s4+s2], $0x80, v4, vm0, $0xb8;
	[tilespmem:$0x10100] =	vst v63  }
0x145: {  	s31 =	simm.s32 $0xD100;
	v3 =	vadd.s32 v1, v3  }
0x146: {  	[tilespmem:s31], [sflag:$0x1] =	stream.indirect_vreg.gather [hbm4b:s5+s2], $0x80, v4, vm0, $0xb8;
	[tilespmem:$0x10100] =	vst v63  }
0x147: {  	s0 =	simm.s32 $0xD900  }
0x148: {  	[tilespmem:s0], [sflag:$0x1] =	stream.indirect_vreg.gather [hbm4b:s6+s2], $0x80, v4, vm0, $0xb8;
	[tilespmem:$0x10100] =	vst v63  }
0x149: {  	s30 =	simm.s32 $0xE100  }
0x14a: {  	[tilespmem:s30], [sflag:$0x1] =	stream.indirect_vreg.gather [hbm4b:s3+s2], $0x80, v3, vm0, $0xb8;
	[tilespmem:$0x10100] =	vst v63  }
0x14b: {  	s21 =	simm.s32 $0xE900  }
0x14c: {  	[tilespmem:s21], [sflag:$0x1] =	stream.indirect_vreg.gather [hbm4b:s4+s2], $0x80, v3, vm0, $0xb8;
	[tilespmem:$0x10100] =	vst v63  }
0x14d: {  	s21 =	simm.s32 $0xF100  }
0x14e: {  	[tilespmem:s21], [sflag:$0x1] =	stream.indirect_vreg.gather [hbm4b:s5+s2], $0x80, v3, vm0, $0xb8;
	[tilespmem:$0x10100] =	vst v63  }
0x14f: {  	s30 =	simm.s32 $0xF900  }
0x150: {  	[tilespmem:s30], [sflag:$0x1] =	stream.indirect_vreg.gather [hbm4b:s6+s2], $0x80, v3, vm0, $0xb8;
	[tilespmem:$0x10100] =	vst v63  }
0x151: {  	_ =	swait.ge [sflag:s26], $0x8000  }
0x152: {  	[sflag:s26] =	ssyncset.done $0x0  }
0x153: {  	s0 =	rddreg [dreg:$0xc];
	[sflag:s26] =	ssyncadd.s32 $0xFFFF8000  }
0x154: {  	[hbm4b:s0+s2] =	stream.linear.scatter [tilespmem:s18], [sflag:$0x2], $0x8000, $0x38;
	[tilespmem:$0x10100] =	vst v63  }
0x155: {  	_ =	swait.ge [sflag:s8], $0x8000  }
0x156: {  	[sflag:s8] =	ssyncset.done $0x0  }
0x157: {  	s0 =	rddreg [dreg:$0xd];
	[sflag:s8] =	ssyncadd.s32 $0xFFFF8000  }
0x158: {  	[hbm4b:s0+s2] =	stream.linear.scatter [tilespmem:s28], [sflag:$0x2], $0x8000, $0x38;
	[tilespmem:$0x10100] =	vst v63  }
0x159: {  	_ =	swait.ge [sflag:s8], $0x8000  }
0x15a: {  	[sflag:s8] =	ssyncset.done $0x0  }
0x15b: {  	s0 =	rddreg [dreg:$0xe];
	[sflag:s8] =	ssyncadd.s32 $0xFFFF8000  }
0x15c: {  	[tilespmem:s2], [sflag:$0x2] =	stream.linear.gather [hbm4b:s0+s2], $0x20, $0x38;
	[tilespmem:$0x10100] =	vst v63  }
0x15d: {  	_ =	swait.ge [sflag:s8], $0x20  }
0x15e: {  	[sflag:s8] =	ssyncset.done $0x0  }
0x15f: {  	s0 =	simm.s32 $0x80;
	s20 =	rddreg [dreg:$0xf];
	[sflag:s8] =	ssyncadd.s32 $0xFFFFFFE0  }
0x160: {  	[tilespmem:s0], [sflag:$0x2] =	stream.linear.gather [hbm4b:s20+s2], $0x20, $0x38;
	[tilespmem:$0x10100] =	vst v63  }
0x161: {  	_ =	swait.ge [sflag:s8], $0x20  }
0x162: {  	[sflag:s8] =	ssyncset.done $0x0  }
0x163: {  	[sflag:s8] =	ssyncadd.s32 $0xFFFFFFE0  }
0x164: {  	v3 =	vld [tilespmem:$0x0];
	_ =	sdelay $0x4  }
0x165: {  	v60 =	vshll.u32 v3, $0x3  }
0x166: {  	v3 =	vand.u32 $0x7, v3;
	v4 =	vand.u32 $0xFFFFFFC0, v60  }
0x167: {  	v3 =	vor.u32 v3, v4  }
0x168: {  	v4 =	vperm.xlane v3, v0;
	_ =	sdelay $0x1  }
0x169: {  	v4 =	vadd.s32 v1, v4;
	_ =	sdelay $0x4  }
0x16a: {  	[tilespmem:s18], [sflag:$0x1] =	stream.indirect_vreg.gather [hbm4b:s3+s2], $0x80, v4, vm0, $0xb8;
	[tilespmem:$0x10100] =	vst v63  }
0x16b: {  	s20 =	simm.s32 $0x900;
	v3 =	vperm.xlane v3, v2  }
0x16c: {  	[tilespmem:s20], [sflag:$0x1] =	stream.indirect_vreg.gather [hbm4b:s4+s2], $0x80, v4, vm0, $0xb8;
	[tilespmem:$0x10100] =	vst v63  }
0x16d: {  	s22 =	simm.s32 $0x1100;
	v3 =	vadd.s32 v1, v3  }
0x16e: {  	[tilespmem:s22], [sflag:$0x1] =	stream.indirect_vreg.gather [hbm4b:s5+s2], $0x80, v4, vm0, $0xb8;
	[tilespmem:$0x10100] =	vst v63  }
0x16f: {  	s22 =	simm.s32 $0x1900  }
0x170: {  	[tilespmem:s22], [sflag:$0x1] =	stream.indirect_vreg.gather [hbm4b:s6+s2], $0x80, v4, vm0, $0xb8;
	[tilespmem:$0x10100] =	vst v63  }
0x171: {  	s0 =	simm.s32 $0x2100  }
0x172: {  	[tilespmem:s0], [sflag:$0x1] =	stream.indirect_vreg.gather [hbm4b:s3+s2], $0x80, v3, vm0, $0xb8;
	[tilespmem:$0x10100] =	vst v63  }
0x173: {  	s22 =	simm.s32 $0x2900  }
0x174: {  	[tilespmem:s22], [sflag:$0x1] =	stream.indirect_vreg.gather [hbm4b:s4+s2], $0x80, v3, vm0, $0xb8;
	[tilespmem:$0x10100] =	vst v63  }
0x175: {  	s0 =	simm.s32 $0x3100  }
0x176: {  	[tilespmem:s0], [sflag:$0x1] =	stream.indirect_vreg.gather [hbm4b:s5+s2], $0x80, v3, vm0, $0xb8;
	[tilespmem:$0x10100] =	vst v63  }
0x177: {  	s22 =	simm.s32 $0x3900  }
0x178: {  	[tilespmem:s22], [sflag:$0x1] =	stream.indirect_vreg.gather [hbm4b:s6+s2], $0x80, v3, vm0, $0xb8;
	[tilespmem:$0x10100] =	vst v63  }
0x179: {  	v3 =	vld [tilespmem:$0x10];
	_ =	sdelay $0x4  }
0x17a: {  	v61 =	vshll.u32 v3, $0x3  }
0x17b: {  	v3 =	vand.u32 $0x7, v3;
	v4 =	vand.u32 $0xFFFFFFC0, v61  }
0x17c: {  	v3 =	vor.u32 v3, v4  }
0x17d: {  	v4 =	vperm.xlane v3, v0;
	_ =	sdelay $0x1  }
0x17e: {  	v4 =	vadd.s32 v1, v4;
	_ =	sdelay $0x3  }
0x17f: {  	s14 =	simm.s32 $0x4100  }
0x180: {  	[tilespmem:s14], [sflag:$0x1] =	stream.indirect_vreg.gather [hbm4b:s3+s2], $0x80, v4, vm0, $0xb8;
	[tilespmem:$0x10100] =	vst v63  }
0x181: {  	s0 =	simm.s32 $0x4900;
	v3 =	vperm.xlane v3, v2  }
0x182: {  	[tilespmem:s0], [sflag:$0x1] =	stream.indirect_vreg.gather [hbm4b:s4+s2], $0x80, v4, vm0, $0xb8;
	[tilespmem:$0x10100] =	vst v63  }
0x183: {  	v3 =	vadd.s32 v1, v3;
	s14 =	simm.s32 $0x5100  }
0x184: {  	[tilespmem:s14], [sflag:$0x1] =	stream.indirect_vreg.gather [hbm4b:s5+s2], $0x80, v4, vm0, $0xb8;
	[tilespmem:$0x10100] =	vst v63  }
0x185: {  	s1 =	simm.s32 $0x5900  }
0x186: {  	[tilespmem:s1], [sflag:$0x1] =	stream.indirect_vreg.gather [hbm4b:s6+s2], $0x80, v4, vm0, $0xb8;
	[tilespmem:$0x10100] =	vst v63  }
0x187: {  	s9 =	simm.s32 $0x6100  }
0x188: {  	[tilespmem:s9], [sflag:$0x1] =	stream.indirect_vreg.gather [hbm4b:s3+s2], $0x80, v3, vm0, $0xb8;
	[tilespmem:$0x10100] =	vst v63  }
0x189: {  	s10 =	simm.s32 $0x6900  }
0x18a: {  	[tilespmem:s10], [sflag:$0x1] =	stream.indirect_vreg.gather [hbm4b:s4+s2], $0x80, v3, vm0, $0xb8;
	[tilespmem:$0x10100] =	vst v63  }
0x18b: {  	s11 =	simm.s32 $0x7100  }
0x18c: {  	[tilespmem:s11], [sflag:$0x1] =	stream.indirect_vreg.gather [hbm4b:s5+s2], $0x80, v3, vm0, $0xb8;
	[tilespmem:$0x10100] =	vst v63  }
0x18d: {  	s15 =	simm.s32 $0x7900  }
0x18e: {  	[tilespmem:s15], [sflag:$0x1] =	stream.indirect_vreg.gather [hbm4b:s6+s2], $0x80, v3, vm0, $0xb8;
	[tilespmem:$0x10100] =	vst v63  }
0x18f: {  	_ =	swait.ge [sflag:s26], $0x8000  }
0x190: {  	[sflag:s26] =	ssyncset.done $0x0  }
0x191: {  	[sflag:s26] =	ssyncadd.s32 $0xFFFF8000  }
0x192: {  	v3 =	vld [tilespmem:$0x80];
	_ =	sdelay $0x4  }
0x193: {  	v62 =	vshll.u32 v3, $0x3  }
0x194: {  	v3 =	vand.u32 $0x7, v3;
	v4 =	vand.u32 $0xFFFFFFC0, v62  }
0x195: {  	v3 =	vor.u32 v3, v4  }
0x196: {  	v4 =	vperm.xlane v3, v0;
	_ =	sdelay $0x1  }
0x197: {  	v4 =	vadd.s32 v1, v4;
	_ =	sdelay $0x4  }
0x198: {  	[tilespmem:s28], [sflag:$0x1] =	stream.indirect_vreg.gather [hbm4b:s3+s2], $0x80, v4, vm0, $0xb8;
	[tilespmem:$0x10100] =	vst v63  }
0x199: {  	s16 =	simm.s32 $0x8900;
	v3 =	vperm.xlane v3, v2  }
0x19a: {  	[tilespmem:s16], [sflag:$0x1] =	stream.indirect_vreg.gather [hbm4b:s4+s2], $0x80, v4, vm0, $0xb8;
	[tilespmem:$0x10100] =	vst v63  }
0x19b: {  	s12 =	simm.s32 $0x9100;
	v3 =	vadd.s32 v1, v3  }
0x19c: {  	[tilespmem:s12], [sflag:$0x1] =	stream.indirect_vreg.gather [hbm4b:s5+s2], $0x80, v4, vm0, $0xb8;
	[tilespmem:$0x10100] =	vst v63  }
0x19d: {  	s13 =	simm.s32 $0x9900  }
0x19e: {  	[tilespmem:s13], [sflag:$0x1] =	stream.indirect_vreg.gather [hbm4b:s6+s2], $0x80, v4, vm0, $0xb8;
	[tilespmem:$0x10100] =	vst v63  }
0x19f: {  	s19 =	simm.s32 $0xA100  }
0x1a0: {  	[tilespmem:s19], [sflag:$0x1] =	stream.indirect_vreg.gather [hbm4b:s3+s2], $0x80, v3, vm0, $0xb8;
	[tilespmem:$0x10100] =	vst v63  }
0x1a1: {  	s17 =	simm.s32 $0xA900  }
0x1a2: {  	[tilespmem:s17], [sflag:$0x1] =	stream.indirect_vreg.gather [hbm4b:s4+s2], $0x80, v3, vm0, $0xb8;
	[tilespmem:$0x10100] =	vst v63  }
0x1a3: {  	s23 =	simm.s32 $0xB100  }
0x1a4: {  	[tilespmem:s23], [sflag:$0x1] =	stream.indirect_vreg.gather [hbm4b:s5+s2], $0x80, v3, vm0, $0xb8;
	[tilespmem:$0x10100] =	vst v63  }
0x1a5: {  	s20 =	simm.s32 $0xB900  }
0x1a6: {  	[tilespmem:s20], [sflag:$0x1] =	stream.indirect_vreg.gather [hbm4b:s6+s2], $0x80, v3, vm0, $0xb8;
	[tilespmem:$0x10100] =	vst v63  }
0x1a7: {  	v3 =	vld [tilespmem:$0x90];
	_ =	sdelay $0x4  }
0x1a8: {  	v63 =	vshll.u32 v3, $0x3  }
0x1a9: {  	v3 =	vand.u32 $0x7, v3;
	v4 =	vand.u32 $0xFFFFFFC0, v63  }
0x1aa: {  	v3 =	vor.u32 v3, v4  }
0x1ab: {  	v4 =	vperm.xlane v3, v0;
	_ =	sdelay $0x1  }
0x1ac: {  	v4 =	vadd.s32 v1, v4;
	_ =	sdelay $0x3  }
0x1ad: {  	s22 =	simm.s32 $0xC100  }
0x1ae: {  	[tilespmem:s22], [sflag:$0x1] =	stream.indirect_vreg.gather [hbm4b:s3+s2], $0x80, v4, vm0, $0xb8;
	[tilespmem:$0x10100] =	vst v63  }
0x1af: {  	s23 =	simm.s32 $0xC900;
	v3 =	vperm.xlane v3, v2  }
0x1b0: {  	[tilespmem:s23], [sflag:$0x1] =	stream.indirect_vreg.gather [hbm4b:s4+s2], $0x80, v4, vm0, $0xb8;
	[tilespmem:$0x10100] =	vst v63  }
0x1b1: {  	s29 =	simm.s32 $0xD100;
	v3 =	vadd.s32 v1, v3  }
0x1b2: {  	[tilespmem:s29], [sflag:$0x1] =	stream.indirect_vreg.gather [hbm4b:s5+s2], $0x80, v4, vm0, $0xb8;
	[tilespmem:$0x10100] =	vst v63  }
0x1b3: {  	s31 =	simm.s32 $0xD900  }
0x1b4: {  	[tilespmem:s31], [sflag:$0x1] =	stream.indirect_vreg.gather [hbm4b:s6+s2], $0x80, v4, vm0, $0xb8;
	[tilespmem:$0x10100] =	vst v63  }
0x1b5: {  	s25 =	simm.s32 $0xE100  }
0x1b6: {  	[tilespmem:s25], [sflag:$0x1] =	stream.indirect_vreg.gather [hbm4b:s3+s2], $0x80, v3, vm0, $0xb8;
	[tilespmem:$0x10100] =	vst v63  }
0x1b7: {  	s24 =	simm.s32 $0xE900  }
0x1b8: {  	[tilespmem:s24], [sflag:$0x1] =	stream.indirect_vreg.gather [hbm4b:s4+s2], $0x80, v3, vm0, $0xb8;
	[tilespmem:$0x10100] =	vst v63  }
0x1b9: {  	s21 =	simm.s32 $0xF100  }
0x1ba: {  	[tilespmem:s21], [sflag:$0x1] =	stream.indirect_vreg.gather [hbm4b:s5+s2], $0x80, v3, vm0, $0xb8;
	[tilespmem:$0x10100] =	vst v63  }
0x1bb: {  	s30 =	simm.s32 $0xF900  }
0x1bc: {  	[tilespmem:s30], [sflag:$0x1] =	stream.indirect_vreg.gather [hbm4b:s6+s2], $0x80, v3, vm0, $0xb8;
	[tilespmem:$0x10100] =	vst v63  }
0x1bd: {  	_ =	swait.ge [sflag:s26], $0x8000  }
0x1be: {  	[sflag:s26] =	ssyncset.done $0x0  }
0x1bf: {  	s30 =	rddreg [dreg:$0x10];
	[sflag:s26] =	ssyncadd.s32 $0xFFFF8000  }
0x1c0: {  	[hbm4b:s30+s2] =	stream.linear.scatter [tilespmem:s18], [sflag:$0x2], $0x8000, $0x38;
	[tilespmem:$0x10100] =	vst v63  }
0x1c1: {  	_ =	swait.ge [sflag:s8], $0x8000  }
0x1c2: {  	p0 =	sne.s32 s7, $0x1;
	[sflag:s8] =	ssyncset.done $0x0  }
.Ltmp0:
0x1c3: {  	s31 =	rddreg [dreg:$0x11];
	[sflag:s8] =	ssyncadd.s32 $0xFFFF8000;
	(pc) =	sbr.rel @p0 .LBB2_1-.Ltmp0, $4  }
0x1c4: {  	[hbm4b:s31+s2] =	stream.linear.scatter [tilespmem:s28], [sflag:$0x2], $0x8000, $0x38;
	[tilespmem:$0x10100] =	vst v63  }
0x1c5: {  	_ =	swait.ge [sflag:s8], $0x8000  }
0x1c6: {  	[sflag:s8] =	ssyncset.done $0x0  }
0x1c7: {  	s7 =	sadd.s32 $0xFFFFFFFF, s7;
	[sflag:s8] =	ssyncadd.s32 $0xFFFF8000  }
0x1c8: {  	_ =	sfence.sel $0x180000  }
0x1c9: {  	[bflag:$0x0] =	sbarrier.arrive $0xFFFF  }
0x1ca: {  	_ =	strace $0x9000004A  }
0x1cb: {  	s0 =	stileid.u32;
	[bflag:$0x2] =	sbarrier.arrive $0xFFFF  }
0x1cc: {  	p0 =	sne.s32 s0, $0x0;
	s0 =	rddreg [dreg:$0x1]  }
0x1cd: {  	s0 =	sadd.s32 @!p0 $0x100000, s0  }
0x1ce: {  	[sflag:s0] =	ssyncadd.tile.s32 @!p0 $0x1;
	_ =	shalt  }
.Lfunc_end2:
_tile_overlayer_lowered:
.L_overlay_start_2:
0x1cf: {  	(tag) =	ssettag $0x2  }
0x1d0: {  	s0 =	rddreg [dreg:$0x0];
	s2 =	stileid.u32  }
0x1d1: {  	s1 =	rddreg [dreg:$0x1];
	p0 =	sne.s32 s2, $0x0  }
0x1d2: {  	s3 =	rddreg [dreg:$0x2];
	[bflag:$0x3] =	sbarrier.arrive $0xFFFF;
	s2 =	simm.s32 @!p0 $0x1C02  }
0x1d3: {  	[timem:s3], [sflag:s2] =	dma.local @!p0 [hbm:s0], s1  }
0x1d4: {  	s0 =	simm.s32 @!p0 $0x2  }
0x1d5: {  	_ =	swait.ge @!p0 [sflag:s0], s1  }
0x1d6: {  	s1 =	ssub.s32 @!p0 $0x0, s1;
	[sflag:s0] =	ssyncset.done @!p0 $0x0  }
0x1d7: {  	[sflag:s0] =	ssyncadd.s32 @!p0 s1  }
0x1d8: {  	[bflag:$0x3] =	sbarrier.arrive $0xFFFF  }
0x1d9: {  	_ =	shalt  }

// kernel: kernel.7.cloned.1.call-start
scs
__scs_entry_jumppad:
0x0: {  	(pc) =	sbr.rel $0x88, $3  }
0x1: {  	(tag) =	ssettag $0x0;
	lr =	simm.s32 $0x1  }
0x2: {  	[smem:$0x3F9D] =	sst lr;
	_ =	strace $0xD0000000  }
0x3: {  	_ = 	snop  }
0x4: {  	_ = 	snop  }
0x5: {  	_ = 	snop  }
0x6: {  	_ = 	snop  }
0x7: {  	_ = 	snop  }
__scs_overlays_trampoline_lowered:
0x8: {  	[smem:$0x3FAC] =	sst s0  }
0x9: {  	[smem:$0x3FAD] =	sst s1  }
0xa: {  	[smem:$0x3FAE] =	sst s2  }
0xb: {  	[smem:$0x3FAF] =	sst s3  }
0xc: {  	[smem:$0x3FB0] =	sst s4  }
0xd: {  	[smem:$0x3FB1] =	sst s5  }
0xe: {  	[smem:$0x3FB2] =	sst s6  }
0xf: {  	[smem:$0x3FB3] =	sst s7  }
0x10: {  	[smem:$0x3FB4] =	sst s8  }
0x11: {  	[smem:$0x3FB5] =	sst s9;
	s0 =	simm.s32 @!p0 $0x0  }
0x12: {  	s1 =	sld [smem:$0x3F9B];
	s0 =	simm.s32 @p0 $0x1  }
0x13: {  	[smem:$0x3FB6] =	sst s0;
	s0 =	simm.s32 @!p1 $0x0  }
0x14: {  	s2 =	sld [smem:$0x3F9A];
	s0 =	simm.s32 @p1 $0x1  }
0x15: {  	[smem:$0x3FB7] =	sst s0;
	s0 =	simm.s32 @!p2 $0x0  }
0x16: {  	s3 =	sld [smem:$0x3FDB];
	s0 =	simm.s32 @p2 $0x1  }
0x17: {  	s4 =	simm.s32 $0x1BF5;
	[smem:$0x3FB9] =	sst s0  }
0x18: {  	s0 =	sld [smem:$0x3F9C];
	_ =	swait.ge [sflag:s4], $0x0  }
0x19: {  	s7 =	sld [smem:$0x3F9D]  }
0x1a: {  	s8 =	sadd.s32 $0xFFFFE003, lr  }
0x1b: {  	s9 =	sadd.s32 $0xFFFFFEF7, lr;
	s5 =	simm.s32 $0xFFFFFFFF;
	p2 =	slt.u32 s8, $0xFFFFF086  }
0x1c: {  	p1 =	slt.u32 s9, $0xF7A;
	s5 =	simm.s32 @!p2 $0x0  }
0x1d: {  	s5 =	simm.s32 @p1 $0x1;
	p0 =	seq.s32 s7, s2  }
0x1e: {  	s7 =	smul.u32 @!p0 $0xF7A, s2;
	p2 =	seq.s32 @!p0 s5, $0x0  }
0x1f: {  	s9 =	smul.u32 $0xF7A, s1;
	s8 =	simm.s32 @!p0 $0x1BF5;
	p2 =	por !p2, p0  }
0x20: {  	[sflag:s8] =	ssyncset.s32 @!p0 $0xFFFFF086;
	s6 =	sadd.s32 @!p0 s3, s7;
	s7 =	simm.s32 @!p0 $0x108  }
0x21: {  	s3 =	sadd.s32 s3, s9;
	s6 =	sadd.s32 @!p0 $0x88, s6;
	s7 =	simm.s32 @p2 $0x1082  }
0x22: {  	[simem:s7], [sflag:s8] =	dma.local @!p0 [hbm:s6], $0xF7A  }
0x23: {  	s9 =	sor.u32 $0xD0000000, s2;
	s6 =	simm.s32 $0x108;
	_ =	swait.ge @!p0 [sflag:s8], $0x0  }
0x24: {  	s3 =	sadd.s32 $0x88, s3;
	s6 =	simm.s32 @!p1 $0x1082;
	[sflag:s4] =	ssyncset.s32 $0xFFFFF086  }
0x25: {  	[simem:s6], [sflag:s4] =	dma.local [hbm:s3], $0xF7A  }
0x26: {  	[smem:$0x3F9D] =	sst s1;
	(tag) =	ssettag s2;
	_ =	strace s9  }
0x27: {  	s1 =	sld [smem:$0x3FAD]  }
0x28: {  	s2 =	sld [smem:$0x3FAE]  }
0x29: {  	s4 =	sld [smem:$0x3FB0]  }
0x2a: {  	p0 =	seq.s32 s5, $0x0;
	s5 =	sld [smem:$0x3FB1]  }
0x2b: {  	s6 =	sld [smem:$0x3FB2]  }
0x2c: {  	s7 =	sld [smem:$0x3FB3]  }
0x2d: {  	s3 =	simm.s32 $0x108;
	s8 =	sld [smem:$0x3FB4]  }
0x2e: {  	s3 =	simm.s32 @!p0 $0x1082;
	s9 =	sld [smem:$0x3FB5]  }
0x2f: {  	lr =	sadd.s32 s0, s3;
	s0 =	sld [smem:$0x3FAC]  }
0x30: {  	s3 =	sld [smem:$0x3FAF]  }
0x31: {  	[smem:$0x3FB8] =	sst s10  }
0x32: {  	s10 =	sld [smem:$0x3FB6];
	_ =	sdelay $0x3  }
0x33: {  	p0 =	seq.s32 s10, $0x1;
	s10 =	sld [smem:$0x3FB8];
	_ =	sdelay $0x3  }
0x34: {  	[smem:$0x3FB8] =	sst s10  }
0x35: {  	s10 =	sld [smem:$0x3FB7];
	_ =	sdelay $0x3  }
0x36: {  	p1 =	seq.s32 s10, $0x1;
	s10 =	sld [smem:$0x3FB8];
	_ =	sdelay $0x3  }
0x37: {  	[smem:$0x3FB8] =	sst s10  }
0x38: {  	s10 =	sld [smem:$0x3FB9]  }
0x39: {  	_ = 	snop;
	(pc) =	sbr.ind lr, $3  }
0x3a: {  	_ = 	snop  }
0x3b: {  	_ = 	snop  }
0x3c: {  	p2 =	seq.s32 s10, $0x1;
	s10 =	sld [smem:$0x3FB8]  }
0x3d: {  	_ =	shalt  }
0x3e: {  	_ =	shalt  }
0x3f: {  	_ =	shalt  }
0x40: {  	_ =	shalt  }
0x41: {  	_ =	shalt  }
0x42: {  	_ =	shalt  }
0x43: {  	_ =	shalt  }
0x44: {  	_ =	shalt  }
0x45: {  	_ =	shalt  }
0x46: {  	_ =	shalt  }
0x47: {  	_ =	shalt  }
0x48: {  	_ =	shalt  }
0x49: {  	_ =	shalt  }
0x4a: {  	_ =	shalt  }
0x4b: {  	_ =	shalt  }
0x4c: {  	_ =	shalt  }
0x4d: {  	_ =	shalt  }
0x4e: {  	_ =	shalt  }
0x4f: {  	_ =	shalt  }
0x50: {  	_ =	shalt  }
0x51: {  	_ =	shalt  }
0x52: {  	_ =	shalt  }
0x53: {  	_ =	shalt  }
0x54: {  	_ =	shalt  }
0x55: {  	_ =	shalt  }
0x56: {  	_ =	shalt  }
0x57: {  	_ =	shalt  }
0x58: {  	_ =	shalt  }
0x59: {  	_ =	shalt  }
0x5a: {  	_ =	shalt  }
0x5b: {  	_ =	shalt  }
0x5c: {  	_ =	shalt  }
0x5d: {  	_ =	shalt  }
0x5e: {  	_ =	shalt  }
0x5f: {  	_ =	shalt  }
0x60: {  	_ =	shalt  }
0x61: {  	_ =	shalt  }
0x62: {  	_ =	shalt  }
0x63: {  	_ =	shalt  }
0x64: {  	_ =	shalt  }
0x65: {  	_ =	shalt  }
0x66: {  	_ =	shalt  }
0x67: {  	_ =	shalt  }
0x68: {  	_ =	shalt  }
0x69: {  	_ =	shalt  }
0x6a: {  	_ =	shalt  }
0x6b: {  	_ =	shalt  }
0x6c: {  	_ =	shalt  }
0x6d: {  	_ =	shalt  }
0x6e: {  	_ =	shalt  }
0x6f: {  	_ =	shalt  }
0x70: {  	_ =	shalt  }
0x71: {  	_ =	shalt  }
0x72: {  	_ =	shalt  }
0x73: {  	_ =	shalt  }
0x74: {  	_ =	shalt  }
0x75: {  	_ =	shalt  }
0x76: {  	_ =	shalt  }
0x77: {  	_ =	shalt  }
0x78: {  	_ =	shalt  }
0x79: {  	_ =	shalt  }
0x7a: {  	_ =	shalt  }
0x7b: {  	_ =	shalt  }
0x7c: {  	_ =	shalt  }
0x7d: {  	_ =	shalt  }
0x7e: {  	_ =	shalt  }
0x7f: {  	_ =	shalt  }
0x80: {  	_ =	shalt  }
0x81: {  	_ =	shalt  }
0x82: {  	_ =	shalt  }
0x83: {  	_ =	shalt  }
0x84: {  	_ =	shalt  }
0x85: {  	_ =	shalt  }
0x86: {  	_ =	shalt  }
0x87: {  	_ =	shalt  }
.Lfunc_end0:
.L_simem_size_0:
called_computation_lowered:
.L_overlay_start_0:
0x88: {  	s2 =	sld [smem:$0x3FD9]  }
0x89: {  	s3 =	sld [smem:$0x3FFE];
	_ =	sdelay $0x1  }
0x8a: {  	s1 =	srdreg.scid  }
0x8b: {  	s0 =	sand.u32 $0x1, s1  }
0x8c: {  	s17 =	sshll.u32 s0, $0xA;
	s2 =	sadd.s32 s3, s2  }
0x8d: {  	s2 =	sadd.s32 s2, s17  }
0x8e: {  	[smem:$0x3FC4] =	sst s2  }
0x8f: {  	_ = 	snop  }
0x90: {  	s2 =	sld [smem:$0x3FC9]  }
0x91: {  	s18 =	sld [smem:$0x3FD0];
	(tm) =	ssettm $0x1  }
0x92: {  	s4 =	sld [smem:$0x3FFB];
	_ =	sdelay $0x3  }
0x93: {  	_ =	strace s4  }
0x94: {  	s4 =	sld [smem:$0x3FFC];
	_ =	sdelay $0x3  }
0x95: {  	_ =	strace s4  }
0x96: {  	s4 =	sld [smem:$0x3FFD];
	_ =	sdelay $0x3  }
0x97: {  	_ =	strace s4  }
0x98: {  	_ =	strace $0x8FFFFFFF  }
0x99: {  	s19 =	sld [smem:$0x3FDB];
	_ =	sdelay $0x1  }
0x9a: {  	s5 =	simm.s32 $_scs_section_size  }
0x9b: {  	s6 =	simm.s32 $_size__tile_overlayer_lowered;
	s7 =	simm.s32 $_tile_overlayer_lowered  }
0x9c: {  	s22 =	simm.s32 $0x1BFF;
	s21 =	sshll.u32 s7, $0x1;
	s4 =	sadd.s32 s5, s19  }
0x9d: {  	s8 =	simm.s32 $0x0;
	s20 =	sshll.u32 s6, $0x1;
	s6 =	sadd.s32 s21, s4  }
0x9e: {  	[timem:s8], [sflag:s22] =	dma.local [hbm:s6], s20  }
0x9f: {  	_ =	swait.ge [sflag:s22], s20  }
0xa0: {  	s5 =	ssub.s32 $0x0, s20;
	[sflag:s22] =	ssyncset.done $0x0  }
0xa1: {  	[sflag:s22] =	ssyncadd.s32 s5;
	_ =	sdelay $0x1  }
0xa2: {  	s23 =	simm.s32 $0x1B8B  }
0xa3: {  	_ =	swait.ge [sflag:s23], $0x1  }
0xa4: {  	[sflag:s23] =	ssyncset.done $0x0  }
0xa5: {  	s25 =	simm.s32 $0x1B8E;
	s24 =	sld [smem:$0x3FFE];
	[sflag:s23] =	ssyncadd.s32 $0xFFFFFFFF  }
0xa6: {  	s26 =	simm.s32 $execute0_lowered;
	[smem:$0x3FD2] =	sst s25  }
0xa7: {  	s6 =	sshll.u32 s26, $0x1;
	_ =	strace $0x80000046;
	[dreg:$0x1] =	wrdreg $0xFFFFFFFF  }
0xa8: {  	s28 =	simm.s32 $_size_execute0_lowered;
	s4 =	sadd.s32 s4, s6;
	[dreg:$0x0] =	wrdreg $0x0  }
0xa9: {  	s6 =	sshll.u32 s28, $0x1;
	[dreg:$0x2] =	wrdreg s4  }
0xaa: {  	[dreg:$0x3] =	wrdreg s6  }
0xab: {  	[dreg:$0x4] =	wrdreg $0xC0  }
0xac: {  	_ =	task [dreg:s8], $0x5FFFF  }
0xad: {  	[dreg:$0x1] =	wrdreg $0xFFFFFFFF  }
0xae: {  	[dreg:$0x0] =	wrdreg $0x60  }
0xaf: {  	[dreg:$0x2] =	wrdreg s2  }
0xb0: {  	[dreg:$0x3] =	wrdreg s24  }
0xb1: {  	[dreg:$0x4] =	wrdreg s18  }
0xb2: {  	[dreg:$0x5] =	wrdreg $0x9  }
0xb3: {  	_ =	task.clear_ibuf [dreg:s8], $0x6FFFF;
	_ =	strace $0x90000046  }
0xb4: {  	s29 =	simm.s32 $0x9;
	_ =	strace $0x80000048  }
0xb5: {  	_ =	swait.ge [sflag:s29], $0x1  }
0xb6: {  	[sflag:s29] =	ssyncadd.s32 $0xFFFFFFFF  }
0xb7: {  	_ =	strace $0x90000048  }
0xb8: {  	_ =	sfence  }
0xb9: {  	s30 =	sld [smem:$0x0];
	_ =	sdelay $0x2  }
0xba: {  	s31 =	sshll.u32 s1, $0xD;
	s1 =	sshrl.u32 s1, $0x2  }
0xbb: {  	s3 =	sand.u32 $0x4000, s31;
	s1 =	sadd.s32 s1, s30  }
0xbc: {  	s0 =	sor.u32 s3, s0;
	s1 =	sshll.u32 s1, $0x11  }
0xbd: {  	s0 =	sor.u32 s1, s0  }
0xbe: {  	s0 =	sadd.s32 $0x8F2B, s0  }
0xbf: {  	[sflag:s0] =	ssyncadd.remote.s32 $0x1  }
0xc0: {  	_ =	sfence.sel $0xFFFF  }
0xc1: {  	[dreg:$0x0] =	wrdreg $0xFFFFFFFF;
	(pc) =	sbr.abs _section_cstart, $3  }
0xc2: {  	[dreg:$0x1] =	wrdreg $0xFFFFFFFF  }
0xc3: {  	_ =	task.clear_ibuf [dreg:s8], $0x2FFFF;
	_ =	strace $0x9FFFFFFF  }
0xc4: {  	(tm) =	ssettm $0x7FFFFFFF  }
0xc5: {  	_ =	shalt  }
tec
execute0_lowered:
.L_overlay_start_1:
0x0: {  	(tag) =	ssettag $0x1  }
0x1: {  	s1 =	rddreg [dreg:$0x0]  }
0x2: {  	s0 =	rddreg [dreg:$0x1]  }
0x3: {  	s2 =	srdreg.scid;
	s4 =	simm.s32 $0x0;
	s3 =	stileid.u32  }
0x4: {  	s13 =	simm.s32 $0x3;
	s2 =	sand.u32 $0x1, s2;
	[smem:$0x7FF] =	sst s4  }
0x5: {  	s3 =	sshll.u32 s3, $0x6;
	s9 =	sadd.s32 $0x800, s0;
	s5 =	sshll.u32 s2, $0x5  }
0x6: {  	s10 =	sadd.s32 $0x400, s0;
	_ =	strace $0x80000047;
	s3 =	sor.u32 s5, s3  }
0x7: {  	s2 =	ssub.s32 $0x2, s2;
	s5 =	sadd.s32 $0xC00, s0;
	s6 =	sadd.s32 s0, s3  }
0x8: {  	s8 =	sshrl.u32 s2, $0x1;
	s21 =	sadd.s32 s9, s3;
	[dreg:$0x4] =	wrdreg s6  }
0x9: {  	s22 =	sadd.s32 s10, s3;
	s7 =	sor.u32 $0x8, s3;
	[dreg:$0x5] =	wrdreg s21  }
0xa: {  	s26 =	sor.u32 $0x10, s3;
	[dreg:$0x6] =	wrdreg s22;
	s23 =	sadd.s32 s0, s7  }
0xb: {  	s2 =	ssub.s32 s2, s8;
	s24 =	sadd.s32 s9, s7;
	[dreg:$0x7] =	wrdreg s23  }
0xc: {  	s3 =	sor.u32 $0x18, s3;
	s25 =	sadd.s32 s10, s7;
	[dreg:$0x8] =	wrdreg s24  }
0xd: {  	s8 =	sadd.s32 $0x300, s1;
	s28 =	sadd.s32 s0, s26;
	[dreg:$0x9] =	wrdreg s25  }
0xe: {  	s6 =	sadd.s32 $0x100, s1;
	s29 =	sadd.s32 s9, s26;
	[dreg:$0xa] =	wrdreg s28  }
0xf: {  	s30 =	sadd.s32 s10, s26;
	s7 =	sadd.s32 $0x200, s1;
	[dreg:$0xb] =	wrdreg s29  }
0x10: {  	s11 =	sadd.s32 s0, s3;
	s31 =	sadd.s32 s9, s3;
	[dreg:$0xc] =	wrdreg s30  }
0x11: {  	v2 =	vlaneseq.u32;
	s9 =	sadd.s32 $0xD00, s0;
	s3 =	sadd.s32 s10, s3;
	[dreg:$0xd] =	wrdreg s11  }
0x12: {  	vm0 =	vmmov $0xffff;
	v1 =	vshrl.u32 v2, $0x3;
	s10 =	sadd.s32 $0xE00, s0;
	[dreg:$0xe] =	wrdreg s31;
	s11 =	sadd.s32 $0xF00, s0  }
0x13: {  	v0 =	vand.u32 $0x7, v2;
	v2 =	vor.u32 $0x8, v2;
	v1 =	vmul.u32 $0x8, v1;
	[dreg:$0xf] =	wrdreg s3;
	s0 =	smax.u32 s2, $0x1;
	s3 =	simm.s32 $0x2  }
.LBB2_1:
0x14: {  	[dreg:$0x10] =	wrdreg s0  }
0x15: {  	s31 =	rddreg [dreg:$0x4]  }
0x16: {  	[tilespmem:s4], [sflag:$0x3] =	stream.linear.gather [hbm4b:s31+s4], $0x40, $0x38;
	[tilespmem:$0x10180] =	vst v63  }
0x17: {  	_ =	swait.ge [sflag:s13], $0x40  }
0x18: {  	[sflag:s13] =	ssyncset.done $0x0  }
0x19: {  	s18 =	simm.s32 $0x80;
	s17 =	rddreg [dreg:$0x5];
	[sflag:s13] =	ssyncadd.s32 $0xFFFFFFC0  }
0x1a: {  	[tilespmem:s18], [sflag:$0x3] =	stream.linear.gather [hbm4b:s17+s4], $0x40, $0x38;
	[tilespmem:$0x10180] =	vst v63  }
0x1b: {  	_ =	swait.ge [sflag:s13], $0x40  }
0x1c: {  	[sflag:s13] =	ssyncset.done $0x0  }
0x1d: {  	s20 =	simm.s32 $0x10100;
	s19 =	rddreg [dreg:$0x6];
	[sflag:s13] =	ssyncadd.s32 $0xFFFFFFC0  }
0x1e: {  	[tilespmem:s20], [sflag:$0x3] =	stream.linear.gather [hbm4b:s19+s4], $0x40, $0x38;
	[tilespmem:$0x10180] =	vst v63  }
0x1f: {  	_ =	swait.ge [sflag:s13], $0x40  }
0x20: {  	[sflag:s13] =	ssyncset.done $0x0  }
0x21: {  	[sflag:s13] =	ssyncadd.s32 $0xFFFFFFC0  }
0x22: {  	v3 =	vld [tilespmem:$0x0];
	_ =	sdelay $0x4  }
0x23: {  	v4 =	vshll.u32 v3, $0x3  }
0x24: {  	v3 =	vand.u32 $0x7, v3;
	v4 =	vand.u32 $0xFFFFFFC0, v4  }
0x25: {  	v3 =	vor.u32 v3, v4  }
0x26: {  	v4 =	vperm.xlane v3, v0;
	_ =	sdelay $0x1  }
0x27: {  	v4 =	vadd.s32 v1, v4;
	_ =	sdelay $0x3  }
0x28: {  	s21 =	simm.s32 $0x100  }
0x29: {  	[tilespmem:s21], [sflag:$0x1] =	stream.indirect_vreg.gather [hbm4b:s1+s4], $0x80, v4, vm0, $0xb8;
	[tilespmem:$0x10180] =	vst v63  }
0x2a: {  	s22 =	simm.s32 $0x900;
	v3 =	vperm.xlane v3, v2  }
0x2b: {  	[tilespmem:s22], [sflag:$0x1] =	stream.indirect_vreg.gather [hbm4b:s6+s4], $0x80, v4, vm0, $0xb8;
	[tilespmem:$0x10180] =	vst v63  }
0x2c: {  	s23 =	simm.s32 $0x1100;
	v3 =	vadd.s32 v1, v3  }
0x2d: {  	[tilespmem:s23], [sflag:$0x1] =	stream.indirect_vreg.gather [hbm4b:s7+s4], $0x80, v4, vm0, $0xb8;
	[tilespmem:$0x10180] =	vst v63  }
0x2e: {  	s24 =	simm.s32 $0x1900  }
0x2f: {  	[tilespmem:s24], [sflag:$0x1] =	stream.indirect_vreg.gather [hbm4b:s8+s4], $0x80, v4, vm0, $0xb8;
	[tilespmem:$0x10180] =	vst v63  }
0x30: {  	s25 =	simm.s32 $0x2100  }
0x31: {  	[tilespmem:s25], [sflag:$0x1] =	stream.indirect_vreg.gather [hbm4b:s1+s4], $0x80, v3, vm0, $0xb8;
	[tilespmem:$0x10180] =	vst v63  }
0x32: {  	s26 =	simm.s32 $0x2900  }
0x33: {  	[tilespmem:s26], [sflag:$0x1] =	stream.indirect_vreg.gather [hbm4b:s6+s4], $0x80, v3, vm0, $0xb8;
	[tilespmem:$0x10180] =	vst v63  }
0x34: {  	s28 =	simm.s32 $0x3100  }
0x35: {  	[tilespmem:s28], [sflag:$0x1] =	stream.indirect_vreg.gather [hbm4b:s7+s4], $0x80, v3, vm0, $0xb8;
	[tilespmem:$0x10180] =	vst v63  }
0x36: {  	s29 =	simm.s32 $0x3900  }
0x37: {  	[tilespmem:s29], [sflag:$0x1] =	stream.indirect_vreg.gather [hbm4b:s8+s4], $0x80, v3, vm0, $0xb8;
	[tilespmem:$0x10180] =	vst v63  }
0x38: {  	v3 =	vld [tilespmem:$0x10];
	_ =	sdelay $0x4  }
0x39: {  	v33 =	vshll.u32 v3, $0x3  }
0x3a: {  	v3 =	vand.u32 $0x7, v3;
	v4 =	vand.u32 $0xFFFFFFC0, v33  }
0x3b: {  	v3 =	vor.u32 v3, v4  }
0x3c: {  	v4 =	vperm.xlane v3, v0;
	_ =	sdelay $0x1  }
0x3d: {  	v4 =	vadd.s32 v1, v4;
	_ =	sdelay $0x3  }
0x3e: {  	s30 =	simm.s32 $0x4100  }
0x3f: {  	[tilespmem:s30], [sflag:$0x1] =	stream.indirect_vreg.gather [hbm4b:s1+s4], $0x80, v4, vm0, $0xb8;
	[tilespmem:$0x10180] =	vst v63  }
0x40: {  	s31 =	simm.s32 $0x4900;
	v3 =	vperm.xlane v3, v2  }
0x41: {  	[tilespmem:s31], [sflag:$0x1] =	stream.indirect_vreg.gather [hbm4b:s6+s4], $0x80, v4, vm0, $0xb8;
	[tilespmem:$0x10180] =	vst v63  }
0x42: {  	s2 =	simm.s32 $0x5100;
	v3 =	vadd.s32 v1, v3  }
0x43: {  	[tilespmem:s2], [sflag:$0x1] =	stream.indirect_vreg.gather [hbm4b:s7+s4], $0x80, v4, vm0, $0xb8;
	[tilespmem:$0x10180] =	vst v63  }
0x44: {  	s12 =	simm.s32 $0x5900  }
0x45: {  	[tilespmem:s12], [sflag:$0x1] =	stream.indirect_vreg.gather [hbm4b:s8+s4], $0x80, v4, vm0, $0xb8;
	[tilespmem:$0x10180] =	vst v63  }
0x46: {  	s14 =	simm.s32 $0x6100  }
0x47: {  	[tilespmem:s14], [sflag:$0x1] =	stream.indirect_vreg.gather [hbm4b:s1+s4], $0x80, v3, vm0, $0xb8;
	[tilespmem:$0x10180] =	vst v63  }
0x48: {  	s15 =	simm.s32 $0x6900  }
0x49: {  	[tilespmem:s15], [sflag:$0x1] =	stream.indirect_vreg.gather [hbm4b:s6+s4], $0x80, v3, vm0, $0xb8;
	[tilespmem:$0x10180] =	vst v63  }
0x4a: {  	s16 =	simm.s32 $0x7100  }
0x4b: {  	[tilespmem:s16], [sflag:$0x1] =	stream.indirect_vreg.gather [hbm4b:s7+s4], $0x80, v3, vm0, $0xb8;
	[tilespmem:$0x10180] =	vst v63  }
0x4c: {  	s17 =	simm.s32 $0x7900  }
0x4d: {  	[tilespmem:s17], [sflag:$0x1] =	stream.indirect_vreg.gather [hbm4b:s8+s4], $0x80, v3, vm0, $0xb8;
	[tilespmem:$0x10180] =	vst v63  }
0x4e: {  	v3 =	vld [tilespmem:$0x20];
	_ =	sdelay $0x4  }
0x4f: {  	v34 =	vshll.u32 v3, $0x3  }
0x50: {  	v3 =	vand.u32 $0x7, v3;
	v4 =	vand.u32 $0xFFFFFFC0, v34  }
0x51: {  	v3 =	vor.u32 v3, v4  }
0x52: {  	v4 =	vperm.xlane v3, v0;
	_ =	sdelay $0x1  }
0x53: {  	v4 =	vadd.s32 v1, v4;
	_ =	sdelay $0x3  }
0x54: {  	s20 =	simm.s32 $0x8100  }
0x55: {  	[tilespmem:s20], [sflag:$0x1] =	stream.indirect_vreg.gather [hbm4b:s1+s4], $0x80, v4, vm0, $0xb8;
	[tilespmem:$0x10180] =	vst v63  }
0x56: {  	s24 =	simm.s32 $0x8900;
	v3 =	vperm.xlane v3, v2  }
0x57: {  	[tilespmem:s24], [sflag:$0x1] =	stream.indirect_vreg.gather [hbm4b:s6+s4], $0x80, v4, vm0, $0xb8;
	[tilespmem:$0x10180] =	vst v63  }
0x58: {  	s25 =	simm.s32 $0x9100;
	v3 =	vadd.s32 v1, v3  }
0x59: {  	[tilespmem:s25], [sflag:$0x1] =	stream.indirect_vreg.gather [hbm4b:s7+s4], $0x80, v4, vm0, $0xb8;
	[tilespmem:$0x10180] =	vst v63  }
0x5a: {  	s26 =	simm.s32 $0x9900  }
0x5b: {  	[tilespmem:s26], [sflag:$0x1] =	stream.indirect_vreg.gather [hbm4b:s8+s4], $0x80, v4, vm0, $0xb8;
	[tilespmem:$0x10180] =	vst v63  }
0x5c: {  	s28 =	simm.s32 $0xA100  }
0x5d: {  	[tilespmem:s28], [sflag:$0x1] =	stream.indirect_vreg.gather [hbm4b:s1+s4], $0x80, v3, vm0, $0xb8;
	[tilespmem:$0x10180] =	vst v63  }
0x5e: {  	s30 =	simm.s32 $0xA900  }
0x5f: {  	[tilespmem:s30], [sflag:$0x1] =	stream.indirect_vreg.gather [hbm4b:s6+s4], $0x80, v3, vm0, $0xb8;
	[tilespmem:$0x10180] =	vst v63  }
0x60: {  	s12 =	simm.s32 $0xB100  }
0x61: {  	[tilespmem:s12], [sflag:$0x1] =	stream.indirect_vreg.gather [hbm4b:s7+s4], $0x80, v3, vm0, $0xb8;
	[tilespmem:$0x10180] =	vst v63  }
0x62: {  	s16 =	simm.s32 $0xB900  }
0x63: {  	[tilespmem:s16], [sflag:$0x1] =	stream.indirect_vreg.gather [hbm4b:s8+s4], $0x80, v3, vm0, $0xb8;
	[tilespmem:$0x10180] =	vst v63  }
0x64: {  	v3 =	vld [tilespmem:$0x30];
	_ =	sdelay $0x4  }
0x65: {  	v35 =	vshll.u32 v3, $0x3  }
0x66: {  	v3 =	vand.u32 $0x7, v3;
	v4 =	vand.u32 $0xFFFFFFC0, v35  }
0x67: {  	v3 =	vor.u32 v3, v4  }
0x68: {  	v4 =	vperm.xlane v3, v0;
	_ =	sdelay $0x1  }
0x69: {  	v4 =	vadd.s32 v1, v4;
	_ =	sdelay $0x3  }
0x6a: {  	s17 =	simm.s32 $0xC100  }
0x6b: {  	[tilespmem:s17], [sflag:$0x1] =	stream.indirect_vreg.gather [hbm4b:s1+s4], $0x80, v4, vm0, $0xb8;
	[tilespmem:$0x10180] =	vst v63  }
0x6c: {  	s20 =	simm.s32 $0xC900;
	v3 =	vperm.xlane v3, v2  }
0x6d: {  	[tilespmem:s20], [sflag:$0x1] =	stream.indirect_vreg.gather [hbm4b:s6+s4], $0x80, v4, vm0, $0xb8;
	[tilespmem:$0x10180] =	vst v63  }
0x6e: {  	s25 =	simm.s32 $0xD100;
	v3 =	vadd.s32 v1, v3  }
0x6f: {  	[tilespmem:s25], [sflag:$0x1] =	stream.indirect_vreg.gather [hbm4b:s7+s4], $0x80, v4, vm0, $0xb8;
	[tilespmem:$0x10180] =	vst v63  }
0x70: {  	s26 =	simm.s32 $0xD900  }
0x71: {  	[tilespmem:s26], [sflag:$0x1] =	stream.indirect_vreg.gather [hbm4b:s8+s4], $0x80, v4, vm0, $0xb8;
	[tilespmem:$0x10180] =	vst v63  }
0x72: {  	s28 =	simm.s32 $0xE100  }
0x73: {  	[tilespmem:s28], [sflag:$0x1] =	stream.indirect_vreg.gather [hbm4b:s1+s4], $0x80, v3, vm0, $0xb8;
	[tilespmem:$0x10180] =	vst v63  }
0x74: {  	s30 =	simm.s32 $0xE900  }
0x75: {  	[tilespmem:s30], [sflag:$0x1] =	stream.indirect_vreg.gather [hbm4b:s6+s4], $0x80, v3, vm0, $0xb8;
	[tilespmem:$0x10180] =	vst v63  }
0x76: {  	s20 =	simm.s32 $0xF100  }
0x77: {  	[tilespmem:s20], [sflag:$0x1] =	stream.indirect_vreg.gather [hbm4b:s7+s4], $0x80, v3, vm0, $0xb8;
	[tilespmem:$0x10180] =	vst v63  }
0x78: {  	s0 =	simm.s32 $0x1;
	s20 =	simm.s32 $0xF900  }
0x79: {  	[tilespmem:s20], [sflag:$0x1] =	stream.indirect_vreg.gather [hbm4b:s8+s4], $0x80, v3, vm0, $0xb8;
	[tilespmem:$0x10180] =	vst v63  }
0x7a: {  	_ =	swait.ge [sflag:s0], $0x10000  }
0x7b: {  	[sflag:s0] =	ssyncset.done $0x0  }
0x7c: {  	[sflag:s0] =	ssyncadd.s32 $0xFFFF0000  }
0x7d: {  	v3 =	vld [tilespmem:$0x80];
	_ =	sdelay $0x4  }
0x7e: {  	v36 =	vshll.u32 v3, $0x3  }
0x7f: {  	v3 =	vand.u32 $0x7, v3;
	v4 =	vand.u32 $0xFFFFFFC0, v36  }
0x80: {  	v3 =	vor.u32 v3, v4  }
0x81: {  	v4 =	vperm.xlane v3, v0;
	_ =	sdelay $0x1  }
0x82: {  	v4 =	vadd.s32 v1, v4;
	_ =	sdelay $0x3  }
0x83: {  	s18 =	simm.s32 $0x100  }
0x84: {  	[hbm4b:s5+s4] =	stream.indirect_vreg.scatter [tilespmem:s18], [sflag:$0x2], $0x80, v4, vm0, $0xb8;
	[tilespmem:$0x10180] =	vst v63  }
0x85: {  	s19 =	simm.s32 $0x900;
	v3 =	vperm.xlane v3, v2  }
0x86: {  	[hbm4b:s9+s4] =	stream.indirect_vreg.scatter [tilespmem:s19], [sflag:$0x2], $0x80, v4, vm0, $0xb8;
	[tilespmem:$0x10180] =	vst v63  }
0x87: {  	v3 =	vadd.s32 v1, v3;
	s18 =	simm.s32 $0x1100  }
0x88: {  	[hbm4b:s10+s4] =	stream.indirect_vreg.scatter [tilespmem:s18], [sflag:$0x2], $0x80, v4, vm0, $0xb8;
	[tilespmem:$0x10180] =	vst v63  }
0x89: {  	s19 =	simm.s32 $0x1900  }
0x8a: {  	[hbm4b:s11+s4] =	stream.indirect_vreg.scatter [tilespmem:s19], [sflag:$0x2], $0x80, v4, vm0, $0xb8;
	[tilespmem:$0x10180] =	vst v63  }
0x8b: {  	s18 =	simm.s32 $0x2100  }
0x8c: {  	[hbm4b:s5+s4] =	stream.indirect_vreg.scatter [tilespmem:s18], [sflag:$0x2], $0x80, v3, vm0, $0xb8;
	[tilespmem:$0x10180] =	vst v63  }
0x8d: {  	s19 =	simm.s32 $0x2900  }
0x8e: {  	[hbm4b:s9+s4] =	stream.indirect_vreg.scatter [tilespmem:s19], [sflag:$0x2], $0x80, v3, vm0, $0xb8;
	[tilespmem:$0x10180] =	vst v63  }
0x8f: {  	s18 =	simm.s32 $0x3100  }
0x90: {  	[hbm4b:s10+s4] =	stream.indirect_vreg.scatter [tilespmem:s18], [sflag:$0x2], $0x80, v3, vm0, $0xb8;
	[tilespmem:$0x10180] =	vst v63  }
0x91: {  	s21 =	simm.s32 $0x3900  }
0x92: {  	[hbm4b:s11+s4] =	stream.indirect_vreg.scatter [tilespmem:s21], [sflag:$0x2], $0x80, v3, vm0, $0xb8;
	[tilespmem:$0x10180] =	vst v63  }
0x93: {  	v3 =	vld [tilespmem:$0x90];
	_ =	sdelay $0x4  }
0x94: {  	v37 =	vshll.u32 v3, $0x3  }
0x95: {  	v3 =	vand.u32 $0x7, v3;
	v4 =	vand.u32 $0xFFFFFFC0, v37  }
0x96: {  	v3 =	vor.u32 v3, v4  }
0x97: {  	v4 =	vperm.xlane v3, v0;
	_ =	sdelay $0x1  }
0x98: {  	v4 =	vadd.s32 v1, v4;
	_ =	sdelay $0x3  }
0x99: {  	s22 =	simm.s32 $0x4100  }
0x9a: {  	[hbm4b:s5+s4] =	stream.indirect_vreg.scatter [tilespmem:s22], [sflag:$0x2], $0x80, v4, vm0, $0xb8;
	[tilespmem:$0x10180] =	vst v63  }
0x9b: {  	s23 =	simm.s32 $0x4900;
	v3 =	vperm.xlane v3, v2  }
0x9c: {  	[hbm4b:s9+s4] =	stream.indirect_vreg.scatter [tilespmem:s23], [sflag:$0x2], $0x80, v4, vm0, $0xb8;
	[tilespmem:$0x10180] =	vst v63  }
0x9d: {  	s19 =	simm.s32 $0x5100;
	v3 =	vadd.s32 v1, v3  }
0x9e: {  	[hbm4b:s10+s4] =	stream.indirect_vreg.scatter [tilespmem:s19], [sflag:$0x2], $0x80, v4, vm0, $0xb8;
	[tilespmem:$0x10180] =	vst v63  }
0x9f: {  	s21 =	simm.s32 $0x5900  }
0xa0: {  	[hbm4b:s11+s4] =	stream.indirect_vreg.scatter [tilespmem:s21], [sflag:$0x2], $0x80, v4, vm0, $0xb8;
	[tilespmem:$0x10180] =	vst v63  }
0xa1: {  	s22 =	simm.s32 $0x6100  }
0xa2: {  	[hbm4b:s5+s4] =	stream.indirect_vreg.scatter [tilespmem:s22], [sflag:$0x2], $0x80, v3, vm0, $0xb8;
	[tilespmem:$0x10180] =	vst v63  }
0xa3: {  	s29 =	simm.s32 $0x6900  }
0xa4: {  	[hbm4b:s9+s4] =	stream.indirect_vreg.scatter [tilespmem:s29], [sflag:$0x2], $0x80, v3, vm0, $0xb8;
	[tilespmem:$0x10180] =	vst v63  }
0xa5: {  	s31 =	simm.s32 $0x7100  }
0xa6: {  	[hbm4b:s10+s4] =	stream.indirect_vreg.scatter [tilespmem:s31], [sflag:$0x2], $0x80, v3, vm0, $0xb8;
	[tilespmem:$0x10180] =	vst v63  }
0xa7: {  	s2 =	simm.s32 $0x7900  }
0xa8: {  	[hbm4b:s11+s4] =	stream.indirect_vreg.scatter [tilespmem:s2], [sflag:$0x2], $0x80, v3, vm0, $0xb8;
	[tilespmem:$0x10180] =	vst v63  }
0xa9: {  	v3 =	vld [tilespmem:$0xA0];
	_ =	sdelay $0x4  }
0xaa: {  	v38 =	vshll.u32 v3, $0x3  }
0xab: {  	v3 =	vand.u32 $0x7, v3;
	v4 =	vand.u32 $0xFFFFFFC0, v38  }
0xac: {  	v3 =	vor.u32 v3, v4  }
0xad: {  	v4 =	vperm.xlane v3, v0;
	_ =	sdelay $0x1  }
0xae: {  	v4 =	vadd.s32 v1, v4;
	_ =	sdelay $0x3  }
0xaf: {  	s14 =	simm.s32 $0x8100  }
0xb0: {  	[hbm4b:s5+s4] =	stream.indirect_vreg.scatter [tilespmem:s14], [sflag:$0x2], $0x80, v4, vm0, $0xb8;
	[tilespmem:$0x10180] =	vst v63  }
0xb1: {  	s15 =	simm.s32 $0x8900;
	v3 =	vperm.xlane v3, v2  }
0xb2: {  	[hbm4b:s9+s4] =	stream.indirect_vreg.scatter [tilespmem:s15], [sflag:$0x2], $0x80, v4, vm0, $0xb8;
	[tilespmem:$0x10180] =	vst v63  }
0xb3: {  	s23 =	simm.s32 $0x9100;
	v3 =	vadd.s32 v1, v3  }
0xb4: {  	[hbm4b:s10+s4] =	stream.indirect_vreg.scatter [tilespmem:s23], [sflag:$0x2], $0x80, v4, vm0, $0xb8;
	[tilespmem:$0x10180] =	vst v63  }
0xb5: {  	s29 =	simm.s32 $0x9900  }
0xb6: {  	[hbm4b:s11+s4] =	stream.indirect_vreg.scatter [tilespmem:s29], [sflag:$0x2], $0x80, v4, vm0, $0xb8;
	[tilespmem:$0x10180] =	vst v63  }
0xb7: {  	s31 =	simm.s32 $0xA100  }
0xb8: {  	[hbm4b:s5+s4] =	stream.indirect_vreg.scatter [tilespmem:s31], [sflag:$0x2], $0x80, v3, vm0, $0xb8;
	[tilespmem:$0x10180] =	vst v63  }
0xb9: {  	s2 =	simm.s32 $0xA900  }
0xba: {  	[hbm4b:s9+s4] =	stream.indirect_vreg.scatter [tilespmem:s2], [sflag:$0x2], $0x80, v3, vm0, $0xb8;
	[tilespmem:$0x10180] =	vst v63  }
0xbb: {  	s24 =	simm.s32 $0xB100  }
0xbc: {  	[hbm4b:s10+s4] =	stream.indirect_vreg.scatter [tilespmem:s24], [sflag:$0x2], $0x80, v3, vm0, $0xb8;
	[tilespmem:$0x10180] =	vst v63  }
0xbd: {  	s16 =	simm.s32 $0xB900  }
0xbe: {  	[hbm4b:s11+s4] =	stream.indirect_vreg.scatter [tilespmem:s16], [sflag:$0x2], $0x80, v3, vm0, $0xb8;
	[tilespmem:$0x10180] =	vst v63  }
0xbf: {  	v3 =	vld [tilespmem:$0xB0];
	_ =	sdelay $0x4  }
0xc0: {  	v39 =	vshll.u32 v3, $0x3  }
0xc1: {  	v3 =	vand.u32 $0x7, v3;
	v4 =	vand.u32 $0xFFFFFFC0, v39  }
0xc2: {  	v3 =	vor.u32 v3, v4  }
0xc3: {  	v4 =	vperm.xlane v3, v0;
	_ =	sdelay $0x1  }
0xc4: {  	v4 =	vadd.s32 v1, v4;
	_ =	sdelay $0x3  }
0xc5: {  	s17 =	simm.s32 $0xC100  }
0xc6: {  	[hbm4b:s5+s4] =	stream.indirect_vreg.scatter [tilespmem:s17], [sflag:$0x2], $0x80, v4, vm0, $0xb8;
	[tilespmem:$0x10180] =	vst v63  }
0xc7: {  	s12 =	simm.s32 $0xC900;
	v3 =	vperm.xlane v3, v2  }
0xc8: {  	[hbm4b:s9+s4] =	stream.indirect_vreg.scatter [tilespmem:s12], [sflag:$0x2], $0x80, v4, vm0, $0xb8;
	[tilespmem:$0x10180] =	vst v63  }
0xc9: {  	s25 =	simm.s32 $0xD100;
	v3 =	vadd.s32 v1, v3  }
0xca: {  	[hbm4b:s10+s4] =	stream.indirect_vreg.scatter [tilespmem:s25], [sflag:$0x2], $0x80, v4, vm0, $0xb8;
	[tilespmem:$0x10180] =	vst v63  }
0xcb: {  	s26 =	simm.s32 $0xD900  }
0xcc: {  	[hbm4b:s11+s4] =	stream.indirect_vreg.scatter [tilespmem:s26], [sflag:$0x2], $0x80, v4, vm0, $0xb8;
	[tilespmem:$0x10180] =	vst v63  }
0xcd: {  	s28 =	simm.s32 $0xE100  }
0xce: {  	[hbm4b:s5+s4] =	stream.indirect_vreg.scatter [tilespmem:s28], [sflag:$0x2], $0x80, v3, vm0, $0xb8;
	[tilespmem:$0x10180] =	vst v63  }
0xcf: {  	s30 =	simm.s32 $0xE900  }
0xd0: {  	[hbm4b:s9+s4] =	stream.indirect_vreg.scatter [tilespmem:s30], [sflag:$0x2], $0x80, v3, vm0, $0xb8;
	[tilespmem:$0x10180] =	vst v63  }
0xd1: {  	s14 =	simm.s32 $0xF100  }
0xd2: {  	[hbm4b:s10+s4] =	stream.indirect_vreg.scatter [tilespmem:s14], [sflag:$0x2], $0x80, v3, vm0, $0xb8;
	[tilespmem:$0x10180] =	vst v63  }
0xd3: {  	s20 =	simm.s32 $0xF900  }
0xd4: {  	[hbm4b:s11+s4] =	stream.indirect_vreg.scatter [tilespmem:s20], [sflag:$0x2], $0x80, v3, vm0, $0xb8;
	[tilespmem:$0x10180] =	vst v63  }
0xd5: {  	_ =	swait.ge [sflag:s3], $0x10000  }
0xd6: {  	[sflag:s3] =	ssyncset.done $0x0  }
0xd7: {  	s22 =	simm.s32 $0x10100;
	[sflag:s3] =	ssyncadd.s32 $0xFFFF0000  }
0xd8: {  	s17 =	simm.s32 $0x40;
	s20 =	simm.s32 $0x80;
	s15 =	rddreg [dreg:$0x2]  }
0xd9: {  	[hbm4b:s15+s17] =	stream.indirect.scatter [tilespmem:s22], [sflag:$0x2], $0x1, s20, s17, $0xb8;
	[tilespmem:$0x10180] =	vst v63  }
0xda: {  	_ =	swait.ge [sflag:s3], $0x40  }
0xdb: {  	[sflag:s3] =	ssyncset.done $0x0  }
0xdc: {  	s23 =	rddreg [dreg:$0x7];
	[sflag:s3] =	ssyncadd.s32 $0xFFFFFFC0  }
0xdd: {  	[tilespmem:s4], [sflag:$0x3] =	stream.linear.gather [hbm4b:s23+s4], $0x40, $0x38;
	[tilespmem:$0x10180] =	vst v63  }
0xde: {  	_ =	swait.ge [sflag:s13], $0x40  }
0xdf: {  	[sflag:s13] =	ssyncset.done $0x0  }
0xe0: {  	s25 =	rddreg [dreg:$0x8];
	[sflag:s13] =	ssyncadd.s32 $0xFFFFFFC0  }
0xe1: {  	[tilespmem:s20], [sflag:$0x3] =	stream.linear.gather [hbm4b:s25+s4], $0x40, $0x38;
	[tilespmem:$0x10180] =	vst v63  }
0xe2: {  	_ =	swait.ge [sflag:s13], $0x40  }
0xe3: {  	[sflag:s13] =	ssyncset.done $0x0  }
0xe4: {  	s30 =	rddreg [dreg:$0x9];
	[sflag:s13] =	ssyncadd.s32 $0xFFFFFFC0  }
0xe5: {  	[tilespmem:s22], [sflag:$0x3] =	stream.linear.gather [hbm4b:s30+s4], $0x40, $0x38;
	[tilespmem:$0x10180] =	vst v63  }
0xe6: {  	_ =	swait.ge [sflag:s13], $0x40  }
0xe7: {  	[sflag:s13] =	ssyncset.done $0x0  }
0xe8: {  	[sflag:s13] =	ssyncadd.s32 $0xFFFFFFC0  }
0xe9: {  	v3 =	vld [tilespmem:$0x0];
	_ =	sdelay $0x4  }
0xea: {  	v40 =	vshll.u32 v3, $0x3  }
0xeb: {  	v3 =	vand.u32 $0x7, v3;
	v4 =	vand.u32 $0xFFFFFFC0, v40  }
0xec: {  	v3 =	vor.u32 v3, v4  }
0xed: {  	v4 =	vperm.xlane v3, v0;
	_ =	sdelay $0x1  }
0xee: {  	v4 =	vadd.s32 v1, v4;
	_ =	sdelay $0x3  }
0xef: {  	s31 =	simm.s32 $0x100  }
0xf0: {  	[tilespmem:s31], [sflag:$0x1] =	stream.indirect_vreg.gather [hbm4b:s1+s4], $0x80, v4, vm0, $0xb8;
	[tilespmem:$0x10180] =	vst v63  }
0xf1: {  	s2 =	simm.s32 $0x900;
	v3 =	vperm.xlane v3, v2  }
0xf2: {  	[tilespmem:s2], [sflag:$0x1] =	stream.indirect_vreg.gather [hbm4b:s6+s4], $0x80, v4, vm0, $0xb8;
	[tilespmem:$0x10180] =	vst v63  }
0xf3: {  	s14 =	simm.s32 $0x1100;
	v3 =	vadd.s32 v1, v3  }
0xf4: {  	[tilespmem:s14], [sflag:$0x1] =	stream.indirect_vreg.gather [hbm4b:s7+s4], $0x80, v4, vm0, $0xb8;
	[tilespmem:$0x10180] =	vst v63  }
0xf5: {  	s15 =	simm.s32 $0x1900  }
0xf6: {  	[tilespmem:s15], [sflag:$0x1] =	stream.indirect_vreg.gather [hbm4b:s8+s4], $0x80, v4, vm0, $0xb8;
	[tilespmem:$0x10180] =	vst v63  }
0xf7: {  	s17 =	simm.s32 $0x2100  }
0xf8: {  	[tilespmem:s17], [sflag:$0x1] =	stream.indirect_vreg.gather [hbm4b:s1+s4], $0x80, v3, vm0, $0xb8;
	[tilespmem:$0x10180] =	vst v63  }
0xf9: {  	s20 =	simm.s32 $0x2900  }
0xfa: {  	[tilespmem:s20], [sflag:$0x1] =	stream.indirect_vreg.gather [hbm4b:s6+s4], $0x80, v3, vm0, $0xb8;
	[tilespmem:$0x10180] =	vst v63  }
0xfb: {  	s29 =	simm.s32 $0x3100  }
0xfc: {  	[tilespmem:s29], [sflag:$0x1] =	stream.indirect_vreg.gather [hbm4b:s7+s4], $0x80, v3, vm0, $0xb8;
	[tilespmem:$0x10180] =	vst v63  }
0xfd: {  	s30 =	simm.s32 $0x3900  }
0xfe: {  	[tilespmem:s30], [sflag:$0x1] =	stream.indirect_vreg.gather [hbm4b:s8+s4], $0x80, v3, vm0, $0xb8;
	[tilespmem:$0x10180] =	vst v63  }
0xff: {  	v3 =	vld [tilespmem:$0x10];
	_ =	sdelay $0x4  }
0x100: {  	v41 =	vshll.u32 v3, $0x3  }
0x101: {  	v3 =	vand.u32 $0x7, v3;
	v4 =	vand.u32 $0xFFFFFFC0, v41  }
0x102: {  	v3 =	vor.u32 v3, v4  }
0x103: {  	v4 =	vperm.xlane v3, v0;
	_ =	sdelay $0x1  }
0x104: {  	v4 =	vadd.s32 v1, v4;
	_ =	sdelay $0x3  }
0x105: {  	s31 =	simm.s32 $0x4100  }
0x106: {  	[tilespmem:s31], [sflag:$0x1] =	stream.indirect_vreg.gather [hbm4b:s1+s4], $0x80, v4, vm0, $0xb8;
	[tilespmem:$0x10180] =	vst v63  }
0x107: {  	s2 =	simm.s32 $0x4900;
	v3 =	vperm.xlane v3, v2  }
0x108: {  	[tilespmem:s2], [sflag:$0x1] =	stream.indirect_vreg.gather [hbm4b:s6+s4], $0x80, v4, vm0, $0xb8;
	[tilespmem:$0x10180] =	vst v63  }
0x109: {  	s14 =	simm.s32 $0x5100;
	v3 =	vadd.s32 v1, v3  }
0x10a: {  	[tilespmem:s14], [sflag:$0x1] =	stream.indirect_vreg.gather [hbm4b:s7+s4], $0x80, v4, vm0, $0xb8;
	[tilespmem:$0x10180] =	vst v63  }
0x10b: {  	s15 =	simm.s32 $0x5900  }
0x10c: {  	[tilespmem:s15], [sflag:$0x1] =	stream.indirect_vreg.gather [hbm4b:s8+s4], $0x80, v4, vm0, $0xb8;
	[tilespmem:$0x10180] =	vst v63  }
0x10d: {  	s17 =	simm.s32 $0x6100  }
0x10e: {  	[tilespmem:s17], [sflag:$0x1] =	stream.indirect_vreg.gather [hbm4b:s1+s4], $0x80, v3, vm0, $0xb8;
	[tilespmem:$0x10180] =	vst v63  }
0x10f: {  	s2 =	simm.s32 $0x6900  }
0x110: {  	[tilespmem:s2], [sflag:$0x1] =	stream.indirect_vreg.gather [hbm4b:s6+s4], $0x80, v3, vm0, $0xb8;
	[tilespmem:$0x10180] =	vst v63  }
0x111: {  	s29 =	simm.s32 $0x7100  }
0x112: {  	[tilespmem:s29], [sflag:$0x1] =	stream.indirect_vreg.gather [hbm4b:s7+s4], $0x80, v3, vm0, $0xb8;
	[tilespmem:$0x10180] =	vst v63  }
0x113: {  	s31 =	simm.s32 $0x7900  }
0x114: {  	[tilespmem:s31], [sflag:$0x1] =	stream.indirect_vreg.gather [hbm4b:s8+s4], $0x80, v3, vm0, $0xb8;
	[tilespmem:$0x10180] =	vst v63  }
0x115: {  	v3 =	vld [tilespmem:$0x20];
	_ =	sdelay $0x4  }
0x116: {  	v42 =	vshll.u32 v3, $0x3  }
0x117: {  	v3 =	vand.u32 $0x7, v3;
	v4 =	vand.u32 $0xFFFFFFC0, v42  }
0x118: {  	v3 =	vor.u32 v3, v4  }
0x119: {  	v4 =	vperm.xlane v3, v0;
	_ =	sdelay $0x1  }
0x11a: {  	v4 =	vadd.s32 v1, v4;
	_ =	sdelay $0x3  }
0x11b: {  	s14 =	simm.s32 $0x8100  }
0x11c: {  	[tilespmem:s14], [sflag:$0x1] =	stream.indirect_vreg.gather [hbm4b:s1+s4], $0x80, v4, vm0, $0xb8;
	[tilespmem:$0x10180] =	vst v63  }
0x11d: {  	s15 =	simm.s32 $0x8900;
	v3 =	vperm.xlane v3, v2  }
0x11e: {  	[tilespmem:s15], [sflag:$0x1] =	stream.indirect_vreg.gather [hbm4b:s6+s4], $0x80, v4, vm0, $0xb8;
	[tilespmem:$0x10180] =	vst v63  }
0x11f: {  	s19 =	simm.s32 $0x9100;
	v3 =	vadd.s32 v1, v3  }
0x120: {  	[tilespmem:s19], [sflag:$0x1] =	stream.indirect_vreg.gather [hbm4b:s7+s4], $0x80, v4, vm0, $0xb8;
	[tilespmem:$0x10180] =	vst v63  }
0x121: {  	s18 =	simm.s32 $0x9900  }
0x122: {  	[tilespmem:s18], [sflag:$0x1] =	stream.indirect_vreg.gather [hbm4b:s8+s4], $0x80, v4, vm0, $0xb8;
	[tilespmem:$0x10180] =	vst v63  }
0x123: {  	s21 =	simm.s32 $0xA100  }
0x124: {  	[tilespmem:s21], [sflag:$0x1] =	stream.indirect_vreg.gather [hbm4b:s1+s4], $0x80, v3, vm0, $0xb8;
	[tilespmem:$0x10180] =	vst v63  }
0x125: {  	s19 =	simm.s32 $0xA900  }
0x126: {  	[tilespmem:s19], [sflag:$0x1] =	stream.indirect_vreg.gather [hbm4b:s6+s4], $0x80, v3, vm0, $0xb8;
	[tilespmem:$0x10180] =	vst v63  }
0x127: {  	s24 =	simm.s32 $0xB100  }
0x128: {  	[tilespmem:s24], [sflag:$0x1] =	stream.indirect_vreg.gather [hbm4b:s7+s4], $0x80, v3, vm0, $0xb8;
	[tilespmem:$0x10180] =	vst v63  }
0x129: {  	s21 =	simm.s32 $0xB900  }
0x12a: {  	[tilespmem:s21], [sflag:$0x1] =	stream.indirect_vreg.gather [hbm4b:s8+s4], $0x80, v3, vm0, $0xb8;
	[tilespmem:$0x10180] =	vst v63  }
0x12b: {  	v3 =	vld [tilespmem:$0x30];
	_ =	sdelay $0x4  }
0x12c: {  	v43 =	vshll.u32 v3, $0x3  }
0x12d: {  	v3 =	vand.u32 $0x7, v3;
	v4 =	vand.u32 $0xFFFFFFC0, v43  }
0x12e: {  	v3 =	vor.u32 v3, v4  }
0x12f: {  	v4 =	vperm.xlane v3, v0;
	_ =	sdelay $0x1  }
0x130: {  	v4 =	vadd.s32 v1, v4;
	_ =	sdelay $0x3  }
0x131: {  	s30 =	simm.s32 $0xC100  }
0x132: {  	[tilespmem:s30], [sflag:$0x1] =	stream.indirect_vreg.gather [hbm4b:s1+s4], $0x80, v4, vm0, $0xb8;
	[tilespmem:$0x10180] =	vst v63  }
0x133: {  	v3 =	vperm.xlane v3, v2;
	s30 =	simm.s32 $0xC900  }
0x134: {  	[tilespmem:s30], [sflag:$0x1] =	stream.indirect_vreg.gather [hbm4b:s6+s4], $0x80, v4, vm0, $0xb8;
	[tilespmem:$0x10180] =	vst v63  }
0x135: {  	s16 =	simm.s32 $0xD100;
	v3 =	vadd.s32 v1, v3  }
0x136: {  	[tilespmem:s16], [sflag:$0x1] =	stream.indirect_vreg.gather [hbm4b:s7+s4], $0x80, v4, vm0, $0xb8;
	[tilespmem:$0x10180] =	vst v63  }
0x137: {  	s26 =	simm.s32 $0xD900  }
0x138: {  	[tilespmem:s26], [sflag:$0x1] =	stream.indirect_vreg.gather [hbm4b:s8+s4], $0x80, v4, vm0, $0xb8;
	[tilespmem:$0x10180] =	vst v63  }
0x139: {  	s28 =	simm.s32 $0xE100  }
0x13a: {  	[tilespmem:s28], [sflag:$0x1] =	stream.indirect_vreg.gather [hbm4b:s1+s4], $0x80, v3, vm0, $0xb8;
	[tilespmem:$0x10180] =	vst v63  }
0x13b: {  	s12 =	simm.s32 $0xE900  }
0x13c: {  	[tilespmem:s12], [sflag:$0x1] =	stream.indirect_vreg.gather [hbm4b:s6+s4], $0x80, v3, vm0, $0xb8;
	[tilespmem:$0x10180] =	vst v63  }
0x13d: {  	s12 =	simm.s32 $0xF100  }
0x13e: {  	[tilespmem:s12], [sflag:$0x1] =	stream.indirect_vreg.gather [hbm4b:s7+s4], $0x80, v3, vm0, $0xb8;
	[tilespmem:$0x10180] =	vst v63  }
0x13f: {  	s0 =	simm.s32 $0x1;
	s12 =	simm.s32 $0xF900  }
0x140: {  	[tilespmem:s12], [sflag:$0x1] =	stream.indirect_vreg.gather [hbm4b:s8+s4], $0x80, v3, vm0, $0xb8;
	[tilespmem:$0x10180] =	vst v63  }
0x141: {  	_ =	swait.ge [sflag:s0], $0x10000  }
0x142: {  	[sflag:s0] =	ssyncset.done $0x0  }
0x143: {  	[sflag:s0] =	ssyncadd.s32 $0xFFFF0000  }
0x144: {  	v3 =	vld [tilespmem:$0x80];
	_ =	sdelay $0x4  }
0x145: {  	v44 =	vshll.u32 v3, $0x3  }
0x146: {  	v3 =	vand.u32 $0x7, v3;
	v4 =	vand.u32 $0xFFFFFFC0, v44  }
0x147: {  	v3 =	vor.u32 v3, v4  }
0x148: {  	v4 =	vperm.xlane v3, v0;
	_ =	sdelay $0x1  }
0x149: {  	v4 =	vadd.s32 v1, v4;
	_ =	sdelay $0x3  }
0x14a: {  	s0 =	simm.s32 $0x100  }
0x14b: {  	[hbm4b:s5+s4] =	stream.indirect_vreg.scatter [tilespmem:s0], [sflag:$0x2], $0x80, v4, vm0, $0xb8;
	[tilespmem:$0x10180] =	vst v63  }
0x14c: {  	v3 =	vperm.xlane v3, v2;
	s0 =	simm.s32 $0x900  }
0x14d: {  	[hbm4b:s9+s4] =	stream.indirect_vreg.scatter [tilespmem:s0], [sflag:$0x2], $0x80, v4, vm0, $0xb8;
	[tilespmem:$0x10180] =	vst v63  }
0x14e: {  	s22 =	simm.s32 $0x1100;
	v3 =	vadd.s32 v1, v3  }
0x14f: {  	[hbm4b:s10+s4] =	stream.indirect_vreg.scatter [tilespmem:s22], [sflag:$0x2], $0x80, v4, vm0, $0xb8;
	[tilespmem:$0x10180] =	vst v63  }
0x150: {  	s23 =	simm.s32 $0x1900  }
0x151: {  	[hbm4b:s11+s4] =	stream.indirect_vreg.scatter [tilespmem:s23], [sflag:$0x2], $0x80, v4, vm0, $0xb8;
	[tilespmem:$0x10180] =	vst v63  }
0x152: {  	s25 =	simm.s32 $0x2100  }
0x153: {  	[hbm4b:s5+s4] =	stream.indirect_vreg.scatter [tilespmem:s25], [sflag:$0x2], $0x80, v3, vm0, $0xb8;
	[tilespmem:$0x10180] =	vst v63  }
0x154: {  	s23 =	simm.s32 $0x2900  }
0x155: {  	[hbm4b:s9+s4] =	stream.indirect_vreg.scatter [tilespmem:s23], [sflag:$0x2], $0x80, v3, vm0, $0xb8;
	[tilespmem:$0x10180] =	vst v63  }
0x156: {  	s25 =	simm.s32 $0x3100  }
0x157: {  	[hbm4b:s10+s4] =	stream.indirect_vreg.scatter [tilespmem:s25], [sflag:$0x2], $0x80, v3, vm0, $0xb8;
	[tilespmem:$0x10180] =	vst v63  }
0x158: {  	s22 =	simm.s32 $0x3900  }
0x159: {  	[hbm4b:s11+s4] =	stream.indirect_vreg.scatter [tilespmem:s22], [sflag:$0x2], $0x80, v3, vm0, $0xb8;
	[tilespmem:$0x10180] =	vst v63  }
0x15a: {  	v3 =	vld [tilespmem:$0x90];
	_ =	sdelay $0x4  }
0x15b: {  	v45 =	vshll.u32 v3, $0x3  }
0x15c: {  	v3 =	vand.u32 $0x7, v3;
	v4 =	vand.u32 $0xFFFFFFC0, v45  }
0x15d: {  	v3 =	vor.u32 v3, v4  }
0x15e: {  	v4 =	vperm.xlane v3, v0;
	_ =	sdelay $0x1  }
0x15f: {  	v4 =	vadd.s32 v1, v4;
	_ =	sdelay $0x3  }
0x160: {  	s23 =	simm.s32 $0x4100  }
0x161: {  	[hbm4b:s5+s4] =	stream.indirect_vreg.scatter [tilespmem:s23], [sflag:$0x2], $0x80, v4, vm0, $0xb8;
	[tilespmem:$0x10180] =	vst v63  }
0x162: {  	s25 =	simm.s32 $0x4900;
	v3 =	vperm.xlane v3, v2  }
0x163: {  	[hbm4b:s9+s4] =	stream.indirect_vreg.scatter [tilespmem:s25], [sflag:$0x2], $0x80, v4, vm0, $0xb8;
	[tilespmem:$0x10180] =	vst v63  }
0x164: {  	s22 =	simm.s32 $0x5100;
	v3 =	vadd.s32 v1, v3  }
0x165: {  	[hbm4b:s10+s4] =	stream.indirect_vreg.scatter [tilespmem:s22], [sflag:$0x2], $0x80, v4, vm0, $0xb8;
	[tilespmem:$0x10180] =	vst v63  }
0x166: {  	s23 =	simm.s32 $0x5900  }
0x167: {  	[hbm4b:s11+s4] =	stream.indirect_vreg.scatter [tilespmem:s23], [sflag:$0x2], $0x80, v4, vm0, $0xb8;
	[tilespmem:$0x10180] =	vst v63  }
0x168: {  	s25 =	simm.s32 $0x6100  }
0x169: {  	[hbm4b:s5+s4] =	stream.indirect_vreg.scatter [tilespmem:s25], [sflag:$0x2], $0x80, v3, vm0, $0xb8;
	[tilespmem:$0x10180] =	vst v63  }
0x16a: {  	_ = 	snop  }
0x16b: {  	[hbm4b:s9+s4] =	stream.indirect_vreg.scatter [tilespmem:s2], [sflag:$0x2], $0x80, v3, vm0, $0xb8;
	[tilespmem:$0x10180] =	vst v63  }
0x16c: {  	_ = 	snop  }
0x16d: {  	[hbm4b:s10+s4] =	stream.indirect_vreg.scatter [tilespmem:s29], [sflag:$0x2], $0x80, v3, vm0, $0xb8;
	[tilespmem:$0x10180] =	vst v63  }
0x16e: {  	_ = 	snop  }
0x16f: {  	[hbm4b:s11+s4] =	stream.indirect_vreg.scatter [tilespmem:s31], [sflag:$0x2], $0x80, v3, vm0, $0xb8;
	[tilespmem:$0x10180] =	vst v63  }
0x170: {  	v3 =	vld [tilespmem:$0xA0];
	_ =	sdelay $0x4  }
0x171: {  	v46 =	vshll.u32 v3, $0x3  }
0x172: {  	v3 =	vand.u32 $0x7, v3;
	v4 =	vand.u32 $0xFFFFFFC0, v46  }
0x173: {  	v3 =	vor.u32 v3, v4  }
0x174: {  	v4 =	vperm.xlane v3, v0;
	_ =	sdelay $0x1  }
0x175: {  	v4 =	vadd.s32 v1, v4;
	_ =	sdelay $0x4  }
0x176: {  	[hbm4b:s5+s4] =	stream.indirect_vreg.scatter [tilespmem:s14], [sflag:$0x2], $0x80, v4, vm0, $0xb8;
	[tilespmem:$0x10180] =	vst v63  }
0x177: {  	v3 =	vperm.xlane v3, v2  }
0x178: {  	[hbm4b:s9+s4] =	stream.indirect_vreg.scatter [tilespmem:s15], [sflag:$0x2], $0x80, v4, vm0, $0xb8;
	[tilespmem:$0x10180] =	vst v63  }
0x179: {  	s20 =	simm.s32 $0x9100;
	v3 =	vadd.s32 v1, v3  }
0x17a: {  	[hbm4b:s10+s4] =	stream.indirect_vreg.scatter [tilespmem:s20], [sflag:$0x2], $0x80, v4, vm0, $0xb8;
	[tilespmem:$0x10180] =	vst v63  }
0x17b: {  	s17 =	simm.s32 $0x9900  }
0x17c: {  	[hbm4b:s11+s4] =	stream.indirect_vreg.scatter [tilespmem:s17], [sflag:$0x2], $0x80, v4, vm0, $0xb8;
	[tilespmem:$0x10180] =	vst v63  }
0x17d: {  	s18 =	simm.s32 $0xA100  }
0x17e: {  	[hbm4b:s5+s4] =	stream.indirect_vreg.scatter [tilespmem:s18], [sflag:$0x2], $0x80, v3, vm0, $0xb8;
	[tilespmem:$0x10180] =	vst v63  }
0x17f: {  	s19 =	simm.s32 $0xA900  }
0x180: {  	[hbm4b:s9+s4] =	stream.indirect_vreg.scatter [tilespmem:s19], [sflag:$0x2], $0x80, v3, vm0, $0xb8;
	[tilespmem:$0x10180] =	vst v63  }
0x181: {  	s24 =	simm.s32 $0xB100  }
0x182: {  	[hbm4b:s10+s4] =	stream.indirect_vreg.scatter [tilespmem:s24], [sflag:$0x2], $0x80, v3, vm0, $0xb8;
	[tilespmem:$0x10180] =	vst v63  }
0x183: {  	s19 =	simm.s32 $0xB900  }
0x184: {  	[hbm4b:s11+s4] =	stream.indirect_vreg.scatter [tilespmem:s19], [sflag:$0x2], $0x80, v3, vm0, $0xb8;
	[tilespmem:$0x10180] =	vst v63  }
0x185: {  	v3 =	vld [tilespmem:$0xB0];
	_ =	sdelay $0x4  }
0x186: {  	v47 =	vshll.u32 v3, $0x3  }
0x187: {  	v3 =	vand.u32 $0x7, v3;
	v4 =	vand.u32 $0xFFFFFFC0, v47  }
0x188: {  	v3 =	vor.u32 v3, v4  }
0x189: {  	v4 =	vperm.xlane v3, v0;
	_ =	sdelay $0x1  }
0x18a: {  	v4 =	vadd.s32 v1, v4;
	_ =	sdelay $0x3  }
0x18b: {  	s20 =	simm.s32 $0xC100  }
0x18c: {  	[hbm4b:s5+s4] =	stream.indirect_vreg.scatter [tilespmem:s20], [sflag:$0x2], $0x80, v4, vm0, $0xb8;
	[tilespmem:$0x10180] =	vst v63  }
0x18d: {  	v3 =	vperm.xlane v3, v2  }
0x18e: {  	[hbm4b:s9+s4] =	stream.indirect_vreg.scatter [tilespmem:s30], [sflag:$0x2], $0x80, v4, vm0, $0xb8;
	[tilespmem:$0x10180] =	vst v63  }
0x18f: {  	s21 =	simm.s32 $0xD100;
	v3 =	vadd.s32 v1, v3  }
0x190: {  	[hbm4b:s10+s4] =	stream.indirect_vreg.scatter [tilespmem:s21], [sflag:$0x2], $0x80, v4, vm0, $0xb8;
	[tilespmem:$0x10180] =	vst v63  }
0x191: {  	s26 =	simm.s32 $0xD900  }
0x192: {  	[hbm4b:s11+s4] =	stream.indirect_vreg.scatter [tilespmem:s26], [sflag:$0x2], $0x80, v4, vm0, $0xb8;
	[tilespmem:$0x10180] =	vst v63  }
0x193: {  	s28 =	simm.s32 $0xE100  }
0x194: {  	[hbm4b:s5+s4] =	stream.indirect_vreg.scatter [tilespmem:s28], [sflag:$0x2], $0x80, v3, vm0, $0xb8;
	[tilespmem:$0x10180] =	vst v63  }
0x195: {  	s16 =	simm.s32 $0xE900  }
0x196: {  	[hbm4b:s9+s4] =	stream.indirect_vreg.scatter [tilespmem:s16], [sflag:$0x2], $0x80, v3, vm0, $0xb8;
	[tilespmem:$0x10180] =	vst v63  }
0x197: {  	s21 =	simm.s32 $0xF100  }
0x198: {  	[hbm4b:s10+s4] =	stream.indirect_vreg.scatter [tilespmem:s21], [sflag:$0x2], $0x80, v3, vm0, $0xb8;
	[tilespmem:$0x10180] =	vst v63  }
0x199: {  	_ = 	snop  }
0x19a: {  	[hbm4b:s11+s4] =	stream.indirect_vreg.scatter [tilespmem:s12], [sflag:$0x2], $0x80, v3, vm0, $0xb8;
	[tilespmem:$0x10180] =	vst v63  }
0x19b: {  	_ =	swait.ge [sflag:s3], $0x10000  }
0x19c: {  	[sflag:s3] =	ssyncset.done $0x0  }
0x19d: {  	s23 =	simm.s32 $0x80;
	[sflag:s3] =	ssyncadd.s32 $0xFFFF0000  }
0x19e: {  	s24 =	simm.s32 $0x10100;
	s26 =	simm.s32 $0x40;
	s25 =	rddreg [dreg:$0x2]  }
0x19f: {  	[hbm4b:s25+s26] =	stream.indirect.scatter [tilespmem:s24], [sflag:$0x2], $0x1, s23, s26, $0xb8;
	[tilespmem:$0x10180] =	vst v63  }
0x1a0: {  	_ =	swait.ge [sflag:s3], $0x40  }
0x1a1: {  	[sflag:s3] =	ssyncset.done $0x0  }
0x1a2: {  	s28 =	rddreg [dreg:$0xa];
	[sflag:s3] =	ssyncadd.s32 $0xFFFFFFC0  }
0x1a3: {  	[tilespmem:s4], [sflag:$0x3] =	stream.linear.gather [hbm4b:s28+s4], $0x40, $0x38;
	[tilespmem:$0x10180] =	vst v63  }
0x1a4: {  	_ =	swait.ge [sflag:s13], $0x40  }
0x1a5: {  	[sflag:s13] =	ssyncset.done $0x0  }
0x1a6: {  	s29 =	rddreg [dreg:$0xb];
	[sflag:s13] =	ssyncadd.s32 $0xFFFFFFC0  }
0x1a7: {  	[tilespmem:s23], [sflag:$0x3] =	stream.linear.gather [hbm4b:s29+s4], $0x40, $0x38;
	[tilespmem:$0x10180] =	vst v63  }
0x1a8: {  	_ =	swait.ge [sflag:s13], $0x40  }
0x1a9: {  	[sflag:s13] =	ssyncset.done $0x0  }
0x1aa: {  	s30 =	rddreg [dreg:$0xc];
	[sflag:s13] =	ssyncadd.s32 $0xFFFFFFC0  }
0x1ab: {  	[tilespmem:s24], [sflag:$0x3] =	stream.linear.gather [hbm4b:s30+s4], $0x40, $0x38;
	[tilespmem:$0x10180] =	vst v63  }
0x1ac: {  	_ =	swait.ge [sflag:s13], $0x40  }
0x1ad: {  	[sflag:s13] =	ssyncset.done $0x0  }
0x1ae: {  	[sflag:s13] =	ssyncadd.s32 $0xFFFFFFC0  }
0x1af: {  	v3 =	vld [tilespmem:$0x0];
	_ =	sdelay $0x4  }
0x1b0: {  	v48 =	vshll.u32 v3, $0x3  }
0x1b1: {  	v3 =	vand.u32 $0x7, v3;
	v4 =	vand.u32 $0xFFFFFFC0, v48  }
0x1b2: {  	v3 =	vor.u32 v3, v4  }
0x1b3: {  	v4 =	vperm.xlane v3, v0;
	_ =	sdelay $0x1  }
0x1b4: {  	v4 =	vadd.s32 v1, v4;
	_ =	sdelay $0x3  }
0x1b5: {  	s31 =	simm.s32 $0x100  }
0x1b6: {  	[tilespmem:s31], [sflag:$0x1] =	stream.indirect_vreg.gather [hbm4b:s1+s4], $0x80, v4, vm0, $0xb8;
	[tilespmem:$0x10180] =	vst v63  }
0x1b7: {  	s2 =	simm.s32 $0x900;
	v3 =	vperm.xlane v3, v2  }
0x1b8: {  	[tilespmem:s2], [sflag:$0x1] =	stream.indirect_vreg.gather [hbm4b:s6+s4], $0x80, v4, vm0, $0xb8;
	[tilespmem:$0x10180] =	vst v63  }
0x1b9: {  	s23 =	simm.s32 $0x1100;
	v3 =	vadd.s32 v1, v3  }
0x1ba: {  	[tilespmem:s23], [sflag:$0x1] =	stream.indirect_vreg.gather [hbm4b:s7+s4], $0x80, v4, vm0, $0xb8;
	[tilespmem:$0x10180] =	vst v63  }
0x1bb: {  	s24 =	simm.s32 $0x1900  }
0x1bc: {  	[tilespmem:s24], [sflag:$0x1] =	stream.indirect_vreg.gather [hbm4b:s8+s4], $0x80, v4, vm0, $0xb8;
	[tilespmem:$0x10180] =	vst v63  }
0x1bd: {  	s25 =	simm.s32 $0x2100  }
0x1be: {  	[tilespmem:s25], [sflag:$0x1] =	stream.indirect_vreg.gather [hbm4b:s1+s4], $0x80, v3, vm0, $0xb8;
	[tilespmem:$0x10180] =	vst v63  }
0x1bf: {  	s26 =	simm.s32 $0x2900  }
0x1c0: {  	[tilespmem:s26], [sflag:$0x1] =	stream.indirect_vreg.gather [hbm4b:s6+s4], $0x80, v3, vm0, $0xb8;
	[tilespmem:$0x10180] =	vst v63  }
0x1c1: {  	s28 =	simm.s32 $0x3100  }
0x1c2: {  	[tilespmem:s28], [sflag:$0x1] =	stream.indirect_vreg.gather [hbm4b:s7+s4], $0x80, v3, vm0, $0xb8;
	[tilespmem:$0x10180] =	vst v63  }
0x1c3: {  	s12 =	simm.s32 $0x3900  }
0x1c4: {  	[tilespmem:s12], [sflag:$0x1] =	stream.indirect_vreg.gather [hbm4b:s8+s4], $0x80, v3, vm0, $0xb8;
	[tilespmem:$0x10180] =	vst v63  }
0x1c5: {  	v3 =	vld [tilespmem:$0x10];
	_ =	sdelay $0x4  }
0x1c6: {  	v49 =	vshll.u32 v3, $0x3  }
0x1c7: {  	v3 =	vand.u32 $0x7, v3;
	v4 =	vand.u32 $0xFFFFFFC0, v49  }
0x1c8: {  	v3 =	vor.u32 v3, v4  }
0x1c9: {  	v4 =	vperm.xlane v3, v0;
	_ =	sdelay $0x1  }
0x1ca: {  	v4 =	vadd.s32 v1, v4;
	_ =	sdelay $0x3  }
0x1cb: {  	s16 =	simm.s32 $0x4100  }
0x1cc: {  	[tilespmem:s16], [sflag:$0x1] =	stream.indirect_vreg.gather [hbm4b:s1+s4], $0x80, v4, vm0, $0xb8;
	[tilespmem:$0x10180] =	vst v63  }
0x1cd: {  	s17 =	simm.s32 $0x4900;
	v3 =	vperm.xlane v3, v2  }
0x1ce: {  	[tilespmem:s17], [sflag:$0x1] =	stream.indirect_vreg.gather [hbm4b:s6+s4], $0x80, v4, vm0, $0xb8;
	[tilespmem:$0x10180] =	vst v63  }
0x1cf: {  	s29 =	simm.s32 $0x5100;
	v3 =	vadd.s32 v1, v3  }
0x1d0: {  	[tilespmem:s29], [sflag:$0x1] =	stream.indirect_vreg.gather [hbm4b:s7+s4], $0x80, v4, vm0, $0xb8;
	[tilespmem:$0x10180] =	vst v63  }
0x1d1: {  	s18 =	simm.s32 $0x5900  }
0x1d2: {  	[tilespmem:s18], [sflag:$0x1] =	stream.indirect_vreg.gather [hbm4b:s8+s4], $0x80, v4, vm0, $0xb8;
	[tilespmem:$0x10180] =	vst v63  }
0x1d3: {  	s31 =	simm.s32 $0x6100  }
0x1d4: {  	[tilespmem:s31], [sflag:$0x1] =	stream.indirect_vreg.gather [hbm4b:s1+s4], $0x80, v3, vm0, $0xb8;
	[tilespmem:$0x10180] =	vst v63  }
0x1d5: {  	s20 =	simm.s32 $0x6900  }
0x1d6: {  	[tilespmem:s20], [sflag:$0x1] =	stream.indirect_vreg.gather [hbm4b:s6+s4], $0x80, v3, vm0, $0xb8;
	[tilespmem:$0x10180] =	vst v63  }
0x1d7: {  	s21 =	simm.s32 $0x7100  }
0x1d8: {  	[tilespmem:s21], [sflag:$0x1] =	stream.indirect_vreg.gather [hbm4b:s7+s4], $0x80, v3, vm0, $0xb8;
	[tilespmem:$0x10180] =	vst v63  }
0x1d9: {  	s22 =	simm.s32 $0x7900  }
0x1da: {  	[tilespmem:s22], [sflag:$0x1] =	stream.indirect_vreg.gather [hbm4b:s8+s4], $0x80, v3, vm0, $0xb8;
	[tilespmem:$0x10180] =	vst v63  }
0x1db: {  	v3 =	vld [tilespmem:$0x20];
	_ =	sdelay $0x4  }
0x1dc: {  	v50 =	vshll.u32 v3, $0x3  }
0x1dd: {  	v3 =	vand.u32 $0x7, v3;
	v4 =	vand.u32 $0xFFFFFFC0, v50  }
0x1de: {  	v3 =	vor.u32 v3, v4  }
0x1df: {  	v4 =	vperm.xlane v3, v0;
	_ =	sdelay $0x1  }
0x1e0: {  	v4 =	vadd.s32 v1, v4;
	_ =	sdelay $0x3  }
0x1e1: {  	s14 =	simm.s32 $0x8100  }
0x1e2: {  	[tilespmem:s14], [sflag:$0x1] =	stream.indirect_vreg.gather [hbm4b:s1+s4], $0x80, v4, vm0, $0xb8;
	[tilespmem:$0x10180] =	vst v63  }
0x1e3: {  	s15 =	simm.s32 $0x8900;
	v3 =	vperm.xlane v3, v2  }
0x1e4: {  	[tilespmem:s15], [sflag:$0x1] =	stream.indirect_vreg.gather [hbm4b:s6+s4], $0x80, v4, vm0, $0xb8;
	[tilespmem:$0x10180] =	vst v63  }
0x1e5: {  	s30 =	simm.s32 $0x9100;
	v3 =	vadd.s32 v1, v3  }
0x1e6: {  	[tilespmem:s30], [sflag:$0x1] =	stream.indirect_vreg.gather [hbm4b:s7+s4], $0x80, v4, vm0, $0xb8;
	[tilespmem:$0x10180] =	vst v63  }
0x1e7: {  	s14 =	simm.s32 $0x9900  }
0x1e8: {  	[tilespmem:s14], [sflag:$0x1] =	stream.indirect_vreg.gather [hbm4b:s8+s4], $0x80, v4, vm0, $0xb8;
	[tilespmem:$0x10180] =	vst v63  }
0x1e9: {  	s15 =	simm.s32 $0xA100  }
0x1ea: {  	[tilespmem:s15], [sflag:$0x1] =	stream.indirect_vreg.gather [hbm4b:s1+s4], $0x80, v3, vm0, $0xb8;
	[tilespmem:$0x10180] =	vst v63  }
0x1eb: {  	s16 =	simm.s32 $0xA900  }
0x1ec: {  	[tilespmem:s16], [sflag:$0x1] =	stream.indirect_vreg.gather [hbm4b:s6+s4], $0x80, v3, vm0, $0xb8;
	[tilespmem:$0x10180] =	vst v63  }
0x1ed: {  	s17 =	simm.s32 $0xB100  }
0x1ee: {  	[tilespmem:s17], [sflag:$0x1] =	stream.indirect_vreg.gather [hbm4b:s7+s4], $0x80, v3, vm0, $0xb8;
	[tilespmem:$0x10180] =	vst v63  }
0x1ef: {  	s2 =	simm.s32 $0xB900  }
0x1f0: {  	[tilespmem:s2], [sflag:$0x1] =	stream.indirect_vreg.gather [hbm4b:s8+s4], $0x80, v3, vm0, $0xb8;
	[tilespmem:$0x10180] =	vst v63  }
0x1f1: {  	v3 =	vld [tilespmem:$0x30];
	_ =	sdelay $0x4  }
0x1f2: {  	v51 =	vshll.u32 v3, $0x3  }
0x1f3: {  	v3 =	vand.u32 $0x7, v3;
	v4 =	vand.u32 $0xFFFFFFC0, v51  }
0x1f4: {  	v3 =	vor.u32 v3, v4  }
0x1f5: {  	v4 =	vperm.xlane v3, v0;
	_ =	sdelay $0x1  }
0x1f6: {  	v4 =	vadd.s32 v1, v4;
	_ =	sdelay $0x3  }
0x1f7: {  	s12 =	simm.s32 $0xC100  }
0x1f8: {  	[tilespmem:s12], [sflag:$0x1] =	stream.indirect_vreg.gather [hbm4b:s1+s4], $0x80, v4, vm0, $0xb8;
	[tilespmem:$0x10180] =	vst v63  }
0x1f9: {  	s19 =	simm.s32 $0xC900;
	v3 =	vperm.xlane v3, v2  }
0x1fa: {  	[tilespmem:s19], [sflag:$0x1] =	stream.indirect_vreg.gather [hbm4b:s6+s4], $0x80, v4, vm0, $0xb8;
	[tilespmem:$0x10180] =	vst v63  }
0x1fb: {  	s18 =	simm.s32 $0xD100;
	v3 =	vadd.s32 v1, v3  }
0x1fc: {  	[tilespmem:s18], [sflag:$0x1] =	stream.indirect_vreg.gather [hbm4b:s7+s4], $0x80, v4, vm0, $0xb8;
	[tilespmem:$0x10180] =	vst v63  }
0x1fd: {  	s19 =	simm.s32 $0xD900  }
0x1fe: {  	[tilespmem:s19], [sflag:$0x1] =	stream.indirect_vreg.gather [hbm4b:s8+s4], $0x80, v4, vm0, $0xb8;
	[tilespmem:$0x10180] =	vst v63  }
0x1ff: {  	s20 =	simm.s32 $0xE100  }
0x200: {  	[tilespmem:s20], [sflag:$0x1] =	stream.indirect_vreg.gather [hbm4b:s1+s4], $0x80, v3, vm0, $0xb8;
	[tilespmem:$0x10180] =	vst v63  }
0x201: {  	s21 =	simm.s32 $0xE900  }
0x202: {  	[tilespmem:s21], [sflag:$0x1] =	stream.indirect_vreg.gather [hbm4b:s6+s4], $0x80, v3, vm0, $0xb8;
	[tilespmem:$0x10180] =	vst v63  }
0x203: {  	s22 =	simm.s32 $0xF100  }
0x204: {  	[tilespmem:s22], [sflag:$0x1] =	stream.indirect_vreg.gather [hbm4b:s7+s4], $0x80, v3, vm0, $0xb8;
	[tilespmem:$0x10180] =	vst v63  }
0x205: {  	s0 =	simm.s32 $0xF900  }
0x206: {  	[tilespmem:s0], [sflag:$0x1] =	stream.indirect_vreg.gather [hbm4b:s8+s4], $0x80, v3, vm0, $0xb8;
	[tilespmem:$0x10180] =	vst v63  }
0x207: {  	s0 =	simm.s32 $0x1  }
0x208: {  	_ =	swait.ge [sflag:s0], $0x10000  }
0x209: {  	[sflag:s0] =	ssyncset.done $0x0  }
0x20a: {  	[sflag:s0] =	ssyncadd.s32 $0xFFFF0000  }
0x20b: {  	v3 =	vld [tilespmem:$0x80];
	_ =	sdelay $0x4  }
0x20c: {  	v52 =	vshll.u32 v3, $0x3  }
0x20d: {  	v3 =	vand.u32 $0x7, v3;
	v4 =	vand.u32 $0xFFFFFFC0, v52  }
0x20e: {  	v3 =	vor.u32 v3, v4  }
0x20f: {  	v4 =	vperm.xlane v3, v0;
	_ =	sdelay $0x1  }
0x210: {  	v4 =	vadd.s32 v1, v4;
	_ =	sdelay $0x3  }
0x211: {  	s0 =	simm.s32 $0x100  }
0x212: {  	[hbm4b:s5+s4] =	stream.indirect_vreg.scatter [tilespmem:s0], [sflag:$0x2], $0x80, v4, vm0, $0xb8;
	[tilespmem:$0x10180] =	vst v63  }
0x213: {  	v3 =	vperm.xlane v3, v2;
	s0 =	simm.s32 $0x900  }
0x214: {  	[hbm4b:s9+s4] =	stream.indirect_vreg.scatter [tilespmem:s0], [sflag:$0x2], $0x80, v4, vm0, $0xb8;
	[tilespmem:$0x10180] =	vst v63  }
0x215: {  	v3 =	vadd.s32 v1, v3  }
0x216: {  	[hbm4b:s10+s4] =	stream.indirect_vreg.scatter [tilespmem:s23], [sflag:$0x2], $0x80, v4, vm0, $0xb8;
	[tilespmem:$0x10180] =	vst v63  }
0x217: {  	_ = 	snop  }
0x218: {  	[hbm4b:s11+s4] =	stream.indirect_vreg.scatter [tilespmem:s24], [sflag:$0x2], $0x80, v4, vm0, $0xb8;
	[tilespmem:$0x10180] =	vst v63  }
0x219: {  	_ = 	snop  }
0x21a: {  	[hbm4b:s5+s4] =	stream.indirect_vreg.scatter [tilespmem:s25], [sflag:$0x2], $0x80, v3, vm0, $0xb8;
	[tilespmem:$0x10180] =	vst v63  }
0x21b: {  	_ = 	snop  }
0x21c: {  	[hbm4b:s9+s4] =	stream.indirect_vreg.scatter [tilespmem:s26], [sflag:$0x2], $0x80, v3, vm0, $0xb8;
	[tilespmem:$0x10180] =	vst v63  }
0x21d: {  	_ = 	snop  }
0x21e: {  	[hbm4b:s10+s4] =	stream.indirect_vreg.scatter [tilespmem:s28], [sflag:$0x2], $0x80, v3, vm0, $0xb8;
	[tilespmem:$0x10180] =	vst v63  }
0x21f: {  	s26 =	simm.s32 $0x3900  }
0x220: {  	[hbm4b:s11+s4] =	stream.indirect_vreg.scatter [tilespmem:s26], [sflag:$0x2], $0x80, v3, vm0, $0xb8;
	[tilespmem:$0x10180] =	vst v63  }
0x221: {  	v3 =	vld [tilespmem:$0x90];
	_ =	sdelay $0x4  }
0x222: {  	v53 =	vshll.u32 v3, $0x3  }
0x223: {  	v3 =	vand.u32 $0x7, v3;
	v4 =	vand.u32 $0xFFFFFFC0, v53  }
0x224: {  	v3 =	vor.u32 v3, v4  }
0x225: {  	v4 =	vperm.xlane v3, v0;
	_ =	sdelay $0x1  }
0x226: {  	v4 =	vadd.s32 v1, v4;
	_ =	sdelay $0x3  }
0x227: {  	s28 =	simm.s32 $0x4100  }
0x228: {  	[hbm4b:s5+s4] =	stream.indirect_vreg.scatter [tilespmem:s28], [sflag:$0x2], $0x80, v4, vm0, $0xb8;
	[tilespmem:$0x10180] =	vst v63  }
0x229: {  	s23 =	simm.s32 $0x4900;
	v3 =	vperm.xlane v3, v2  }
0x22a: {  	[hbm4b:s9+s4] =	stream.indirect_vreg.scatter [tilespmem:s23], [sflag:$0x2], $0x80, v4, vm0, $0xb8;
	[tilespmem:$0x10180] =	vst v63  }
0x22b: {  	v3 =	vadd.s32 v1, v3  }
0x22c: {  	[hbm4b:s10+s4] =	stream.indirect_vreg.scatter [tilespmem:s29], [sflag:$0x2], $0x80, v4, vm0, $0xb8;
	[tilespmem:$0x10180] =	vst v63  }
0x22d: {  	s24 =	simm.s32 $0x5900  }
0x22e: {  	[hbm4b:s11+s4] =	stream.indirect_vreg.scatter [tilespmem:s24], [sflag:$0x2], $0x80, v4, vm0, $0xb8;
	[tilespmem:$0x10180] =	vst v63  }
0x22f: {  	_ = 	snop  }
0x230: {  	[hbm4b:s5+s4] =	stream.indirect_vreg.scatter [tilespmem:s31], [sflag:$0x2], $0x80, v3, vm0, $0xb8;
	[tilespmem:$0x10180] =	vst v63  }
0x231: {  	s25 =	simm.s32 $0x6900  }
0x232: {  	[hbm4b:s9+s4] =	stream.indirect_vreg.scatter [tilespmem:s25], [sflag:$0x2], $0x80, v3, vm0, $0xb8;
	[tilespmem:$0x10180] =	vst v63  }
0x233: {  	s26 =	simm.s32 $0x7100  }
0x234: {  	[hbm4b:s10+s4] =	stream.indirect_vreg.scatter [tilespmem:s26], [sflag:$0x2], $0x80, v3, vm0, $0xb8;
	[tilespmem:$0x10180] =	vst v63  }
0x235: {  	s28 =	simm.s32 $0x7900  }
0x236: {  	[hbm4b:s11+s4] =	stream.indirect_vreg.scatter [tilespmem:s28], [sflag:$0x2], $0x80, v3, vm0, $0xb8;
	[tilespmem:$0x10180] =	vst v63  }
0x237: {  	v3 =	vld [tilespmem:$0xA0];
	_ =	sdelay $0x4  }
0x238: {  	v54 =	vshll.u32 v3, $0x3  }
0x239: {  	v3 =	vand.u32 $0x7, v3;
	v4 =	vand.u32 $0xFFFFFFC0, v54  }
0x23a: {  	v3 =	vor.u32 v3, v4  }
0x23b: {  	v4 =	vperm.xlane v3, v0;
	_ =	sdelay $0x1  }
0x23c: {  	v4 =	vadd.s32 v1, v4;
	_ =	sdelay $0x3  }
0x23d: {  	s29 =	simm.s32 $0x8100  }
0x23e: {  	[hbm4b:s5+s4] =	stream.indirect_vreg.scatter [tilespmem:s29], [sflag:$0x2], $0x80, v4, vm0, $0xb8;
	[tilespmem:$0x10180] =	vst v63  }
0x23f: {  	s31 =	simm.s32 $0x8900;
	v3 =	vperm.xlane v3, v2  }
0x240: {  	[hbm4b:s9+s4] =	stream.indirect_vreg.scatter [tilespmem:s31], [sflag:$0x2], $0x80, v4, vm0, $0xb8;
	[tilespmem:$0x10180] =	vst v63  }
0x241: {  	v3 =	vadd.s32 v1, v3  }
0x242: {  	[hbm4b:s10+s4] =	stream.indirect_vreg.scatter [tilespmem:s30], [sflag:$0x2], $0x80, v4, vm0, $0xb8;
	[tilespmem:$0x10180] =	vst v63  }
0x243: {  	_ = 	snop  }
0x244: {  	[hbm4b:s11+s4] =	stream.indirect_vreg.scatter [tilespmem:s14], [sflag:$0x2], $0x80, v4, vm0, $0xb8;
	[tilespmem:$0x10180] =	vst v63  }
0x245: {  	_ = 	snop  }
0x246: {  	[hbm4b:s5+s4] =	stream.indirect_vreg.scatter [tilespmem:s15], [sflag:$0x2], $0x80, v3, vm0, $0xb8;
	[tilespmem:$0x10180] =	vst v63  }
0x247: {  	_ = 	snop  }
0x248: {  	[hbm4b:s9+s4] =	stream.indirect_vreg.scatter [tilespmem:s16], [sflag:$0x2], $0x80, v3, vm0, $0xb8;
	[tilespmem:$0x10180] =	vst v63  }
0x249: {  	_ = 	snop  }
0x24a: {  	[hbm4b:s10+s4] =	stream.indirect_vreg.scatter [tilespmem:s17], [sflag:$0x2], $0x80, v3, vm0, $0xb8;
	[tilespmem:$0x10180] =	vst v63  }
0x24b: {  	_ = 	snop  }
0x24c: {  	[hbm4b:s11+s4] =	stream.indirect_vreg.scatter [tilespmem:s2], [sflag:$0x2], $0x80, v3, vm0, $0xb8;
	[tilespmem:$0x10180] =	vst v63  }
0x24d: {  	v3 =	vld [tilespmem:$0xB0];
	_ =	sdelay $0x4  }
0x24e: {  	v55 =	vshll.u32 v3, $0x3  }
0x24f: {  	v3 =	vand.u32 $0x7, v3;
	v4 =	vand.u32 $0xFFFFFFC0, v55  }
0x250: {  	v3 =	vor.u32 v3, v4  }
0x251: {  	v4 =	vperm.xlane v3, v0;
	_ =	sdelay $0x1  }
0x252: {  	v4 =	vadd.s32 v1, v4;
	_ =	sdelay $0x4  }
0x253: {  	[hbm4b:s5+s4] =	stream.indirect_vreg.scatter [tilespmem:s12], [sflag:$0x2], $0x80, v4, vm0, $0xb8;
	[tilespmem:$0x10180] =	vst v63  }
0x254: {  	s14 =	simm.s32 $0xC900;
	v3 =	vperm.xlane v3, v2  }
0x255: {  	[hbm4b:s9+s4] =	stream.indirect_vreg.scatter [tilespmem:s14], [sflag:$0x2], $0x80, v4, vm0, $0xb8;
	[tilespmem:$0x10180] =	vst v63  }
0x256: {  	v3 =	vadd.s32 v1, v3  }
0x257: {  	[hbm4b:s10+s4] =	stream.indirect_vreg.scatter [tilespmem:s18], [sflag:$0x2], $0x80, v4, vm0, $0xb8;
	[tilespmem:$0x10180] =	vst v63  }
0x258: {  	_ = 	snop  }
0x259: {  	[hbm4b:s11+s4] =	stream.indirect_vreg.scatter [tilespmem:s19], [sflag:$0x2], $0x80, v4, vm0, $0xb8;
	[tilespmem:$0x10180] =	vst v63  }
0x25a: {  	_ = 	snop  }
0x25b: {  	[hbm4b:s5+s4] =	stream.indirect_vreg.scatter [tilespmem:s20], [sflag:$0x2], $0x80, v3, vm0, $0xb8;
	[tilespmem:$0x10180] =	vst v63  }
0x25c: {  	_ = 	snop  }
0x25d: {  	[hbm4b:s9+s4] =	stream.indirect_vreg.scatter [tilespmem:s21], [sflag:$0x2], $0x80, v3, vm0, $0xb8;
	[tilespmem:$0x10180] =	vst v63  }
0x25e: {  	_ = 	snop  }
0x25f: {  	[hbm4b:s10+s4] =	stream.indirect_vreg.scatter [tilespmem:s22], [sflag:$0x2], $0x80, v3, vm0, $0xb8;
	[tilespmem:$0x10180] =	vst v63  }
0x260: {  	s16 =	simm.s32 $0xF900  }
0x261: {  	[hbm4b:s11+s4] =	stream.indirect_vreg.scatter [tilespmem:s16], [sflag:$0x2], $0x80, v3, vm0, $0xb8;
	[tilespmem:$0x10180] =	vst v63  }
0x262: {  	_ =	swait.ge [sflag:s3], $0x10000  }
0x263: {  	[sflag:s3] =	ssyncset.done $0x0  }
0x264: {  	s19 =	simm.s32 $0x40;
	[sflag:s3] =	ssyncadd.s32 $0xFFFF0000  }
0x265: {  	s20 =	simm.s32 $0x80;
	s21 =	simm.s32 $0x10100;
	s18 =	rddreg [dreg:$0x2]  }
0x266: {  	[hbm4b:s18+s19] =	stream.indirect.scatter [tilespmem:s21], [sflag:$0x2], $0x1, s20, s19, $0xb8;
	[tilespmem:$0x10180] =	vst v63  }
0x267: {  	_ =	swait.ge [sflag:s3], $0x40  }
0x268: {  	[sflag:s3] =	ssyncset.done $0x0  }
0x269: {  	s22 =	rddreg [dreg:$0xd];
	[sflag:s3] =	ssyncadd.s32 $0xFFFFFFC0  }
0x26a: {  	[tilespmem:s4], [sflag:$0x3] =	stream.linear.gather [hbm4b:s22+s4], $0x40, $0x38;
	[tilespmem:$0x10180] =	vst v63  }
0x26b: {  	_ =	swait.ge [sflag:s13], $0x40  }
0x26c: {  	[sflag:s13] =	ssyncset.done $0x0  }
0x26d: {  	s2 =	rddreg [dreg:$0xe];
	[sflag:s13] =	ssyncadd.s32 $0xFFFFFFC0  }
0x26e: {  	[tilespmem:s20], [sflag:$0x3] =	stream.linear.gather [hbm4b:s2+s4], $0x40, $0x38;
	[tilespmem:$0x10180] =	vst v63  }
0x26f: {  	_ =	swait.ge [sflag:s13], $0x40  }
0x270: {  	[sflag:s13] =	ssyncset.done $0x0  }
0x271: {  	s12 =	rddreg [dreg:$0xf];
	[sflag:s13] =	ssyncadd.s32 $0xFFFFFFC0  }
0x272: {  	[tilespmem:s21], [sflag:$0x3] =	stream.linear.gather [hbm4b:s12+s4], $0x40, $0x38;
	[tilespmem:$0x10180] =	vst v63  }
0x273: {  	_ =	swait.ge [sflag:s13], $0x40  }
0x274: {  	[sflag:s13] =	ssyncset.done $0x0  }
0x275: {  	[sflag:s13] =	ssyncadd.s32 $0xFFFFFFC0  }
0x276: {  	v3 =	vld [tilespmem:$0x0];
	_ =	sdelay $0x4  }
0x277: {  	v56 =	vshll.u32 v3, $0x3  }
0x278: {  	v3 =	vand.u32 $0x7, v3;
	v4 =	vand.u32 $0xFFFFFFC0, v56  }
0x279: {  	v3 =	vor.u32 v3, v4  }
0x27a: {  	v4 =	vperm.xlane v3, v0;
	_ =	sdelay $0x1  }
0x27b: {  	v4 =	vadd.s32 v1, v4;
	_ =	sdelay $0x3  }
0x27c: {  	s19 =	simm.s32 $0x100  }
0x27d: {  	[tilespmem:s19], [sflag:$0x1] =	stream.indirect_vreg.gather [hbm4b:s1+s4], $0x80, v4, vm0, $0xb8;
	[tilespmem:$0x10180] =	vst v63  }
0x27e: {  	s20 =	simm.s32 $0x900;
	v3 =	vperm.xlane v3, v2  }
0x27f: {  	[tilespmem:s20], [sflag:$0x1] =	stream.indirect_vreg.gather [hbm4b:s6+s4], $0x80, v4, vm0, $0xb8;
	[tilespmem:$0x10180] =	vst v63  }
0x280: {  	s22 =	simm.s32 $0x1100;
	v3 =	vadd.s32 v1, v3  }
0x281: {  	[tilespmem:s22], [sflag:$0x1] =	stream.indirect_vreg.gather [hbm4b:s7+s4], $0x80, v4, vm0, $0xb8;
	[tilespmem:$0x10180] =	vst v63  }
0x282: {  	s14 =	simm.s32 $0x1900  }
0x283: {  	[tilespmem:s14], [sflag:$0x1] =	stream.indirect_vreg.gather [hbm4b:s8+s4], $0x80, v4, vm0, $0xb8;
	[tilespmem:$0x10180] =	vst v63  }
0x284: {  	s16 =	simm.s32 $0x2100  }
0x285: {  	[tilespmem:s16], [sflag:$0x1] =	stream.indirect_vreg.gather [hbm4b:s1+s4], $0x80, v3, vm0, $0xb8;
	[tilespmem:$0x10180] =	vst v63  }
0x286: {  	s18 =	simm.s32 $0x2900  }
0x287: {  	[tilespmem:s18], [sflag:$0x1] =	stream.indirect_vreg.gather [hbm4b:s6+s4], $0x80, v3, vm0, $0xb8;
	[tilespmem:$0x10180] =	vst v63  }
0x288: {  	s21 =	simm.s32 $0x3100  }
0x289: {  	[tilespmem:s21], [sflag:$0x1] =	stream.indirect_vreg.gather [hbm4b:s7+s4], $0x80, v3, vm0, $0xb8;
	[tilespmem:$0x10180] =	vst v63  }
0x28a: {  	s30 =	simm.s32 $0x3900  }
0x28b: {  	[tilespmem:s30], [sflag:$0x1] =	stream.indirect_vreg.gather [hbm4b:s8+s4], $0x80, v3, vm0, $0xb8;
	[tilespmem:$0x10180] =	vst v63  }
0x28c: {  	v3 =	vld [tilespmem:$0x10];
	_ =	sdelay $0x4  }
0x28d: {  	v57 =	vshll.u32 v3, $0x3  }
0x28e: {  	v3 =	vand.u32 $0x7, v3;
	v4 =	vand.u32 $0xFFFFFFC0, v57  }
0x28f: {  	v3 =	vor.u32 v3, v4  }
0x290: {  	v4 =	vperm.xlane v3, v0;
	_ =	sdelay $0x1  }
0x291: {  	v4 =	vadd.s32 v1, v4;
	_ =	sdelay $0x3  }
0x292: {  	s31 =	simm.s32 $0x4100  }
0x293: {  	[tilespmem:s31], [sflag:$0x1] =	stream.indirect_vreg.gather [hbm4b:s1+s4], $0x80, v4, vm0, $0xb8;
	[tilespmem:$0x10180] =	vst v63  }
0x294: {  	s0 =	simm.s32 $0x4900;
	v3 =	vperm.xlane v3, v2  }
0x295: {  	[tilespmem:s0], [sflag:$0x1] =	stream.indirect_vreg.gather [hbm4b:s6+s4], $0x80, v4, vm0, $0xb8;
	[tilespmem:$0x10180] =	vst v63  }
0x296: {  	s12 =	simm.s32 $0x5100;
	v3 =	vadd.s32 v1, v3  }
0x297: {  	[tilespmem:s12], [sflag:$0x1] =	stream.indirect_vreg.gather [hbm4b:s7+s4], $0x80, v4, vm0, $0xb8;
	[tilespmem:$0x10180] =	vst v63  }
0x298: {  	s14 =	simm.s32 $0x5900  }
0x299: {  	[tilespmem:s14], [sflag:$0x1] =	stream.indirect_vreg.gather [hbm4b:s8+s4], $0x80, v4, vm0, $0xb8;
	[tilespmem:$0x10180] =	vst v63  }
0x29a: {  	s16 =	simm.s32 $0x6100  }
0x29b: {  	[tilespmem:s16], [sflag:$0x1] =	stream.indirect_vreg.gather [hbm4b:s1+s4], $0x80, v3, vm0, $0xb8;
	[tilespmem:$0x10180] =	vst v63  }
0x29c: {  	s30 =	simm.s32 $0x6900  }
0x29d: {  	[tilespmem:s30], [sflag:$0x1] =	stream.indirect_vreg.gather [hbm4b:s6+s4], $0x80, v3, vm0, $0xb8;
	[tilespmem:$0x10180] =	vst v63  }
0x29e: {  	s12 =	simm.s32 $0x7100  }
0x29f: {  	[tilespmem:s12], [sflag:$0x1] =	stream.indirect_vreg.gather [hbm4b:s7+s4], $0x80, v3, vm0, $0xb8;
	[tilespmem:$0x10180] =	vst v63  }
0x2a0: {  	s14 =	simm.s32 $0x7900  }
0x2a1: {  	[tilespmem:s14], [sflag:$0x1] =	stream.indirect_vreg.gather [hbm4b:s8+s4], $0x80, v3, vm0, $0xb8;
	[tilespmem:$0x10180] =	vst v63  }
0x2a2: {  	v3 =	vld [tilespmem:$0x20];
	_ =	sdelay $0x4  }
0x2a3: {  	v58 =	vshll.u32 v3, $0x3  }
0x2a4: {  	v3 =	vand.u32 $0x7, v3;
	v4 =	vand.u32 $0xFFFFFFC0, v58  }
0x2a5: {  	v3 =	vor.u32 v3, v4  }
0x2a6: {  	v4 =	vperm.xlane v3, v0;
	_ =	sdelay $0x1  }
0x2a7: {  	v4 =	vadd.s32 v1, v4;
	_ =	sdelay $0x3  }
0x2a8: {  	s16 =	simm.s32 $0x8100  }
0x2a9: {  	[tilespmem:s16], [sflag:$0x1] =	stream.indirect_vreg.gather [hbm4b:s1+s4], $0x80, v4, vm0, $0xb8;
	[tilespmem:$0x10180] =	vst v63  }
0x2aa: {  	s31 =	simm.s32 $0x8900;
	v3 =	vperm.xlane v3, v2  }
0x2ab: {  	[tilespmem:s31], [sflag:$0x1] =	stream.indirect_vreg.gather [hbm4b:s6+s4], $0x80, v4, vm0, $0xb8;
	[tilespmem:$0x10180] =	vst v63  }
0x2ac: {  	s23 =	simm.s32 $0x9100;
	v3 =	vadd.s32 v1, v3  }
0x2ad: {  	[tilespmem:s23], [sflag:$0x1] =	stream.indirect_vreg.gather [hbm4b:s7+s4], $0x80, v4, vm0, $0xb8;
	[tilespmem:$0x10180] =	vst v63  }
0x2ae: {  	s24 =	simm.s32 $0x9900  }
0x2af: {  	[tilespmem:s24], [sflag:$0x1] =	stream.indirect_vreg.gather [hbm4b:s8+s4], $0x80, v4, vm0, $0xb8;
	[tilespmem:$0x10180] =	vst v63  }
0x2b0: {  	s15 =	simm.s32 $0xA100  }
0x2b1: {  	[tilespmem:s15], [sflag:$0x1] =	stream.indirect_vreg.gather [hbm4b:s1+s4], $0x80, v3, vm0, $0xb8;
	[tilespmem:$0x10180] =	vst v63  }
0x2b2: {  	s25 =	simm.s32 $0xA900  }
0x2b3: {  	[tilespmem:s25], [sflag:$0x1] =	stream.indirect_vreg.gather [hbm4b:s6+s4], $0x80, v3, vm0, $0xb8;
	[tilespmem:$0x10180] =	vst v63  }
0x2b4: {  	s26 =	simm.s32 $0xB100  }
0x2b5: {  	[tilespmem:s26], [sflag:$0x1] =	stream.indirect_vreg.gather [hbm4b:s7+s4], $0x80, v3, vm0, $0xb8;
	[tilespmem:$0x10180] =	vst v63  }
0x2b6: {  	s17 =	simm.s32 $0xB900  }
0x2b7: {  	[tilespmem:s17], [sflag:$0x1] =	stream.indirect_vreg.gather [hbm4b:s8+s4], $0x80, v3, vm0, $0xb8;
	[tilespmem:$0x10180] =	vst v63  }
0x2b8: {  	v3 =	vld [tilespmem:$0x30];
	_ =	sdelay $0x4  }
0x2b9: {  	v59 =	vshll.u32 v3, $0x3  }
0x2ba: {  	v3 =	vand.u32 $0x7, v3;
	v4 =	vand.u32 $0xFFFFFFC0, v59  }
0x2bb: {  	v3 =	vor.u32 v3, v4  }
0x2bc: {  	v4 =	vperm.xlane v3, v0;
	_ =	sdelay $0x1  }
0x2bd: {  	v4 =	vadd.s32 v1, v4;
	_ =	sdelay $0x3  }
0x2be: {  	s18 =	simm.s32 $0xC100  }
0x2bf: {  	[tilespmem:s18], [sflag:$0x1] =	stream.indirect_vreg.gather [hbm4b:s1+s4], $0x80, v4, vm0, $0xb8;
	[tilespmem:$0x10180] =	vst v63  }
0x2c0: {  	s15 =	simm.s32 $0xC900;
	v3 =	vperm.xlane v3, v2  }
0x2c1: {  	[tilespmem:s15], [sflag:$0x1] =	stream.indirect_vreg.gather [hbm4b:s6+s4], $0x80, v4, vm0, $0xb8;
	[tilespmem:$0x10180] =	vst v63  }
0x2c2: {  	s28 =	simm.s32 $0xD100;
	v3 =	vadd.s32 v1, v3  }
0x2c3: {  	[tilespmem:s28], [sflag:$0x1] =	stream.indirect_vreg.gather [hbm4b:s7+s4], $0x80, v4, vm0, $0xb8;
	[tilespmem:$0x10180] =	vst v63  }
0x2c4: {  	s29 =	simm.s32 $0xD900  }
0x2c5: {  	[tilespmem:s29], [sflag:$0x1] =	stream.indirect_vreg.gather [hbm4b:s8+s4], $0x80, v4, vm0, $0xb8;
	[tilespmem:$0x10180] =	vst v63  }
0x2c6: {  	s2 =	simm.s32 $0xE100  }
0x2c7: {  	[tilespmem:s2], [sflag:$0x1] =	stream.indirect_vreg.gather [hbm4b:s1+s4], $0x80, v3, vm0, $0xb8;
	[tilespmem:$0x10180] =	vst v63  }
0x2c8: {  	s17 =	simm.s32 $0xE900  }
0x2c9: {  	[tilespmem:s17], [sflag:$0x1] =	stream.indirect_vreg.gather [hbm4b:s6+s4], $0x80, v3, vm0, $0xb8;
	[tilespmem:$0x10180] =	vst v63  }
0x2ca: {  	s18 =	simm.s32 $0xF100  }
0x2cb: {  	[tilespmem:s18], [sflag:$0x1] =	stream.indirect_vreg.gather [hbm4b:s7+s4], $0x80, v3, vm0, $0xb8;
	[tilespmem:$0x10180] =	vst v63  }
0x2cc: {  	s21 =	simm.s32 $0xF900;
	s0 =	simm.s32 $0x1  }
0x2cd: {  	[tilespmem:s21], [sflag:$0x1] =	stream.indirect_vreg.gather [hbm4b:s8+s4], $0x80, v3, vm0, $0xb8;
	[tilespmem:$0x10180] =	vst v63  }
0x2ce: {  	_ =	swait.ge [sflag:s0], $0x10000  }
0x2cf: {  	[sflag:s0] =	ssyncset.done $0x0  }
0x2d0: {  	[sflag:s0] =	ssyncadd.s32 $0xFFFF0000  }
0x2d1: {  	v3 =	vld [tilespmem:$0x80];
	_ =	sdelay $0x4  }
0x2d2: {  	v60 =	vshll.u32 v3, $0x3  }
0x2d3: {  	v3 =	vand.u32 $0x7, v3;
	v4 =	vand.u32 $0xFFFFFFC0, v60  }
0x2d4: {  	v3 =	vor.u32 v3, v4  }
0x2d5: {  	v4 =	vperm.xlane v3, v0;
	_ =	sdelay $0x1  }
0x2d6: {  	v4 =	vadd.s32 v1, v4;
	_ =	sdelay $0x4  }
0x2d7: {  	[hbm4b:s5+s4] =	stream.indirect_vreg.scatter [tilespmem:s19], [sflag:$0x2], $0x80, v4, vm0, $0xb8;
	[tilespmem:$0x10180] =	vst v63  }
0x2d8: {  	v3 =	vperm.xlane v3, v2  }
0x2d9: {  	[hbm4b:s9+s4] =	stream.indirect_vreg.scatter [tilespmem:s20], [sflag:$0x2], $0x80, v4, vm0, $0xb8;
	[tilespmem:$0x10180] =	vst v63  }
0x2da: {  	v3 =	vadd.s32 v1, v3  }
0x2db: {  	[hbm4b:s10+s4] =	stream.indirect_vreg.scatter [tilespmem:s22], [sflag:$0x2], $0x80, v4, vm0, $0xb8;
	[tilespmem:$0x10180] =	vst v63  }
0x2dc: {  	s20 =	simm.s32 $0x1900  }
0x2dd: {  	[hbm4b:s11+s4] =	stream.indirect_vreg.scatter [tilespmem:s20], [sflag:$0x2], $0x80, v4, vm0, $0xb8;
	[tilespmem:$0x10180] =	vst v63  }
0x2de: {  	s22 =	simm.s32 $0x2100  }
0x2df: {  	[hbm4b:s5+s4] =	stream.indirect_vreg.scatter [tilespmem:s22], [sflag:$0x2], $0x80, v3, vm0, $0xb8;
	[tilespmem:$0x10180] =	vst v63  }
0x2e0: {  	s19 =	simm.s32 $0x2900  }
0x2e1: {  	[hbm4b:s9+s4] =	stream.indirect_vreg.scatter [tilespmem:s19], [sflag:$0x2], $0x80, v3, vm0, $0xb8;
	[tilespmem:$0x10180] =	vst v63  }
0x2e2: {  	s20 =	simm.s32 $0x3100  }
0x2e3: {  	[hbm4b:s10+s4] =	stream.indirect_vreg.scatter [tilespmem:s20], [sflag:$0x2], $0x80, v3, vm0, $0xb8;
	[tilespmem:$0x10180] =	vst v63  }
0x2e4: {  	s22 =	simm.s32 $0x3900  }
0x2e5: {  	[hbm4b:s11+s4] =	stream.indirect_vreg.scatter [tilespmem:s22], [sflag:$0x2], $0x80, v3, vm0, $0xb8;
	[tilespmem:$0x10180] =	vst v63  }
0x2e6: {  	v3 =	vld [tilespmem:$0x90];
	_ =	sdelay $0x4  }
0x2e7: {  	v61 =	vshll.u32 v3, $0x3  }
0x2e8: {  	v3 =	vand.u32 $0x7, v3;
	v4 =	vand.u32 $0xFFFFFFC0, v61  }
0x2e9: {  	v3 =	vor.u32 v3, v4  }
0x2ea: {  	v4 =	vperm.xlane v3, v0;
	_ =	sdelay $0x1  }
0x2eb: {  	v4 =	vadd.s32 v1, v4;
	_ =	sdelay $0x3  }
0x2ec: {  	s19 =	simm.s32 $0x4100  }
0x2ed: {  	[hbm4b:s5+s4] =	stream.indirect_vreg.scatter [tilespmem:s19], [sflag:$0x2], $0x80, v4, vm0, $0xb8;
	[tilespmem:$0x10180] =	vst v63  }
0x2ee: {  	s20 =	simm.s32 $0x4900;
	v3 =	vperm.xlane v3, v2  }
0x2ef: {  	[hbm4b:s9+s4] =	stream.indirect_vreg.scatter [tilespmem:s20], [sflag:$0x2], $0x80, v4, vm0, $0xb8;
	[tilespmem:$0x10180] =	vst v63  }
0x2f0: {  	s22 =	simm.s32 $0x5100;
	v3 =	vadd.s32 v1, v3  }
0x2f1: {  	[hbm4b:s10+s4] =	stream.indirect_vreg.scatter [tilespmem:s22], [sflag:$0x2], $0x80, v4, vm0, $0xb8;
	[tilespmem:$0x10180] =	vst v63  }
0x2f2: {  	s19 =	simm.s32 $0x5900  }
0x2f3: {  	[hbm4b:s11+s4] =	stream.indirect_vreg.scatter [tilespmem:s19], [sflag:$0x2], $0x80, v4, vm0, $0xb8;
	[tilespmem:$0x10180] =	vst v63  }
0x2f4: {  	s22 =	simm.s32 $0x6100  }
0x2f5: {  	[hbm4b:s5+s4] =	stream.indirect_vreg.scatter [tilespmem:s22], [sflag:$0x2], $0x80, v3, vm0, $0xb8;
	[tilespmem:$0x10180] =	vst v63  }
0x2f6: {  	_ = 	snop  }
0x2f7: {  	[hbm4b:s9+s4] =	stream.indirect_vreg.scatter [tilespmem:s30], [sflag:$0x2], $0x80, v3, vm0, $0xb8;
	[tilespmem:$0x10180] =	vst v63  }
0x2f8: {  	_ = 	snop  }
0x2f9: {  	[hbm4b:s10+s4] =	stream.indirect_vreg.scatter [tilespmem:s12], [sflag:$0x2], $0x80, v3, vm0, $0xb8;
	[tilespmem:$0x10180] =	vst v63  }
0x2fa: {  	_ = 	snop  }
0x2fb: {  	[hbm4b:s11+s4] =	stream.indirect_vreg.scatter [tilespmem:s14], [sflag:$0x2], $0x80, v3, vm0, $0xb8;
	[tilespmem:$0x10180] =	vst v63  }
0x2fc: {  	v3 =	vld [tilespmem:$0xA0];
	_ =	sdelay $0x4  }
0x2fd: {  	v62 =	vshll.u32 v3, $0x3  }
0x2fe: {  	v3 =	vand.u32 $0x7, v3;
	v4 =	vand.u32 $0xFFFFFFC0, v62  }
0x2ff: {  	v3 =	vor.u32 v3, v4  }
0x300: {  	v4 =	vperm.xlane v3, v0;
	_ =	sdelay $0x1  }
0x301: {  	v4 =	vadd.s32 v1, v4;
	_ =	sdelay $0x4  }
0x302: {  	[hbm4b:s5+s4] =	stream.indirect_vreg.scatter [tilespmem:s16], [sflag:$0x2], $0x80, v4, vm0, $0xb8;
	[tilespmem:$0x10180] =	vst v63  }
0x303: {  	v3 =	vperm.xlane v3, v2  }
0x304: {  	[hbm4b:s9+s4] =	stream.indirect_vreg.scatter [tilespmem:s31], [sflag:$0x2], $0x80, v4, vm0, $0xb8;
	[tilespmem:$0x10180] =	vst v63  }
0x305: {  	s23 =	simm.s32 $0x9100;
	v3 =	vadd.s32 v1, v3  }
0x306: {  	[hbm4b:s10+s4] =	stream.indirect_vreg.scatter [tilespmem:s23], [sflag:$0x2], $0x80, v4, vm0, $0xb8;
	[tilespmem:$0x10180] =	vst v63  }
0x307: {  	s24 =	simm.s32 $0x9900  }
0x308: {  	[hbm4b:s11+s4] =	stream.indirect_vreg.scatter [tilespmem:s24], [sflag:$0x2], $0x80, v4, vm0, $0xb8;
	[tilespmem:$0x10180] =	vst v63  }
0x309: {  	s24 =	simm.s32 $0xA100  }
0x30a: {  	[hbm4b:s5+s4] =	stream.indirect_vreg.scatter [tilespmem:s24], [sflag:$0x2], $0x80, v3, vm0, $0xb8;
	[tilespmem:$0x10180] =	vst v63  }
0x30b: {  	s25 =	simm.s32 $0xA900  }
0x30c: {  	[hbm4b:s9+s4] =	stream.indirect_vreg.scatter [tilespmem:s25], [sflag:$0x2], $0x80, v3, vm0, $0xb8;
	[tilespmem:$0x10180] =	vst v63  }
0x30d: {  	s26 =	simm.s32 $0xB100  }
0x30e: {  	[hbm4b:s10+s4] =	stream.indirect_vreg.scatter [tilespmem:s26], [sflag:$0x2], $0x80, v3, vm0, $0xb8;
	[tilespmem:$0x10180] =	vst v63  }
0x30f: {  	s25 =	simm.s32 $0xB900  }
0x310: {  	[hbm4b:s11+s4] =	stream.indirect_vreg.scatter [tilespmem:s25], [sflag:$0x2], $0x80, v3, vm0, $0xb8;
	[tilespmem:$0x10180] =	vst v63  }
0x311: {  	v3 =	vld [tilespmem:$0xB0];
	_ =	sdelay $0x4  }
0x312: {  	v63 =	vshll.u32 v3, $0x3  }
0x313: {  	v3 =	vand.u32 $0x7, v3;
	v4 =	vand.u32 $0xFFFFFFC0, v63  }
0x314: {  	v3 =	vor.u32 v3, v4  }
0x315: {  	v4 =	vperm.xlane v3, v0;
	_ =	sdelay $0x1  }
0x316: {  	v4 =	vadd.s32 v1, v4;
	_ =	sdelay $0x3  }
0x317: {  	s26 =	simm.s32 $0xC100  }
0x318: {  	[hbm4b:s5+s4] =	stream.indirect_vreg.scatter [tilespmem:s26], [sflag:$0x2], $0x80, v4, vm0, $0xb8;
	[tilespmem:$0x10180] =	vst v63  }
0x319: {  	v3 =	vperm.xlane v3, v2  }
0x31a: {  	[hbm4b:s9+s4] =	stream.indirect_vreg.scatter [tilespmem:s15], [sflag:$0x2], $0x80, v4, vm0, $0xb8;
	[tilespmem:$0x10180] =	vst v63  }
0x31b: {  	s28 =	simm.s32 $0xD100;
	v3 =	vadd.s32 v1, v3  }
0x31c: {  	[hbm4b:s10+s4] =	stream.indirect_vreg.scatter [tilespmem:s28], [sflag:$0x2], $0x80, v4, vm0, $0xb8;
	[tilespmem:$0x10180] =	vst v63  }
0x31d: {  	s29 =	simm.s32 $0xD900  }
0x31e: {  	[hbm4b:s11+s4] =	stream.indirect_vreg.scatter [tilespmem:s29], [sflag:$0x2], $0x80, v4, vm0, $0xb8;
	[tilespmem:$0x10180] =	vst v63  }
0x31f: {  	_ = 	snop  }
0x320: {  	[hbm4b:s5+s4] =	stream.indirect_vreg.scatter [tilespmem:s2], [sflag:$0x2], $0x80, v3, vm0, $0xb8;
	[tilespmem:$0x10180] =	vst v63  }
0x321: {  	_ = 	snop  }
0x322: {  	[hbm4b:s9+s4] =	stream.indirect_vreg.scatter [tilespmem:s17], [sflag:$0x2], $0x80, v3, vm0, $0xb8;
	[tilespmem:$0x10180] =	vst v63  }
0x323: {  	_ = 	snop  }
0x324: {  	[hbm4b:s10+s4] =	stream.indirect_vreg.scatter [tilespmem:s18], [sflag:$0x2], $0x80, v3, vm0, $0xb8;
	[tilespmem:$0x10180] =	vst v63  }
0x325: {  	_ = 	snop  }
0x326: {  	[hbm4b:s11+s4] =	stream.indirect_vreg.scatter [tilespmem:s21], [sflag:$0x2], $0x80, v3, vm0, $0xb8;
	[tilespmem:$0x10180] =	vst v63  }
0x327: {  	s20 =	rddreg [dreg:$0x10];
	_ =	swait.ge [sflag:s3], $0x10000  }
0x328: {  	p0 =	sne.s32 s20, $0x1;
	[sflag:s3] =	ssyncset.done $0x0  }
0x329: {  	s30 =	simm.s32 $0x80;
	s31 =	simm.s32 $0x10100;
	[sflag:s3] =	ssyncadd.s32 $0xFFFF0000  }
.Ltmp0:
0x32a: {  	s28 =	simm.s32 $0x40;
	s29 =	rddreg [dreg:$0x2];
	(pc) =	sbr.rel @p0 .LBB2_1-.Ltmp0, $4  }
0x32b: {  	[hbm4b:s29+s28] =	stream.indirect.scatter [tilespmem:s31], [sflag:$0x2], $0x1, s30, s28, $0xb8;
	[tilespmem:$0x10180] =	vst v63  }
0x32c: {  	_ =	swait.ge [sflag:s3], $0x40  }
0x32d: {  	[sflag:s3] =	ssyncset.done $0x0  }
0x32e: {  	s0 =	sadd.s32 $0xFFFFFFFF, s20;
	[sflag:s3] =	ssyncadd.s32 $0xFFFFFFC0  }
0x32f: {  	_ =	sfence.sel $0x180000  }
0x330: {  	[bflag:$0x0] =	sbarrier.arrive $0xFFFF  }
0x331: {  	_ =	strace $0x90000047  }
0x332: {  	s0 =	stileid.u32;
	[bflag:$0x2] =	sbarrier.arrive $0xFFFF  }
0x333: {  	p0 =	sne.s32 s0, $0x0;
	s0 =	rddreg [dreg:$0x3]  }
0x334: {  	s0 =	sadd.s32 @!p0 $0x100000, s0  }
0x335: {  	[sflag:s0] =	ssyncadd.tile.s32 @!p0 $0x1;
	_ =	shalt  }
.Lfunc_end2:
_tile_overlayer_lowered:
.L_overlay_start_2:
0x336: {  	(tag) =	ssettag $0x2  }
0x337: {  	s0 =	rddreg [dreg:$0x0];
	s2 =	stileid.u32  }
0x338: {  	s1 =	rddreg [dreg:$0x1];
	p0 =	sne.s32 s2, $0x0  }
0x339: {  	s3 =	rddreg [dreg:$0x2];
	[bflag:$0x3] =	sbarrier.arrive $0xFFFF;
	s2 =	simm.s32 @!p0 $0x1C03  }
0x33a: {  	[timem:s3], [sflag:s2] =	dma.local @!p0 [hbm:s0], s1  }
0x33b: {  	s0 =	simm.s32 @!p0 $0x3  }
0x33c: {  	_ =	swait.ge @!p0 [sflag:s0], s1  }
0x33d: {  	s1 =	ssub.s32 @!p0 $0x0, s1;
	[sflag:s0] =	ssyncset.done @!p0 $0x0  }
0x33e: {  	[sflag:s0] =	ssyncadd.s32 @!p0 s1  }
0x33f: {  	[bflag:$0x3] =	sbarrier.arrive $0xFFFF  }
0x340: {  	_ =	shalt  }

</sc_bundles>
